<compile_context>
chip_gen: v7x
topology: tpu7x:2x2x1
jax: 0.10.2.dev20260603
libtpu: 0.0.44.dev20260713+nightly
codegen_flags: <defaults>
</compile_context>

<pallas_src>
import jax
import jax.numpy as jnp
from jax import lax
from jax.experimental import pallas as pl
from jax.experimental.pallas import tpu as pltpu
from jax.experimental.pallas import tpu_sc as plsc

_B, _T, _N, _D = 8, 16, 196, 768
_RVECS = _D // 16
_GROWS = 48
_NTAIL = _N - 4 * _GROWS
_NB = 6
_LEAD = 3


def _sc_body(x_hbm, tbl_hbm, out_hbm, tbl_v, tail_v, tail_t,
             bufs, sins, souts, s_tl, s_tt):
    wid = lax.axis_index("c") * 16 + lax.axis_index("s")
    b = wid // 4
    g = lax.rem(wid, 4)
    n0 = _GROWS * g

    def add_row(v, tref, row):
        @plsc.parallel_loop(0, _RVECS, 1, unroll=2)
        def add(i):
            tv = tref[row, pl.ds(i * 16, 16)]
            for t in range(_T):
                plsc.addupdate(v.at[t, pl.ds(i * 16, 16)], tv)

    pltpu.sync_copy(tbl_hbm.at[pl.ds(n0, _GROWS), :], tbl_v)

    n_tail = 4 * _GROWS + g
    pltpu.async_copy(x_hbm.at[b, n_tail], tail_v, s_tl)
    pltpu.async_copy(
        tbl_hbm.at[pl.ds(4 * _GROWS, _NTAIL), :], tail_t, s_tt
    )

    for r in range(_LEAD):
        pltpu.async_copy(x_hbm.at[b, n0 + r], bufs[r], sins[r])

    @pl.loop(0, _GROWS, step=_NB)
    def jobs(jbase):
        for r in range(_NB):
            j = jbase + r
            v, s_in, s_out = bufs[r], sins[r], souts[r]
            pltpu.make_async_copy(x_hbm.at[b, n0 + j], v, s_in).wait()
            add_row(v, tbl_v, j)
            pltpu.async_copy(v, out_hbm.at[b, n0 + j], s_out)

            jn = j + _LEAD
            rn = (r + _LEAD) % _NB

            @pl.when(jn < _GROWS)
            def _():
                @pl.when(jn >= _NB)
                def _():
                    pltpu.make_async_copy(
                        bufs[rn], out_hbm.at[b, n0 + jn - _NB], souts[rn]
                    ).wait()

                pltpu.async_copy(x_hbm.at[b, n0 + jn], bufs[rn], sins[rn])

    for r in range(_NB):
        j = _GROWS - _NB + r
        pltpu.make_async_copy(
            bufs[r], out_hbm.at[b, n0 + j], souts[r]
        ).wait()

    pltpu.make_async_copy(x_hbm.at[b, n_tail], tail_v, s_tl).wait()
    pltpu.make_async_copy(
        tbl_hbm.at[pl.ds(4 * _GROWS, _NTAIL), :], tail_t, s_tt
    ).wait()
    add_row(tail_v, tail_t, g)
    pltpu.sync_copy(tail_v, out_hbm.at[b, n_tail])


def kernel(encoded_tokens, pos_table):
    B, T, N, D = encoded_tokens.shape
    xt = jnp.transpose(encoded_tokens, (0, 2, 1, 3))
    mesh = plsc.VectorSubcoreMesh(core_axis_name="c", subcore_axis_name="s")
    run = pl.kernel(
        _sc_body,
        mesh=mesh,
        out_type=jax.ShapeDtypeStruct((B, N, T, D), jnp.float32),
        scratch_types=[
            pltpu.VMEM((_GROWS, _D), jnp.float32),
            pltpu.VMEM((_T, _D), jnp.float32),
            pltpu.VMEM((_NTAIL, _D), jnp.float32),
            [pltpu.VMEM((_T, _D), jnp.float32) for _ in range(_NB)],
            [pltpu.SemaphoreType.DMA for _ in range(_NB)],
            [pltpu.SemaphoreType.DMA for _ in range(_NB)],
            pltpu.SemaphoreType.DMA,
            pltpu.SemaphoreType.DMA,
        ],
    )
    out_t = run(xt, pos_table)
    return jnp.transpose(out_t, (0, 2, 1, 3))

# --- scband reference (transcript-rebuilt; emitter-appended) ---
"""Pipeline reference for scband-positional-encoder-24610162606452 (READ-ONLY COPY).

The authoritative reference and input builder live on the scoring server;
editing this copy changes nothing except your own understanding.
"""

import jax, jax.numpy as jnp
import numpy as np

NUM_TOKENS = 196
EMBED_DIM = 768

def setup_inputs(seed: int = 0) -> dict:
    key = jax.random.key(seed)
    k1, k2 = jax.random.split(key)
    encoded_tokens = jax.random.normal(k1, (8, 16, NUM_TOKENS, EMBED_DIM), dtype=jnp.float32)
    # Embedding table as created by keras.layers.Embedding(input_dim=num_tokens, output_dim=embed_dim)
    pos_table = jax.random.uniform(k2, (NUM_TOKENS, EMBED_DIM), minval=-0.05, maxval=0.05, dtype=jnp.float32)
    return {"encoded_tokens": encoded_tokens, "pos_table": pos_table}

def reference(encoded_tokens, pos_table):
    num_tokens = encoded_tokens.shape[2]
    positions = jnp.arange(num_tokens)
    encoded_positions = jnp.take(pos_table, positions, axis=0)  # [num_tokens, embed_dim]
    # broadcast add over leading [B, T] dims
    return encoded_tokens + encoded_positions

if __name__ == "__main__":
    import jax
    _d = setup_inputs()
    print(jax.jit(kernel)(*tuple(_d.values())))

</pallas_src>

<mosaic_0001>
#map = affine_map<(d0, d1) -> (0, 0, 0, 0)>
#map1 = affine_map<(d0, d1) -> (0, 0)>
module attributes {stable_mosaic.version = 14 : i64} {
  func.func @_sc_body(%arg0: i32, %arg1: i32, %arg2: memref<8x196x16x768xf32, #tpu.memory_space<hbm>>, %arg3: memref<196x768xf32, #tpu.memory_space<hbm>>, %arg4: memref<8x196x16x768xf32, #tpu.memory_space<hbm>>, %arg5: memref<48x768xf32, #tpu.memory_space<vmem>>, %arg6: memref<16x768xf32, #tpu.memory_space<vmem>>, %arg7: memref<4x768xf32, #tpu.memory_space<vmem>>, %arg8: memref<16x768xf32, #tpu.memory_space<vmem>>, %arg9: memref<16x768xf32, #tpu.memory_space<vmem>>, %arg10: memref<16x768xf32, #tpu.memory_space<vmem>>, %arg11: memref<16x768xf32, #tpu.memory_space<vmem>>, %arg12: memref<16x768xf32, #tpu.memory_space<vmem>>, %arg13: memref<16x768xf32, #tpu.memory_space<vmem>>, %arg14: memref<!tpu.dma_semaphore, #tpu.memory_space<semaphore_mem>>, %arg15: memref<!tpu.dma_semaphore, #tpu.memory_space<semaphore_mem>>, %arg16: memref<!tpu.dma_semaphore, #tpu.memory_space<semaphore_mem>>, %arg17: memref<!tpu.dma_semaphore, #tpu.memory_space<semaphore_mem>>, %arg18: memref<!tpu.dma_semaphore, #tpu.memory_space<semaphore_mem>>, %arg19: memref<!tpu.dma_semaphore, #tpu.memory_space<semaphore_mem>>, %arg20: memref<!tpu.dma_semaphore, #tpu.memory_space<semaphore_mem>>, %arg21: memref<!tpu.dma_semaphore, #tpu.memory_space<semaphore_mem>>, %arg22: memref<!tpu.dma_semaphore, #tpu.memory_space<semaphore_mem>>, %arg23: memref<!tpu.dma_semaphore, #tpu.memory_space<semaphore_mem>>, %arg24: memref<!tpu.dma_semaphore, #tpu.memory_space<semaphore_mem>>, %arg25: memref<!tpu.dma_semaphore, #tpu.memory_space<semaphore_mem>>, %arg26: memref<!tpu.dma_semaphore, #tpu.memory_space<semaphore_mem>>, %arg27: memref<!tpu.dma_semaphore, #tpu.memory_space<semaphore_mem>>) attributes {dimension_semantics = [#tpu.dimension_semantics<core_parallel>, #tpu.dimension_semantics<subcore_parallel>], iteration_bounds = array<i64: 2, 16>, scalar_prefetch = 0 : i64, scratch_operands = 23 : i64, tpu.core_type = #tpu.core_type<sc_vector_subcore>, window_params = [{transform_indices = #map}, {transform_indices = #map1}, {transform_indices = #map}]} {
    %mul3A = arith.constant 16 : i32
    %mul3A_0 = arith.muli %arg0, %mul3A : i32
    %add3A = arith.addi %mul3A_0, %arg1 : i32
    %jit3A = arith.constant 4 : i32
    %div3A = arith.divsi %add3A, %jit3A : i32
    %sign3A = arith.constant 0 : i32
    %sign3A_1 = arith.cmpi sgt, %add3A, %sign3A : i32
    %sign3A_2 = arith.extui %sign3A_1 : i1 to i32
    %sign3A_3 = arith.constant 0 : i32
    %sign3A_4 = arith.cmpi slt, %add3A, %sign3A_3 : i32
    %sign3A_5 = arith.extui %sign3A_4 : i1 to i32
    %sign3A_6 = arith.subi %sign3A_2, %sign3A_5 : i32
    %sign3A_7 = arith.constant 0 : i32
    %sign3A_8 = arith.cmpi sgt, %jit3A, %sign3A_7 : i32
    %sign3A_9 = arith.extui %sign3A_8 : i1 to i32
    %sign3A_10 = arith.constant 0 : i32
    %sign3A_11 = arith.cmpi slt, %jit3A, %sign3A_10 : i32
    %sign3A_12 = arith.extui %sign3A_11 : i1 to i32
    %sign3A_13 = arith.subi %sign3A_9, %sign3A_12 : i32
    %ne3A = arith.cmpi ne, %sign3A_6, %sign3A_13 : i32
    %rem3A = arith.remsi %add3A, %jit3A : i32
    %ne3A_14 = arith.constant 0 : i32
    %ne3A_15 = arith.cmpi ne, %rem3A, %ne3A_14 : i32
    %and3A = arith.andi %ne3A, %ne3A_15 : i1
    %sub3A = arith.constant 1 : i32
    %sub3A_16 = arith.subi %div3A, %sub3A : i32
    %select_n3A = arith.select %and3A, %sub3A_16, %div3A : i32
    %rem3A_17 = arith.constant 4 : i32
    %rem3A_18 = arith.remsi %add3A, %rem3A_17 : i32
    %mul3A_19 = arith.constant 48 : i32
    %mul3A_20 = arith.muli %mul3A_19, %rem3A_18 : i32
    "tpu.region"() ({
      %run_scoped3A = tpu.sem_alloc : memref<!tpu.dma_semaphore, #tpu.memory_space<semaphore_mem>>
      %dma_start3A_145 = arith.constant 0 : i32
      %dma_start3A_146 = tpu.memref_slice %arg3[%mul3A_20, %dma_start3A_145] : memref<196x768xf32, #tpu.memory_space<hbm>> -> memref<48x768xf32, #tpu.memory_space<hbm>>
      %dma_start3A_147 = arith.constant 0 : i32
      %dma_start3A_148 = tpu.memref_slice %arg3[%mul3A_20, %dma_start3A_147] : memref<196x768xf32, #tpu.memory_space<hbm>> -> memref<48x768xf32, #tpu.memory_space<hbm>>
      tpu.enqueue_dma source(%dma_start3A_148 : memref<48x768xf32, #tpu.memory_space<hbm>>) target(%arg5 : memref<48x768xf32, #tpu.memory_space<vmem>>) target_semaphore(%run_scoped3A : memref<!tpu.dma_semaphore, #tpu.memory_space<semaphore_mem>>)
      %dma_wait3A_149 = arith.constant 0 : i32
      %dma_wait3A_150 = tpu.memref_slice %arg3[%mul3A_20, %dma_wait3A_149] : memref<196x768xf32, #tpu.memory_space<hbm>> -> memref<48x768xf32, #tpu.memory_space<hbm>>
      %dma_wait3A_151 = arith.constant 0 : i32
      %dma_wait3A_152 = tpu.memref_slice %arg3[%mul3A_20, %dma_wait3A_151] : memref<196x768xf32, #tpu.memory_space<hbm>> -> memref<48x768xf32, #tpu.memory_space<hbm>>
      tpu.wait_dma2 semaphore(%run_scoped3A : memref<!tpu.dma_semaphore, #tpu.memory_space<semaphore_mem>>) src(%dma_wait3A_152 : memref<48x768xf32, #tpu.memory_space<hbm>>) dst(%arg5 : memref<48x768xf32, #tpu.memory_space<vmem>>)
      tpu.yield
    }) : () -> ()
    %add3A_21 = arith.constant 192 : i32
    %add3A_22 = arith.addi %add3A_21, %rem3A_18 : i32
    %dma_start3A = arith.constant 0 : i32
    %dma_start3A_23 = arith.constant 0 : i32
    %dma_start3A_24 = tpu.memref_slice %arg2[%select_n3A, %add3A_22, %dma_start3A, %dma_start3A_23] : memref<8x196x16x768xf32, #tpu.memory_space<hbm>> -> memref<1x1x16x768xf32, #tpu.memory_space<hbm>>
    %dma_start3A_25 = tpu.memref_squeeze %dma_start3A_24 : memref<1x1x16x768xf32, #tpu.memory_space<hbm>> -> memref<16x768xf32, #tpu.memory_space<hbm>>
    %dma_start3A_26 = arith.constant 0 : i32
    %dma_start3A_27 = arith.constant 0 : i32
    %dma_start3A_28 = tpu.memref_slice %arg2[%select_n3A, %add3A_22, %dma_start3A_26, %dma_start3A_27] : memref<8x196x16x768xf32, #tpu.memory_space<hbm>> -> memref<1x1x16x768xf32, #tpu.memory_space<hbm>>
    %dma_start3A_29 = tpu.memref_squeeze %dma_start3A_28 : memref<1x1x16x768xf32, #tpu.memory_space<hbm>> -> memref<16x768xf32, #tpu.memory_space<hbm>>
    tpu.enqueue_dma source(%dma_start3A_29 : memref<16x768xf32, #tpu.memory_space<hbm>>) target(%arg6 : memref<16x768xf32, #tpu.memory_space<vmem>>) target_semaphore(%arg26 : memref<!tpu.dma_semaphore, #tpu.memory_space<semaphore_mem>>)
    %dma_start3A_30 = arith.constant 192 : i32
    %dma_start3A_31 = arith.constant 0 : i32
    %dma_start3A_32 = tpu.memref_slice %arg3[%dma_start3A_30, %dma_start3A_31] : memref<196x768xf32, #tpu.memory_space<hbm>> -> memref<4x768xf32, #tpu.memory_space<hbm>>
    %dma_start3A_33 = arith.constant 192 : i32
    %dma_start3A_34 = arith.constant 0 : i32
    %dma_start3A_35 = tpu.memref_slice %arg3[%dma_start3A_33, %dma_start3A_34] : memref<196x768xf32, #tpu.memory_space<hbm>> -> memref<4x768xf32, #tpu.memory_space<hbm>>
    tpu.enqueue_dma source(%dma_start3A_35 : memref<4x768xf32, #tpu.memory_space<hbm>>) target(%arg7 : memref<4x768xf32, #tpu.memory_space<vmem>>) target_semaphore(%arg27 : memref<!tpu.dma_semaphore, #tpu.memory_space<semaphore_mem>>)
    %add3A_36 = arith.constant 0 : i32
    %add3A_37 = arith.addi %mul3A_20, %add3A_36 : i32
    %dma_start3A_38 = arith.constant 0 : i32
    %dma_start3A_39 = arith.constant 0 : i32
    %dma_start3A_40 = tpu.memref_slice %arg2[%select_n3A, %add3A_37, %dma_start3A_38, %dma_start3A_39] : memref<8x196x16x768xf32, #tpu.memory_space<hbm>> -> memref<1x1x16x768xf32, #tpu.memory_space<hbm>>
    %dma_start3A_41 = tpu.memref_squeeze %dma_start3A_40 : memref<1x1x16x768xf32, #tpu.memory_space<hbm>> -> memref<16x768xf32, #tpu.memory_space<hbm>>
    %dma_start3A_42 = arith.constant 0 : i32
    %dma_start3A_43 = arith.constant 0 : i32
    %dma_start3A_44 = tpu.memref_slice %arg2[%select_n3A, %add3A_37, %dma_start3A_42, %dma_start3A_43] : memref<8x196x16x768xf32, #tpu.memory_space<hbm>> -> memref<1x1x16x768xf32, #tpu.memory_space<hbm>>
    %dma_start3A_45 = tpu.memref_squeeze %dma_start3A_44 : memref<1x1x16x768xf32, #tpu.memory_space<hbm>> -> memref<16x768xf32, #tpu.memory_space<hbm>>
    tpu.enqueue_dma source(%dma_start3A_45 : memref<16x768xf32, #tpu.memory_space<hbm>>) target(%arg8 : memref<16x768xf32, #tpu.memory_space<vmem>>) target_semaphore(%arg14 : memref<!tpu.dma_semaphore, #tpu.memory_space<semaphore_mem>>)
    %add3A_46 = arith.constant 1 : i32
    %add3A_47 = arith.addi %mul3A_20, %add3A_46 : i32
    %dma_start3A_48 = arith.constant 0 : i32
    %dma_start3A_49 = arith.constant 0 : i32
    %dma_start3A_50 = tpu.memref_slice %arg2[%select_n3A, %add3A_47, %dma_start3A_48, %dma_start3A_49] : memref<8x196x16x768xf32, #tpu.memory_space<hbm>> -> memref<1x1x16x768xf32, #tpu.memory_space<hbm>>
    %dma_start3A_51 = tpu.memref_squeeze %dma_start3A_50 : memref<1x1x16x768xf32, #tpu.memory_space<hbm>> -> memref<16x768xf32, #tpu.memory_space<hbm>>
    %dma_start3A_52 = arith.constant 0 : i32
    %dma_start3A_53 = arith.constant 0 : i32
    %dma_start3A_54 = tpu.memref_slice %arg2[%select_n3A, %add3A_47, %dma_start3A_52, %dma_start3A_53] : memref<8x196x16x768xf32, #tpu.memory_space<hbm>> -> memref<1x1x16x768xf32, #tpu.memory_space<hbm>>
    %dma_start3A_55 = tpu.memref_squeeze %dma_start3A_54 : memref<1x1x16x768xf32, #tpu.memory_space<hbm>> -> memref<16x768xf32, #tpu.memory_space<hbm>>
    tpu.enqueue_dma source(%dma_start3A_55 : memref<16x768xf32, #tpu.memory_space<hbm>>) target(%arg9 : memref<16x768xf32, #tpu.memory_space<vmem>>) target_semaphore(%arg15 : memref<!tpu.dma_semaphore, #tpu.memory_space<semaphore_mem>>)
    %add3A_56 = arith.constant 2 : i32
    %add3A_57 = arith.addi %mul3A_20, %add3A_56 : i32
    %dma_start3A_58 = arith.constant 0 : i32
    %dma_start3A_59 = arith.constant 0 : i32
    %dma_start3A_60 = tpu.memref_slice %arg2[%select_n3A, %add3A_57, %dma_start3A_58, %dma_start3A_59] : memref<8x196x16x768xf32, #tpu.memory_space<hbm>> -> memref<1x1x16x768xf32, #tpu.memory_space<hbm>>
    %dma_start3A_61 = tpu.memref_squeeze %dma_start3A_60 : memref<1x1x16x768xf32, #tpu.memory_space<hbm>> -> memref<16x768xf32, #tpu.memory_space<hbm>>
    %dma_start3A_62 = arith.constant 0 : i32
    %dma_start3A_63 = arith.constant 0 : i32
    %dma_start3A_64 = tpu.memref_slice %arg2[%select_n3A, %add3A_57, %dma_start3A_62, %dma_start3A_63] : memref<8x196x16x768xf32, #tpu.memory_space<hbm>> -> memref<1x1x16x768xf32, #tpu.memory_space<hbm>>
    %dma_start3A_65 = tpu.memref_squeeze %dma_start3A_64 : memref<1x1x16x768xf32, #tpu.memory_space<hbm>> -> memref<16x768xf32, #tpu.memory_space<hbm>>
    tpu.enqueue_dma source(%dma_start3A_65 : memref<16x768xf32, #tpu.memory_space<hbm>>) target(%arg10 : memref<16x768xf32, #tpu.memory_space<vmem>>) target_semaphore(%arg16 : memref<!tpu.dma_semaphore, #tpu.memory_space<semaphore_mem>>)
    %scan3A = arith.constant 0 : i32
    %scan3A_66 = arith.constant 8 : i32
    %scan3A_67 = arith.addi %scan3A, %scan3A_66 : i32
    %scan3A_68 = arith.constant 1 : i32
    scf.for %scan3A_145 = %scan3A to %scan3A_67 step %scan3A_68  : i32 {
      %mul3A_146 = arith.constant 6 : i32
      %mul3A_147 = arith.muli %scan3A_145, %mul3A_146 : i32
      %add3A_148 = arith.constant 0 : i32
      %add3A_149 = arith.addi %add3A_148, %mul3A_147 : i32
      %add3A_150 = arith.constant 0 : i32
      %add3A_151 = arith.addi %add3A_149, %add3A_150 : i32
      %add3A_152 = arith.addi %mul3A_20, %add3A_151 : i32
      %dma_wait3A_153 = arith.constant 0 : i32
      %dma_wait3A_154 = arith.constant 0 : i32
      %dma_wait3A_155 = tpu.memref_slice %arg2[%select_n3A, %add3A_152, %dma_wait3A_153, %dma_wait3A_154] : memref<8x196x16x768xf32, #tpu.memory_space<hbm>> -> memref<1x1x16x768xf32, #tpu.memory_space<hbm>>
      %dma_wait3A_156 = tpu.memref_squeeze %dma_wait3A_155 : memref<1x1x16x768xf32, #tpu.memory_space<hbm>> -> memref<16x768xf32, #tpu.memory_space<hbm>>
      %dma_wait3A_157 = arith.constant 0 : i32
      %dma_wait3A_158 = arith.constant 0 : i32
      %dma_wait3A_159 = tpu.memref_slice %arg2[%select_n3A, %add3A_152, %dma_wait3A_157, %dma_wait3A_158] : memref<8x196x16x768xf32, #tpu.memory_space<hbm>> -> memref<1x1x16x768xf32, #tpu.memory_space<hbm>>
      %dma_wait3A_160 = tpu.memref_squeeze %dma_wait3A_159 : memref<1x1x16x768xf32, #tpu.memory_space<hbm>> -> memref<16x768xf32, #tpu.memory_space<hbm>>
      tpu.wait_dma2 semaphore(%arg14 : memref<!tpu.dma_semaphore, #tpu.memory_space<semaphore_mem>>) src(%dma_wait3A_160 : memref<16x768xf32, #tpu.memory_space<hbm>>) dst(%arg8 : memref<16x768xf32, #tpu.memory_space<vmem>>)
      %parallel_loop3A_161 = arith.constant 0 : i32
      %parallel_loop3A_162 = arith.constant 48 : i32
      %parallel_loop3A_163 = arith.constant 1 : i32
      scf.for %parallel_loop3A_327 = %parallel_loop3A_161 to %parallel_loop3A_162 step %parallel_loop3A_163  : i32 {
        %parallel_loop3A_328 = arith.constant 16 : i32
        %parallel_loop3A_329 = arith.muli %parallel_loop3A_327, %parallel_loop3A_328 : i32
        %parallel_loop3A_330 = arith.index_cast %add3A_151 : i32 to index
        %parallel_loop3A_331 = arith.index_cast %parallel_loop3A_329 : i32 to index
        %parallel_loop3A_332 = tpu.vector_load %arg5[%parallel_loop3A_330, %parallel_loop3A_331] {strides = array<i32>} : memref<48x768xf32, #tpu.memory_space<vmem>>, vector<1x16xf32>,
        %parallel_loop3A_333 = vector.shape_cast %parallel_loop3A_332 : vector<1x16xf32> to vector<16xf32>
        %parallel_loop3A_334 = arith.constant 16 : i32
        %parallel_loop3A_335 = arith.muli %parallel_loop3A_327, %parallel_loop3A_334 : i32
        %parallel_loop3A_336 = arith.constant 0 : i32
        %parallel_loop3A_337 = arith.index_cast %parallel_loop3A_336 : i32 to index
        %parallel_loop3A_338 = arith.index_cast %parallel_loop3A_335 : i32 to index
        %parallel_loop3A_339 = tpu.vector_load %arg8[%parallel_loop3A_337, %parallel_loop3A_338] {strides = array<i32>} : memref<16x768xf32, #tpu.memory_space<vmem>>, vector<1x16xf32>,
        %parallel_loop3A_340 = vector.shape_cast %parallel_loop3A_339 : vector<1x16xf32> to vector<16xf32>
        %parallel_loop3A_341 = vector.shape_cast %parallel_loop3A_333 : vector<16xf32> to vector<1x16xf32>
        tpu.vector_store %arg8[%parallel_loop3A_337, %parallel_loop3A_338], %parallel_loop3A_341 {add = true, strides = array<i32>} : memref<16x768xf32, #tpu.memory_space<vmem>>, vector<1x16xf32>,
        %parallel_loop3A_342 = arith.constant 16 : i32
        %parallel_loop3A_343 = arith.muli %parallel_loop3A_327, %parallel_loop3A_342 : i32
        %parallel_loop3A_344 = arith.constant 1 : i32
        %parallel_loop3A_345 = arith.index_cast %parallel_loop3A_344 : i32 to index
        %parallel_loop3A_346 = arith.index_cast %parallel_loop3A_343 : i32 to index
        %parallel_loop3A_347 = tpu.vector_load %arg8[%parallel_loop3A_345, %parallel_loop3A_346] {strides = array<i32>} : memref<16x768xf32, #tpu.memory_space<vmem>>, vector<1x16xf32>,
        %parallel_loop3A_348 = vector.shape_cast %parallel_loop3A_347 : vector<1x16xf32> to vector<16xf32>
        %parallel_loop3A_349 = vector.shape_cast %parallel_loop3A_333 : vector<16xf32> to vector<1x16xf32>
        tpu.vector_store %arg8[%parallel_loop3A_345, %parallel_loop3A_346], %parallel_loop3A_349 {add = true, strides = array<i32>} : memref<16x768xf32, #tpu.memory_space<vmem>>, vector<1x16xf32>,
        %parallel_loop3A_350 = arith.constant 16 : i32
        %parallel_loop3A_351 = arith.muli %parallel_loop3A_327, %parallel_loop3A_350 : i32
        %parallel_loop3A_352 = arith.constant 2 : i32
        %parallel_loop3A_353 = arith.index_cast %parallel_loop3A_352 : i32 to index
        %parallel_loop3A_354 = arith.index_cast %parallel_loop3A_351 : i32 to index
        %parallel_loop3A_355 = tpu.vector_load %arg8[%parallel_loop3A_353, %parallel_loop3A_354] {strides = array<i32>} : memref<16x768xf32, #tpu.memory_space<vmem>>, vector<1x16xf32>,
        %parallel_loop3A_356 = vector.shape_cast %parallel_loop3A_355 : vector<1x16xf32> to vector<16xf32>
        %parallel_loop3A_357 = vector.shape_cast %parallel_loop3A_333 : vector<16xf32> to vector<1x16xf32>
        tpu.vector_store %arg8[%parallel_loop3A_353, %parallel_loop3A_354], %parallel_loop3A_357 {add = true, strides = array<i32>} : memref<16x768xf32, #tpu.memory_space<vmem>>, vector<1x16xf32>,
        %parallel_loop3A_358 = arith.constant 16 : i32
        %parallel_loop3A_359 = arith.muli %parallel_loop3A_327, %parallel_loop3A_358 : i32
        %parallel_loop3A_360 = arith.constant 3 : i32
        %parallel_loop3A_361 = arith.index_cast %parallel_loop3A_360 : i32 to index
        %parallel_loop3A_362 = arith.index_cast %parallel_loop3A_359 : i32 to index
        %parallel_loop3A_363 = tpu.vector_load %arg8[%parallel_loop3A_361, %parallel_loop3A_362] {strides = array<i32>} : memref<16x768xf32, #tpu.memory_space<vmem>>, vector<1x16xf32>,
        %parallel_loop3A_364 = vector.shape_cast %parallel_loop3A_363 : vector<1x16xf32> to vector<16xf32>
        %parallel_loop3A_365 = vector.shape_cast %parallel_loop3A_333 : vector<16xf32> to vector<1x16xf32>
        tpu.vector_store %arg8[%parallel_loop3A_361, %parallel_loop3A_362], %parallel_loop3A_365 {add = true, strides = array<i32>} : memref<16x768xf32, #tpu.memory_space<vmem>>, vector<1x16xf32>,
        %parallel_loop3A_366 = arith.constant 16 : i32
        %parallel_loop3A_367 = arith.muli %parallel_loop3A_327, %parallel_loop3A_366 : i32
        %parallel_loop3A_368 = arith.constant 4 : i32
        %parallel_loop3A_369 = arith.index_cast %parallel_loop3A_368 : i32 to index
        %parallel_loop3A_370 = arith.index_cast %parallel_loop3A_367 : i32 to index
        %parallel_loop3A_371 = tpu.vector_load %arg8[%parallel_loop3A_369, %parallel_loop3A_370] {strides = array<i32>} : memref<16x768xf32, #tpu.memory_space<vmem>>, vector<1x16xf32>,
        %parallel_loop3A_372 = vector.shape_cast %parallel_loop3A_371 : vector<1x16xf32> to vector<16xf32>
        %parallel_loop3A_373 = vector.shape_cast %parallel_loop3A_333 : vector<16xf32> to vector<1x16xf32>
        tpu.vector_store %arg8[%parallel_loop3A_369, %parallel_loop3A_370], %parallel_loop3A_373 {add = true, strides = array<i32>} : memref<16x768xf32, #tpu.memory_space<vmem>>, vector<1x16xf32>,
        %parallel_loop3A_374 = arith.constant 16 : i32
        %parallel_loop3A_375 = arith.muli %parallel_loop3A_327, %parallel_loop3A_374 : i32
        %parallel_loop3A_376 = arith.constant 5 : i32
        %parallel_loop3A_377 = arith.index_cast %parallel_loop3A_376 : i32 to index
        %parallel_loop3A_378 = arith.index_cast %parallel_loop3A_375 : i32 to index
        %parallel_loop3A_379 = tpu.vector_load %arg8[%parallel_loop3A_377, %parallel_loop3A_378] {strides = array<i32>} : memref<16x768xf32, #tpu.memory_space<vmem>>, vector<1x16xf32>,
        %parallel_loop3A_380 = vector.shape_cast %parallel_loop3A_379 : vector<1x16xf32> to vector<16xf32>
        %parallel_loop3A_381 = vector.shape_cast %parallel_loop3A_333 : vector<16xf32> to vector<1x16xf32>
        tpu.vector_store %arg8[%parallel_loop3A_377, %parallel_loop3A_378], %parallel_loop3A_381 {add = true, strides = array<i32>} : memref<16x768xf32, #tpu.memory_space<vmem>>, vector<1x16xf32>,
        %parallel_loop3A_382 = arith.constant 16 : i32
        %parallel_loop3A_383 = arith.muli %parallel_loop3A_327, %parallel_loop3A_382 : i32
        %parallel_loop3A_384 = arith.constant 6 : i32
        %parallel_loop3A_385 = arith.index_cast %parallel_loop3A_384 : i32 to index
        %parallel_loop3A_386 = arith.index_cast %parallel_loop3A_383 : i32 to index
        %parallel_loop3A_387 = tpu.vector_load %arg8[%parallel_loop3A_385, %parallel_loop3A_386] {strides = array<i32>} : memref<16x768xf32, #tpu.memory_space<vmem>>, vector<1x16xf32>,
        %parallel_loop3A_388 = vector.shape_cast %parallel_loop3A_387 : vector<1x16xf32> to vector<16xf32>
        %parallel_loop3A_389 = vector.shape_cast %parallel_loop3A_333 : vector<16xf32> to vector<1x16xf32>
        tpu.vector_store %arg8[%parallel_loop3A_385, %parallel_loop3A_386], %parallel_loop3A_389 {add = true, strides = array<i32>} : memref<16x768xf32, #tpu.memory_space<vmem>>, vector<1x16xf32>,
        %parallel_loop3A_390 = arith.constant 16 : i32
        %parallel_loop3A_391 = arith.muli %parallel_loop3A_327, %parallel_loop3A_390 : i32
        %parallel_loop3A_392 = arith.constant 7 : i32
        %parallel_loop3A_393 = arith.index_cast %parallel_loop3A_392 : i32 to index
        %parallel_loop3A_394 = arith.index_cast %parallel_loop3A_391 : i32 to index
        %parallel_loop3A_395 = tpu.vector_load %arg8[%parallel_loop3A_393, %parallel_loop3A_394] {strides = array<i32>} : memref<16x768xf32, #tpu.memory_space<vmem>>, vector<1x16xf32>,
        %parallel_loop3A_396 = vector.shape_cast %parallel_loop3A_395 : vector<1x16xf32> to vector<16xf32>
        %parallel_loop3A_397 = vector.shape_cast %parallel_loop3A_333 : vector<16xf32> to vector<1x16xf32>
        tpu.vector_store %arg8[%parallel_loop3A_393, %parallel_loop3A_394], %parallel_loop3A_397 {add = true, strides = array<i32>} : memref<16x768xf32, #tpu.memory_space<vmem>>, vector<1x16xf32>,
        %parallel_loop3A_398 = arith.constant 16 : i32
        %parallel_loop3A_399 = arith.muli %parallel_loop3A_327, %parallel_loop3A_398 : i32
        %parallel_loop3A_400 = arith.constant 8 : i32
        %parallel_loop3A_401 = arith.index_cast %parallel_loop3A_400 : i32 to index
        %parallel_loop3A_402 = arith.index_cast %parallel_loop3A_399 : i32 to index
        %parallel_loop3A_403 = tpu.vector_load %arg8[%parallel_loop3A_401, %parallel_loop3A_402] {strides = array<i32>} : memref<16x768xf32, #tpu.memory_space<vmem>>, vector<1x16xf32>,
        %parallel_loop3A_404 = vector.shape_cast %parallel_loop3A_403 : vector<1x16xf32> to vector<16xf32>
        %parallel_loop3A_405 = vector.shape_cast %parallel_loop3A_333 : vector<16xf32> to vector<1x16xf32>
        tpu.vector_store %arg8[%parallel_loop3A_401, %parallel_loop3A_402], %parallel_loop3A_405 {add = true, strides = array<i32>} : memref<16x768xf32, #tpu.memory_space<vmem>>, vector<1x16xf32>,
        %parallel_loop3A_406 = arith.constant 16 : i32
        %parallel_loop3A_407 = arith.muli %parallel_loop3A_327, %parallel_loop3A_406 : i32
        %parallel_loop3A_408 = arith.constant 9 : i32
        %parallel_loop3A_409 = arith.index_cast %parallel_loop3A_408 : i32 to index
        %parallel_loop3A_410 = arith.index_cast %parallel_loop3A_407 : i32 to index
        %parallel_loop3A_411 = tpu.vector_load %arg8[%parallel_loop3A_409, %parallel_loop3A_410] {strides = array<i32>} : memref<16x768xf32, #tpu.memory_space<vmem>>, vector<1x16xf32>,
        %parallel_loop3A_412 = vector.shape_cast %parallel_loop3A_411 : vector<1x16xf32> to vector<16xf32>
        %parallel_loop3A_413 = vector.shape_cast %parallel_loop3A_333 : vector<16xf32> to vector<1x16xf32>
        tpu.vector_store %arg8[%parallel_loop3A_409, %parallel_loop3A_410], %parallel_loop3A_413 {add = true, strides = array<i32>} : memref<16x768xf32, #tpu.memory_space<vmem>>, vector<1x16xf32>,
        %parallel_loop3A_414 = arith.constant 16 : i32
        %parallel_loop3A_415 = arith.muli %parallel_loop3A_327, %parallel_loop3A_414 : i32
        %parallel_loop3A_416 = arith.constant 10 : i32
        %parallel_loop3A_417 = arith.index_cast %parallel_loop3A_416 : i32 to index
        %parallel_loop3A_418 = arith.index_cast %parallel_loop3A_415 : i32 to index
        %parallel_loop3A_419 = tpu.vector_load %arg8[%parallel_loop3A_417, %parallel_loop3A_418] {strides = array<i32>} : memref<16x768xf32, #tpu.memory_space<vmem>>, vector<1x16xf32>,
        %parallel_loop3A_420 = vector.shape_cast %parallel_loop3A_419 : vector<1x16xf32> to vector<16xf32>
        %parallel_loop3A_421 = vector.shape_cast %parallel_loop3A_333 : vector<16xf32> to vector<1x16xf32>
        tpu.vector_store %arg8[%parallel_loop3A_417, %parallel_loop3A_418], %parallel_loop3A_421 {add = true, strides = array<i32>} : memref<16x768xf32, #tpu.memory_space<vmem>>, vector<1x16xf32>,
        %parallel_loop3A_422 = arith.constant 16 : i32
        %parallel_loop3A_423 = arith.muli %parallel_loop3A_327, %parallel_loop3A_422 : i32
        %parallel_loop3A_424 = arith.constant 11 : i32
        %parallel_loop3A_425 = arith.index_cast %parallel_loop3A_424 : i32 to index
        %parallel_loop3A_426 = arith.index_cast %parallel_loop3A_423 : i32 to index
        %parallel_loop3A_427 = tpu.vector_load %arg8[%parallel_loop3A_425, %parallel_loop3A_426] {strides = array<i32>} : memref<16x768xf32, #tpu.memory_space<vmem>>, vector<1x16xf32>,
        %parallel_loop3A_428 = vector.shape_cast %parallel_loop3A_427 : vector<1x16xf32> to vector<16xf32>
        %parallel_loop3A_429 = vector.shape_cast %parallel_loop3A_333 : vector<16xf32> to vector<1x16xf32>
        tpu.vector_store %arg8[%parallel_loop3A_425, %parallel_loop3A_426], %parallel_loop3A_429 {add = true, strides = array<i32>} : memref<16x768xf32, #tpu.memory_space<vmem>>, vector<1x16xf32>,
        %parallel_loop3A_430 = arith.constant 16 : i32
        %parallel_loop3A_431 = arith.muli %parallel_loop3A_327, %parallel_loop3A_430 : i32
        %parallel_loop3A_432 = arith.constant 12 : i32
        %parallel_loop3A_433 = arith.index_cast %parallel_loop3A_432 : i32 to index
        %parallel_loop3A_434 = arith.index_cast %parallel_loop3A_431 : i32 to index
        %parallel_loop3A_435 = tpu.vector_load %arg8[%parallel_loop3A_433, %parallel_loop3A_434] {strides = array<i32>} : memref<16x768xf32, #tpu.memory_space<vmem>>, vector<1x16xf32>,
        %parallel_loop3A_436 = vector.shape_cast %parallel_loop3A_435 : vector<1x16xf32> to vector<16xf32>
        %parallel_loop3A_437 = vector.shape_cast %parallel_loop3A_333 : vector<16xf32> to vector<1x16xf32>
        tpu.vector_store %arg8[%parallel_loop3A_433, %parallel_loop3A_434], %parallel_loop3A_437 {add = true, strides = array<i32>} : memref<16x768xf32, #tpu.memory_space<vmem>>, vector<1x16xf32>,
        %parallel_loop3A_438 = arith.constant 16 : i32
        %parallel_loop3A_439 = arith.muli %parallel_loop3A_327, %parallel_loop3A_438 : i32
        %parallel_loop3A_440 = arith.constant 13 : i32
        %parallel_loop3A_441 = arith.index_cast %parallel_loop3A_440 : i32 to index
        %parallel_loop3A_442 = arith.index_cast %parallel_loop3A_439 : i32 to index
        %parallel_loop3A_443 = tpu.vector_load %arg8[%parallel_loop3A_441, %parallel_loop3A_442] {strides = array<i32>} : memref<16x768xf32, #tpu.memory_space<vmem>>, vector<1x16xf32>,
        %parallel_loop3A_444 = vector.shape_cast %parallel_loop3A_443 : vector<1x16xf32> to vector<16xf32>
        %parallel_loop3A_445 = vector.shape_cast %parallel_loop3A_333 : vector<16xf32> to vector<1x16xf32>
        tpu.vector_store %arg8[%parallel_loop3A_441, %parallel_loop3A_442], %parallel_loop3A_445 {add = true, strides = array<i32>} : memref<16x768xf32, #tpu.memory_space<vmem>>, vector<1x16xf32>,
        %parallel_loop3A_446 = arith.constant 16 : i32
        %parallel_loop3A_447 = arith.muli %parallel_loop3A_327, %parallel_loop3A_446 : i32
        %parallel_loop3A_448 = arith.constant 14 : i32
        %parallel_loop3A_449 = arith.index_cast %parallel_loop3A_448 : i32 to index
        %parallel_loop3A_450 = arith.index_cast %parallel_loop3A_447 : i32 to index
        %parallel_loop3A_451 = tpu.vector_load %arg8[%parallel_loop3A_449, %parallel_loop3A_450] {strides = array<i32>} : memref<16x768xf32, #tpu.memory_space<vmem>>, vector<1x16xf32>,
        %parallel_loop3A_452 = vector.shape_cast %parallel_loop3A_451 : vector<1x16xf32> to vector<16xf32>
        %parallel_loop3A_453 = vector.shape_cast %parallel_loop3A_333 : vector<16xf32> to vector<1x16xf32>
        tpu.vector_store %arg8[%parallel_loop3A_449, %parallel_loop3A_450], %parallel_loop3A_453 {add = true, strides = array<i32>} : memref<16x768xf32, #tpu.memory_space<vmem>>, vector<1x16xf32>,
        %parallel_loop3A_454 = arith.constant 16 : i32
        %parallel_loop3A_455 = arith.muli %parallel_loop3A_327, %parallel_loop3A_454 : i32
        %parallel_loop3A_456 = arith.constant 15 : i32
        %parallel_loop3A_457 = arith.index_cast %parallel_loop3A_456 : i32 to index
        %parallel_loop3A_458 = arith.index_cast %parallel_loop3A_455 : i32 to index
        %parallel_loop3A_459 = tpu.vector_load %arg8[%parallel_loop3A_457, %parallel_loop3A_458] {strides = array<i32>} : memref<16x768xf32, #tpu.memory_space<vmem>>, vector<1x16xf32>,
        %parallel_loop3A_460 = vector.shape_cast %parallel_loop3A_459 : vector<1x16xf32> to vector<16xf32>
        %parallel_loop3A_461 = vector.shape_cast %parallel_loop3A_333 : vector<16xf32> to vector<1x16xf32>
        tpu.vector_store %arg8[%parallel_loop3A_457, %parallel_loop3A_458], %parallel_loop3A_461 {add = true, strides = array<i32>} : memref<16x768xf32, #tpu.memory_space<vmem>>, vector<1x16xf32>,
      } {sc.loop_unroll_factor = 2 : i64, sc.parallel_access}
      %add3A_164 = arith.addi %mul3A_20, %add3A_151 : i32
      %dma_start3A_165 = arith.constant 0 : i32
      %dma_start3A_166 = arith.constant 0 : i32
      %dma_start3A_167 = tpu.memref_slice %arg4[%select_n3A, %add3A_164, %dma_start3A_165, %dma_start3A_166] : memref<8x196x16x768xf32, #tpu.memory_space<hbm>> -> memref<1x1x16x768xf32, #tpu.memory_space<hbm>>
      %dma_start3A_168 = tpu.memref_squeeze %dma_start3A_167 : memref<1x1x16x768xf32, #tpu.memory_space<hbm>> -> memref<16x768xf32, #tpu.memory_space<hbm>>
      %dma_start3A_169 = arith.constant 0 : i32
      %dma_start3A_170 = arith.constant 0 : i32
      %dma_start3A_171 = tpu.memref_slice %arg4[%select_n3A, %add3A_164, %dma_start3A_169, %dma_start3A_170] : memref<8x196x16x768xf32, #tpu.memory_space<hbm>> -> memref<1x1x16x768xf32, #tpu.memory_space<hbm>>
      %dma_start3A_172 = tpu.memref_squeeze %dma_start3A_171 : memref<1x1x16x768xf32, #tpu.memory_space<hbm>> -> memref<16x768xf32, #tpu.memory_space<hbm>>
      tpu.enqueue_dma source(%arg8 : memref<16x768xf32, #tpu.memory_space<vmem>>) target(%dma_start3A_172 : memref<16x768xf32, #tpu.memory_space<hbm>>) target_semaphore(%arg20 : memref<!tpu.dma_semaphore, #tpu.memory_space<semaphore_mem>>)
      %add3A_173 = arith.constant 3 : i32
      %add3A_174 = arith.addi %add3A_151, %add3A_173 : i32
      %lt3A = arith.constant 48 : i32
      %lt3A_175 = arith.cmpi slt, %add3A_174, %lt3A : i32
      %convert_element_type3A = arith.extui %lt3A_175 : i1 to i32
      %cond3A = arith.constant 0 : i32
      %cond3A_176 = arith.cmpi ne, %convert_element_type3A, %cond3A : i32
      scf.if %cond3A_176 {
        %ge3A = arith.constant 6 : i32
        %ge3A_327 = arith.cmpi sge, %add3A_174, %ge3A : i32
        %convert_element_type3A_328 = arith.extui %ge3A_327 : i1 to i32
        %cond3A_329 = arith.constant 0 : i32
        %cond3A_330 = arith.cmpi ne, %convert_element_type3A_328, %cond3A_329 : i32
        scf.if %cond3A_330 {
          %add3A_340 = arith.addi %mul3A_20, %add3A_174 : i32
          %sub3A_341 = arith.constant 6 : i32
          %sub3A_342 = arith.subi %add3A_340, %sub3A_341 : i32
          %dma_wait3A_343 = arith.constant 0 : i32
          %dma_wait3A_344 = arith.constant 0 : i32
          %dma_wait3A_345 = tpu.memref_slice %arg4[%select_n3A, %sub3A_342, %dma_wait3A_343, %dma_wait3A_344] : memref<8x196x16x768xf32, #tpu.memory_space<hbm>> -> memref<1x1x16x768xf32, #tpu.memory_space<hbm>>
          %dma_wait3A_346 = tpu.memref_squeeze %dma_wait3A_345 : memref<1x1x16x768xf32, #tpu.memory_space<hbm>> -> memref<16x768xf32, #tpu.memory_space<hbm>>
          %dma_wait3A_347 = arith.constant 0 : i32
          %dma_wait3A_348 = arith.constant 0 : i32
          %dma_wait3A_349 = tpu.memref_slice %arg4[%select_n3A, %sub3A_342, %dma_wait3A_347, %dma_wait3A_348] : memref<8x196x16x768xf32, #tpu.memory_space<hbm>> -> memref<1x1x16x768xf32, #tpu.memory_space<hbm>>
          %dma_wait3A_350 = tpu.memref_squeeze %dma_wait3A_349 : memref<1x1x16x768xf32, #tpu.memory_space<hbm>> -> memref<16x768xf32, #tpu.memory_space<hbm>>
          tpu.wait_dma2 semaphore(%arg23 : memref<!tpu.dma_semaphore, #tpu.memory_space<semaphore_mem>>) src(%arg11 : memref<16x768xf32, #tpu.memory_space<vmem>>) dst(%dma_wait3A_350 : memref<16x768xf32, #tpu.memory_space<hbm>>)
        } else {
        }
        %add3A_331 = arith.addi %mul3A_20, %add3A_174 : i32
        %dma_start3A_332 = arith.constant 0 : i32
        %dma_start3A_333 = arith.constant 0 : i32
        %dma_start3A_334 = tpu.memref_slice %arg2[%select_n3A, %add3A_331, %dma_start3A_332, %dma_start3A_333] : memref<8x196x16x768xf32, #tpu.memory_space<hbm>> -> memref<1x1x16x768xf32, #tpu.memory_space<hbm>>
        %dma_start3A_335 = tpu.memref_squeeze %dma_start3A_334 : memref<1x1x16x768xf32, #tpu.memory_space<hbm>> -> memref<16x768xf32, #tpu.memory_space<hbm>>
        %dma_start3A_336 = arith.constant 0 : i32
        %dma_start3A_337 = arith.constant 0 : i32
        %dma_start3A_338 = tpu.memref_slice %arg2[%select_n3A, %add3A_331, %dma_start3A_336, %dma_start3A_337] : memref<8x196x16x768xf32, #tpu.memory_space<hbm>> -> memref<1x1x16x768xf32, #tpu.memory_space<hbm>>
        %dma_start3A_339 = tpu.memref_squeeze %dma_start3A_338 : memref<1x1x16x768xf32, #tpu.memory_space<hbm>> -> memref<16x768xf32, #tpu.memory_space<hbm>>
        tpu.enqueue_dma source(%dma_start3A_339 : memref<16x768xf32, #tpu.memory_space<hbm>>) target(%arg11 : memref<16x768xf32, #tpu.memory_space<vmem>>) target_semaphore(%arg17 : memref<!tpu.dma_semaphore, #tpu.memory_space<semaphore_mem>>)
      } else {
      }
      %add3A_177 = arith.constant 1 : i32
      %add3A_178 = arith.addi %add3A_149, %add3A_177 : i32
      %add3A_179 = arith.addi %mul3A_20, %add3A_178 : i32
      %dma_wait3A_180 = arith.constant 0 : i32
      %dma_wait3A_181 = arith.constant 0 : i32
      %dma_wait3A_182 = tpu.memref_slice %arg2[%select_n3A, %add3A_179, %dma_wait3A_180, %dma_wait3A_181] : memref<8x196x16x768xf32, #tpu.memory_space<hbm>> -> memref<1x1x16x768xf32, #tpu.memory_space<hbm>>
      %dma_wait3A_183 = tpu.memref_squeeze %dma_wait3A_182 : memref<1x1x16x768xf32, #tpu.memory_space<hbm>> -> memref<16x768xf32, #tpu.memory_space<hbm>>
      %dma_wait3A_184 = arith.constant 0 : i32
      %dma_wait3A_185 = arith.constant 0 : i32
      %dma_wait3A_186 = tpu.memref_slice %arg2[%select_n3A, %add3A_179, %dma_wait3A_184, %dma_wait3A_185] : memref<8x196x16x768xf32, #tpu.memory_space<hbm>> -> memref<1x1x16x768xf32, #tpu.memory_space<hbm>>
      %dma_wait3A_187 = tpu.memref_squeeze %dma_wait3A_186 : memref<1x1x16x768xf32, #tpu.memory_space<hbm>> -> memref<16x768xf32, #tpu.memory_space<hbm>>
      tpu.wait_dma2 semaphore(%arg15 : memref<!tpu.dma_semaphore, #tpu.memory_space<semaphore_mem>>) src(%dma_wait3A_187 : memref<16x768xf32, #tpu.memory_space<hbm>>) dst(%arg9 : memref<16x768xf32, #tpu.memory_space<vmem>>)
      %parallel_loop3A_188 = arith.constant 0 : i32
      %parallel_loop3A_189 = arith.constant 48 : i32
      %parallel_loop3A_190 = arith.constant 1 : i32
      scf.for %parallel_loop3A_327 = %parallel_loop3A_188 to %parallel_loop3A_189 step %parallel_loop3A_190  : i32 {
        %parallel_loop3A_328 = arith.constant 16 : i32
        %parallel_loop3A_329 = arith.muli %parallel_loop3A_327, %parallel_loop3A_328 : i32
        %parallel_loop3A_330 = arith.index_cast %add3A_178 : i32 to index
        %parallel_loop3A_331 = arith.index_cast %parallel_loop3A_329 : i32 to index
        %parallel_loop3A_332 = tpu.vector_load %arg5[%parallel_loop3A_330, %parallel_loop3A_331] {strides = array<i32>} : memref<48x768xf32, #tpu.memory_space<vmem>>, vector<1x16xf32>,
        %parallel_loop3A_333 = vector.shape_cast %parallel_loop3A_332 : vector<1x16xf32> to vector<16xf32>
        %parallel_loop3A_334 = arith.constant 16 : i32
        %parallel_loop3A_335 = arith.muli %parallel_loop3A_327, %parallel_loop3A_334 : i32
        %parallel_loop3A_336 = arith.constant 0 : i32
        %parallel_loop3A_337 = arith.index_cast %parallel_loop3A_336 : i32 to index
        %parallel_loop3A_338 = arith.index_cast %parallel_loop3A_335 : i32 to index
        %parallel_loop3A_339 = tpu.vector_load %arg9[%parallel_loop3A_337, %parallel_loop3A_338] {strides = array<i32>} : memref<16x768xf32, #tpu.memory_space<vmem>>, vector<1x16xf32>,
        %parallel_loop3A_340 = vector.shape_cast %parallel_loop3A_339 : vector<1x16xf32> to vector<16xf32>
        %parallel_loop3A_341 = vector.shape_cast %parallel_loop3A_333 : vector<16xf32> to vector<1x16xf32>
        tpu.vector_store %arg9[%parallel_loop3A_337, %parallel_loop3A_338], %parallel_loop3A_341 {add = true, strides = array<i32>} : memref<16x768xf32, #tpu.memory_space<vmem>>, vector<1x16xf32>,
        %parallel_loop3A_342 = arith.constant 16 : i32
        %parallel_loop3A_343 = arith.muli %parallel_loop3A_327, %parallel_loop3A_342 : i32
        %parallel_loop3A_344 = arith.constant 1 : i32
        %parallel_loop3A_345 = arith.index_cast %parallel_loop3A_344 : i32 to index
        %parallel_loop3A_346 = arith.index_cast %parallel_loop3A_343 : i32 to index
        %parallel_loop3A_347 = tpu.vector_load %arg9[%parallel_loop3A_345, %parallel_loop3A_346] {strides = array<i32>} : memref<16x768xf32, #tpu.memory_space<vmem>>, vector<1x16xf32>,
        %parallel_loop3A_348 = vector.shape_cast %parallel_loop3A_347 : vector<1x16xf32> to vector<16xf32>
        %parallel_loop3A_349 = vector.shape_cast %parallel_loop3A_333 : vector<16xf32> to vector<1x16xf32>
        tpu.vector_store %arg9[%parallel_loop3A_345, %parallel_loop3A_346], %parallel_loop3A_349 {add = true, strides = array<i32>} : memref<16x768xf32, #tpu.memory_space<vmem>>, vector<1x16xf32>,
        %parallel_loop3A_350 = arith.constant 16 : i32
        %parallel_loop3A_351 = arith.muli %parallel_loop3A_327, %parallel_loop3A_350 : i32
        %parallel_loop3A_352 = arith.constant 2 : i32
        %parallel_loop3A_353 = arith.index_cast %parallel_loop3A_352 : i32 to index
        %parallel_loop3A_354 = arith.index_cast %parallel_loop3A_351 : i32 to index
        %parallel_loop3A_355 = tpu.vector_load %arg9[%parallel_loop3A_353, %parallel_loop3A_354] {strides = array<i32>} : memref<16x768xf32, #tpu.memory_space<vmem>>, vector<1x16xf32>,
        %parallel_loop3A_356 = vector.shape_cast %parallel_loop3A_355 : vector<1x16xf32> to vector<16xf32>
        %parallel_loop3A_357 = vector.shape_cast %parallel_loop3A_333 : vector<16xf32> to vector<1x16xf32>
        tpu.vector_store %arg9[%parallel_loop3A_353, %parallel_loop3A_354], %parallel_loop3A_357 {add = true, strides = array<i32>} : memref<16x768xf32, #tpu.memory_space<vmem>>, vector<1x16xf32>,
        %parallel_loop3A_358 = arith.constant 16 : i32
        %parallel_loop3A_359 = arith.muli %parallel_loop3A_327, %parallel_loop3A_358 : i32
        %parallel_loop3A_360 = arith.constant 3 : i32
        %parallel_loop3A_361 = arith.index_cast %parallel_loop3A_360 : i32 to index
        %parallel_loop3A_362 = arith.index_cast %parallel_loop3A_359 : i32 to index
        %parallel_loop3A_363 = tpu.vector_load %arg9[%parallel_loop3A_361, %parallel_loop3A_362] {strides = array<i32>} : memref<16x768xf32, #tpu.memory_space<vmem>>, vector<1x16xf32>,
        %parallel_loop3A_364 = vector.shape_cast %parallel_loop3A_363 : vector<1x16xf32> to vector<16xf32>
        %parallel_loop3A_365 = vector.shape_cast %parallel_loop3A_333 : vector<16xf32> to vector<1x16xf32>
        tpu.vector_store %arg9[%parallel_loop3A_361, %parallel_loop3A_362], %parallel_loop3A_365 {add = true, strides = array<i32>} : memref<16x768xf32, #tpu.memory_space<vmem>>, vector<1x16xf32>,
        %parallel_loop3A_366 = arith.constant 16 : i32
        %parallel_loop3A_367 = arith.muli %parallel_loop3A_327, %parallel_loop3A_366 : i32
        %parallel_loop3A_368 = arith.constant 4 : i32
        %parallel_loop3A_369 = arith.index_cast %parallel_loop3A_368 : i32 to index
        %parallel_loop3A_370 = arith.index_cast %parallel_loop3A_367 : i32 to index
        %parallel_loop3A_371 = tpu.vector_load %arg9[%parallel_loop3A_369, %parallel_loop3A_370] {strides = array<i32>} : memref<16x768xf32, #tpu.memory_space<vmem>>, vector<1x16xf32>,
        %parallel_loop3A_372 = vector.shape_cast %parallel_loop3A_371 : vector<1x16xf32> to vector<16xf32>
        %parallel_loop3A_373 = vector.shape_cast %parallel_loop3A_333 : vector<16xf32> to vector<1x16xf32>
        tpu.vector_store %arg9[%parallel_loop3A_369, %parallel_loop3A_370], %parallel_loop3A_373 {add = true, strides = array<i32>} : memref<16x768xf32, #tpu.memory_space<vmem>>, vector<1x16xf32>,
        %parallel_loop3A_374 = arith.constant 16 : i32
        %parallel_loop3A_375 = arith.muli %parallel_loop3A_327, %parallel_loop3A_374 : i32
        %parallel_loop3A_376 = arith.constant 5 : i32
        %parallel_loop3A_377 = arith.index_cast %parallel_loop3A_376 : i32 to index
        %parallel_loop3A_378 = arith.index_cast %parallel_loop3A_375 : i32 to index
        %parallel_loop3A_379 = tpu.vector_load %arg9[%parallel_loop3A_377, %parallel_loop3A_378] {strides = array<i32>} : memref<16x768xf32, #tpu.memory_space<vmem>>, vector<1x16xf32>,
        %parallel_loop3A_380 = vector.shape_cast %parallel_loop3A_379 : vector<1x16xf32> to vector<16xf32>
        %parallel_loop3A_381 = vector.shape_cast %parallel_loop3A_333 : vector<16xf32> to vector<1x16xf32>
        tpu.vector_store %arg9[%parallel_loop3A_377, %parallel_loop3A_378], %parallel_loop3A_381 {add = true, strides = array<i32>} : memref<16x768xf32, #tpu.memory_space<vmem>>, vector<1x16xf32>,
        %parallel_loop3A_382 = arith.constant 16 : i32
        %parallel_loop3A_383 = arith.muli %parallel_loop3A_327, %parallel_loop3A_382 : i32
        %parallel_loop3A_384 = arith.constant 6 : i32
        %parallel_loop3A_385 = arith.index_cast %parallel_loop3A_384 : i32 to index
        %parallel_loop3A_386 = arith.index_cast %parallel_loop3A_383 : i32 to index
        %parallel_loop3A_387 = tpu.vector_load %arg9[%parallel_loop3A_385, %parallel_loop3A_386] {strides = array<i32>} : memref<16x768xf32, #tpu.memory_space<vmem>>, vector<1x16xf32>,
        %parallel_loop3A_388 = vector.shape_cast %parallel_loop3A_387 : vector<1x16xf32> to vector<16xf32>
        %parallel_loop3A_389 = vector.shape_cast %parallel_loop3A_333 : vector<16xf32> to vector<1x16xf32>
        tpu.vector_store %arg9[%parallel_loop3A_385, %parallel_loop3A_386], %parallel_loop3A_389 {add = true, strides = array<i32>} : memref<16x768xf32, #tpu.memory_space<vmem>>, vector<1x16xf32>,
        %parallel_loop3A_390 = arith.constant 16 : i32
        %parallel_loop3A_391 = arith.muli %parallel_loop3A_327, %parallel_loop3A_390 : i32
        %parallel_loop3A_392 = arith.constant 7 : i32
        %parallel_loop3A_393 = arith.index_cast %parallel_loop3A_392 : i32 to index
        %parallel_loop3A_394 = arith.index_cast %parallel_loop3A_391 : i32 to index
        %parallel_loop3A_395 = tpu.vector_load %arg9[%parallel_loop3A_393, %parallel_loop3A_394] {strides = array<i32>} : memref<16x768xf32, #tpu.memory_space<vmem>>, vector<1x16xf32>,
        %parallel_loop3A_396 = vector.shape_cast %parallel_loop3A_395 : vector<1x16xf32> to vector<16xf32>
        %parallel_loop3A_397 = vector.shape_cast %parallel_loop3A_333 : vector<16xf32> to vector<1x16xf32>
        tpu.vector_store %arg9[%parallel_loop3A_393, %parallel_loop3A_394], %parallel_loop3A_397 {add = true, strides = array<i32>} : memref<16x768xf32, #tpu.memory_space<vmem>>, vector<1x16xf32>,
        %parallel_loop3A_398 = arith.constant 16 : i32
        %parallel_loop3A_399 = arith.muli %parallel_loop3A_327, %parallel_loop3A_398 : i32
        %parallel_loop3A_400 = arith.constant 8 : i32
        %parallel_loop3A_401 = arith.index_cast %parallel_loop3A_400 : i32 to index
        %parallel_loop3A_402 = arith.index_cast %parallel_loop3A_399 : i32 to index
        %parallel_loop3A_403 = tpu.vector_load %arg9[%parallel_loop3A_401, %parallel_loop3A_402] {strides = array<i32>} : memref<16x768xf32, #tpu.memory_space<vmem>>, vector<1x16xf32>,
        %parallel_loop3A_404 = vector.shape_cast %parallel_loop3A_403 : vector<1x16xf32> to vector<16xf32>
        %parallel_loop3A_405 = vector.shape_cast %parallel_loop3A_333 : vector<16xf32> to vector<1x16xf32>
        tpu.vector_store %arg9[%parallel_loop3A_401, %parallel_loop3A_402], %parallel_loop3A_405 {add = true, strides = array<i32>} : memref<16x768xf32, #tpu.memory_space<vmem>>, vector<1x16xf32>,
        %parallel_loop3A_406 = arith.constant 16 : i32
        %parallel_loop3A_407 = arith.muli %parallel_loop3A_327, %parallel_loop3A_406 : i32
        %parallel_loop3A_408 = arith.constant 9 : i32
        %parallel_loop3A_409 = arith.index_cast %parallel_loop3A_408 : i32 to index
        %parallel_loop3A_410 = arith.index_cast %parallel_loop3A_407 : i32 to index
        %parallel_loop3A_411 = tpu.vector_load %arg9[%parallel_loop3A_409, %parallel_loop3A_410] {strides = array<i32>} : memref<16x768xf32, #tpu.memory_space<vmem>>, vector<1x16xf32>,
        %parallel_loop3A_412 = vector.shape_cast %parallel_loop3A_411 : vector<1x16xf32> to vector<16xf32>
        %parallel_loop3A_413 = vector.shape_cast %parallel_loop3A_333 : vector<16xf32> to vector<1x16xf32>
        tpu.vector_store %arg9[%parallel_loop3A_409, %parallel_loop3A_410], %parallel_loop3A_413 {add = true, strides = array<i32>} : memref<16x768xf32, #tpu.memory_space<vmem>>, vector<1x16xf32>,
        %parallel_loop3A_414 = arith.constant 16 : i32
        %parallel_loop3A_415 = arith.muli %parallel_loop3A_327, %parallel_loop3A_414 : i32
        %parallel_loop3A_416 = arith.constant 10 : i32
        %parallel_loop3A_417 = arith.index_cast %parallel_loop3A_416 : i32 to index
        %parallel_loop3A_418 = arith.index_cast %parallel_loop3A_415 : i32 to index
        %parallel_loop3A_419 = tpu.vector_load %arg9[%parallel_loop3A_417, %parallel_loop3A_418] {strides = array<i32>} : memref<16x768xf32, #tpu.memory_space<vmem>>, vector<1x16xf32>,
        %parallel_loop3A_420 = vector.shape_cast %parallel_loop3A_419 : vector<1x16xf32> to vector<16xf32>
        %parallel_loop3A_421 = vector.shape_cast %parallel_loop3A_333 : vector<16xf32> to vector<1x16xf32>
        tpu.vector_store %arg9[%parallel_loop3A_417, %parallel_loop3A_418], %parallel_loop3A_421 {add = true, strides = array<i32>} : memref<16x768xf32, #tpu.memory_space<vmem>>, vector<1x16xf32>,
        %parallel_loop3A_422 = arith.constant 16 : i32
        %parallel_loop3A_423 = arith.muli %parallel_loop3A_327, %parallel_loop3A_422 : i32
        %parallel_loop3A_424 = arith.constant 11 : i32
        %parallel_loop3A_425 = arith.index_cast %parallel_loop3A_424 : i32 to index
        %parallel_loop3A_426 = arith.index_cast %parallel_loop3A_423 : i32 to index
        %parallel_loop3A_427 = tpu.vector_load %arg9[%parallel_loop3A_425, %parallel_loop3A_426] {strides = array<i32>} : memref<16x768xf32, #tpu.memory_space<vmem>>, vector<1x16xf32>,
        %parallel_loop3A_428 = vector.shape_cast %parallel_loop3A_427 : vector<1x16xf32> to vector<16xf32>
        %parallel_loop3A_429 = vector.shape_cast %parallel_loop3A_333 : vector<16xf32> to vector<1x16xf32>
        tpu.vector_store %arg9[%parallel_loop3A_425, %parallel_loop3A_426], %parallel_loop3A_429 {add = true, strides = array<i32>} : memref<16x768xf32, #tpu.memory_space<vmem>>, vector<1x16xf32>,
        %parallel_loop3A_430 = arith.constant 16 : i32
        %parallel_loop3A_431 = arith.muli %parallel_loop3A_327, %parallel_loop3A_430 : i32
        %parallel_loop3A_432 = arith.constant 12 : i32
        %parallel_loop3A_433 = arith.index_cast %parallel_loop3A_432 : i32 to index
        %parallel_loop3A_434 = arith.index_cast %parallel_loop3A_431 : i32 to index
        %parallel_loop3A_435 = tpu.vector_load %arg9[%parallel_loop3A_433, %parallel_loop3A_434] {strides = array<i32>} : memref<16x768xf32, #tpu.memory_space<vmem>>, vector<1x16xf32>,
        %parallel_loop3A_436 = vector.shape_cast %parallel_loop3A_435 : vector<1x16xf32> to vector<16xf32>
        %parallel_loop3A_437 = vector.shape_cast %parallel_loop3A_333 : vector<16xf32> to vector<1x16xf32>
        tpu.vector_store %arg9[%parallel_loop3A_433, %parallel_loop3A_434], %parallel_loop3A_437 {add = true, strides = array<i32>} : memref<16x768xf32, #tpu.memory_space<vmem>>, vector<1x16xf32>,
        %parallel_loop3A_438 = arith.constant 16 : i32
        %parallel_loop3A_439 = arith.muli %parallel_loop3A_327, %parallel_loop3A_438 : i32
        %parallel_loop3A_440 = arith.constant 13 : i32
        %parallel_loop3A_441 = arith.index_cast %parallel_loop3A_440 : i32 to index
        %parallel_loop3A_442 = arith.index_cast %parallel_loop3A_439 : i32 to index
        %parallel_loop3A_443 = tpu.vector_load %arg9[%parallel_loop3A_441, %parallel_loop3A_442] {strides = array<i32>} : memref<16x768xf32, #tpu.memory_space<vmem>>, vector<1x16xf32>,
        %parallel_loop3A_444 = vector.shape_cast %parallel_loop3A_443 : vector<1x16xf32> to vector<16xf32>
        %parallel_loop3A_445 = vector.shape_cast %parallel_loop3A_333 : vector<16xf32> to vector<1x16xf32>
        tpu.vector_store %arg9[%parallel_loop3A_441, %parallel_loop3A_442], %parallel_loop3A_445 {add = true, strides = array<i32>} : memref<16x768xf32, #tpu.memory_space<vmem>>, vector<1x16xf32>,
        %parallel_loop3A_446 = arith.constant 16 : i32
        %parallel_loop3A_447 = arith.muli %parallel_loop3A_327, %parallel_loop3A_446 : i32
        %parallel_loop3A_448 = arith.constant 14 : i32
        %parallel_loop3A_449 = arith.index_cast %parallel_loop3A_448 : i32 to index
        %parallel_loop3A_450 = arith.index_cast %parallel_loop3A_447 : i32 to index
        %parallel_loop3A_451 = tpu.vector_load %arg9[%parallel_loop3A_449, %parallel_loop3A_450] {strides = array<i32>} : memref<16x768xf32, #tpu.memory_space<vmem>>, vector<1x16xf32>,
        %parallel_loop3A_452 = vector.shape_cast %parallel_loop3A_451 : vector<1x16xf32> to vector<16xf32>
        %parallel_loop3A_453 = vector.shape_cast %parallel_loop3A_333 : vector<16xf32> to vector<1x16xf32>
        tpu.vector_store %arg9[%parallel_loop3A_449, %parallel_loop3A_450], %parallel_loop3A_453 {add = true, strides = array<i32>} : memref<16x768xf32, #tpu.memory_space<vmem>>, vector<1x16xf32>,
        %parallel_loop3A_454 = arith.constant 16 : i32
        %parallel_loop3A_455 = arith.muli %parallel_loop3A_327, %parallel_loop3A_454 : i32
        %parallel_loop3A_456 = arith.constant 15 : i32
        %parallel_loop3A_457 = arith.index_cast %parallel_loop3A_456 : i32 to index
        %parallel_loop3A_458 = arith.index_cast %parallel_loop3A_455 : i32 to index
        %parallel_loop3A_459 = tpu.vector_load %arg9[%parallel_loop3A_457, %parallel_loop3A_458] {strides = array<i32>} : memref<16x768xf32, #tpu.memory_space<vmem>>, vector<1x16xf32>,
        %parallel_loop3A_460 = vector.shape_cast %parallel_loop3A_459 : vector<1x16xf32> to vector<16xf32>
        %parallel_loop3A_461 = vector.shape_cast %parallel_loop3A_333 : vector<16xf32> to vector<1x16xf32>
        tpu.vector_store %arg9[%parallel_loop3A_457, %parallel_loop3A_458], %parallel_loop3A_461 {add = true, strides = array<i32>} : memref<16x768xf32, #tpu.memory_space<vmem>>, vector<1x16xf32>,
      } {sc.loop_unroll_factor = 2 : i64, sc.parallel_access}
      %add3A_191 = arith.addi %mul3A_20, %add3A_178 : i32
      %dma_start3A_192 = arith.constant 0 : i32
      %dma_start3A_193 = arith.constant 0 : i32
      %dma_start3A_194 = tpu.memref_slice %arg4[%select_n3A, %add3A_191, %dma_start3A_192, %dma_start3A_193] : memref<8x196x16x768xf32, #tpu.memory_space<hbm>> -> memref<1x1x16x768xf32, #tpu.memory_space<hbm>>
      %dma_start3A_195 = tpu.memref_squeeze %dma_start3A_194 : memref<1x1x16x768xf32, #tpu.memory_space<hbm>> -> memref<16x768xf32, #tpu.memory_space<hbm>>
      %dma_start3A_196 = arith.constant 0 : i32
      %dma_start3A_197 = arith.constant 0 : i32
      %dma_start3A_198 = tpu.memref_slice %arg4[%select_n3A, %add3A_191, %dma_start3A_196, %dma_start3A_197] : memref<8x196x16x768xf32, #tpu.memory_space<hbm>> -> memref<1x1x16x768xf32, #tpu.memory_space<hbm>>
      %dma_start3A_199 = tpu.memref_squeeze %dma_start3A_198 : memref<1x1x16x768xf32, #tpu.memory_space<hbm>> -> memref<16x768xf32, #tpu.memory_space<hbm>>
      tpu.enqueue_dma source(%arg9 : memref<16x768xf32, #tpu.memory_space<vmem>>) target(%dma_start3A_199 : memref<16x768xf32, #tpu.memory_space<hbm>>) target_semaphore(%arg21 : memref<!tpu.dma_semaphore, #tpu.memory_space<semaphore_mem>>)
      %add3A_200 = arith.constant 3 : i32
      %add3A_201 = arith.addi %add3A_178, %add3A_200 : i32
      %lt3A_202 = arith.constant 48 : i32
      %lt3A_203 = arith.cmpi slt, %add3A_201, %lt3A_202 : i32
      %convert_element_type3A_204 = arith.extui %lt3A_203 : i1 to i32
      %cond3A_205 = arith.constant 0 : i32
      %cond3A_206 = arith.cmpi ne, %convert_element_type3A_204, %cond3A_205 : i32
      scf.if %cond3A_206 {
        %ge3A = arith.constant 6 : i32
        %ge3A_327 = arith.cmpi sge, %add3A_201, %ge3A : i32
        %convert_element_type3A_328 = arith.extui %ge3A_327 : i1 to i32
        %cond3A_329 = arith.constant 0 : i32
        %cond3A_330 = arith.cmpi ne, %convert_element_type3A_328, %cond3A_329 : i32
        scf.if %cond3A_330 {
          %add3A_340 = arith.addi %mul3A_20, %add3A_201 : i32
          %sub3A_341 = arith.constant 6 : i32
          %sub3A_342 = arith.subi %add3A_340, %sub3A_341 : i32
          %dma_wait3A_343 = arith.constant 0 : i32
          %dma_wait3A_344 = arith.constant 0 : i32
          %dma_wait3A_345 = tpu.memref_slice %arg4[%select_n3A, %sub3A_342, %dma_wait3A_343, %dma_wait3A_344] : memref<8x196x16x768xf32, #tpu.memory_space<hbm>> -> memref<1x1x16x768xf32, #tpu.memory_space<hbm>>
          %dma_wait3A_346 = tpu.memref_squeeze %dma_wait3A_345 : memref<1x1x16x768xf32, #tpu.memory_space<hbm>> -> memref<16x768xf32, #tpu.memory_space<hbm>>
          %dma_wait3A_347 = arith.constant 0 : i32
          %dma_wait3A_348 = arith.constant 0 : i32
          %dma_wait3A_349 = tpu.memref_slice %arg4[%select_n3A, %sub3A_342, %dma_wait3A_347, %dma_wait3A_348] : memref<8x196x16x768xf32, #tpu.memory_space<hbm>> -> memref<1x1x16x768xf32, #tpu.memory_space<hbm>>
          %dma_wait3A_350 = tpu.memref_squeeze %dma_wait3A_349 : memref<1x1x16x768xf32, #tpu.memory_space<hbm>> -> memref<16x768xf32, #tpu.memory_space<hbm>>
          tpu.wait_dma2 semaphore(%arg24 : memref<!tpu.dma_semaphore, #tpu.memory_space<semaphore_mem>>) src(%arg12 : memref<16x768xf32, #tpu.memory_space<vmem>>) dst(%dma_wait3A_350 : memref<16x768xf32, #tpu.memory_space<hbm>>)
        } else {
        }
        %add3A_331 = arith.addi %mul3A_20, %add3A_201 : i32
        %dma_start3A_332 = arith.constant 0 : i32
        %dma_start3A_333 = arith.constant 0 : i32
        %dma_start3A_334 = tpu.memref_slice %arg2[%select_n3A, %add3A_331, %dma_start3A_332, %dma_start3A_333] : memref<8x196x16x768xf32, #tpu.memory_space<hbm>> -> memref<1x1x16x768xf32, #tpu.memory_space<hbm>>
        %dma_start3A_335 = tpu.memref_squeeze %dma_start3A_334 : memref<1x1x16x768xf32, #tpu.memory_space<hbm>> -> memref<16x768xf32, #tpu.memory_space<hbm>>
        %dma_start3A_336 = arith.constant 0 : i32
        %dma_start3A_337 = arith.constant 0 : i32
        %dma_start3A_338 = tpu.memref_slice %arg2[%select_n3A, %add3A_331, %dma_start3A_336, %dma_start3A_337] : memref<8x196x16x768xf32, #tpu.memory_space<hbm>> -> memref<1x1x16x768xf32, #tpu.memory_space<hbm>>
        %dma_start3A_339 = tpu.memref_squeeze %dma_start3A_338 : memref<1x1x16x768xf32, #tpu.memory_space<hbm>> -> memref<16x768xf32, #tpu.memory_space<hbm>>
        tpu.enqueue_dma source(%dma_start3A_339 : memref<16x768xf32, #tpu.memory_space<hbm>>) target(%arg12 : memref<16x768xf32, #tpu.memory_space<vmem>>) target_semaphore(%arg18 : memref<!tpu.dma_semaphore, #tpu.memory_space<semaphore_mem>>)
      } else {
      }
      %add3A_207 = arith.constant 2 : i32
      %add3A_208 = arith.addi %add3A_149, %add3A_207 : i32
      %add3A_209 = arith.addi %mul3A_20, %add3A_208 : i32
      %dma_wait3A_210 = arith.constant 0 : i32
      %dma_wait3A_211 = arith.constant 0 : i32
      %dma_wait3A_212 = tpu.memref_slice %arg2[%select_n3A, %add3A_209, %dma_wait3A_210, %dma_wait3A_211] : memref<8x196x16x768xf32, #tpu.memory_space<hbm>> -> memref<1x1x16x768xf32, #tpu.memory_space<hbm>>
      %dma_wait3A_213 = tpu.memref_squeeze %dma_wait3A_212 : memref<1x1x16x768xf32, #tpu.memory_space<hbm>> -> memref<16x768xf32, #tpu.memory_space<hbm>>
      %dma_wait3A_214 = arith.constant 0 : i32
      %dma_wait3A_215 = arith.constant 0 : i32
      %dma_wait3A_216 = tpu.memref_slice %arg2[%select_n3A, %add3A_209, %dma_wait3A_214, %dma_wait3A_215] : memref<8x196x16x768xf32, #tpu.memory_space<hbm>> -> memref<1x1x16x768xf32, #tpu.memory_space<hbm>>
      %dma_wait3A_217 = tpu.memref_squeeze %dma_wait3A_216 : memref<1x1x16x768xf32, #tpu.memory_space<hbm>> -> memref<16x768xf32, #tpu.memory_space<hbm>>
      tpu.wait_dma2 semaphore(%arg16 : memref<!tpu.dma_semaphore, #tpu.memory_space<semaphore_mem>>) src(%dma_wait3A_217 : memref<16x768xf32, #tpu.memory_space<hbm>>) dst(%arg10 : memref<16x768xf32, #tpu.memory_space<vmem>>)
      %parallel_loop3A_218 = arith.constant 0 : i32
      %parallel_loop3A_219 = arith.constant 48 : i32
      %parallel_loop3A_220 = arith.constant 1 : i32
      scf.for %parallel_loop3A_327 = %parallel_loop3A_218 to %parallel_loop3A_219 step %parallel_loop3A_220  : i32 {
        %parallel_loop3A_328 = arith.constant 16 : i32
        %parallel_loop3A_329 = arith.muli %parallel_loop3A_327, %parallel_loop3A_328 : i32
        %parallel_loop3A_330 = arith.index_cast %add3A_208 : i32 to index
        %parallel_loop3A_331 = arith.index_cast %parallel_loop3A_329 : i32 to index
        %parallel_loop3A_332 = tpu.vector_load %arg5[%parallel_loop3A_330, %parallel_loop3A_331] {strides = array<i32>} : memref<48x768xf32, #tpu.memory_space<vmem>>, vector<1x16xf32>,
        %parallel_loop3A_333 = vector.shape_cast %parallel_loop3A_332 : vector<1x16xf32> to vector<16xf32>
        %parallel_loop3A_334 = arith.constant 16 : i32
        %parallel_loop3A_335 = arith.muli %parallel_loop3A_327, %parallel_loop3A_334 : i32
        %parallel_loop3A_336 = arith.constant 0 : i32
        %parallel_loop3A_337 = arith.index_cast %parallel_loop3A_336 : i32 to index
        %parallel_loop3A_338 = arith.index_cast %parallel_loop3A_335 : i32 to index
        %parallel_loop3A_339 = tpu.vector_load %arg10[%parallel_loop3A_337, %parallel_loop3A_338] {strides = array<i32>} : memref<16x768xf32, #tpu.memory_space<vmem>>, vector<1x16xf32>,
        %parallel_loop3A_340 = vector.shape_cast %parallel_loop3A_339 : vector<1x16xf32> to vector<16xf32>
        %parallel_loop3A_341 = vector.shape_cast %parallel_loop3A_333 : vector<16xf32> to vector<1x16xf32>
        tpu.vector_store %arg10[%parallel_loop3A_337, %parallel_loop3A_338], %parallel_loop3A_341 {add = true, strides = array<i32>} : memref<16x768xf32, #tpu.memory_space<vmem>>, vector<1x16xf32>,
        %parallel_loop3A_342 = arith.constant 16 : i32
        %parallel_loop3A_343 = arith.muli %parallel_loop3A_327, %parallel_loop3A_342 : i32
        %parallel_loop3A_344 = arith.constant 1 : i32
        %parallel_loop3A_345 = arith.index_cast %parallel_loop3A_344 : i32 to index
        %parallel_loop3A_346 = arith.index_cast %parallel_loop3A_343 : i32 to index
        %parallel_loop3A_347 = tpu.vector_load %arg10[%parallel_loop3A_345, %parallel_loop3A_346] {strides = array<i32>} : memref<16x768xf32, #tpu.memory_space<vmem>>, vector<1x16xf32>,
        %parallel_loop3A_348 = vector.shape_cast %parallel_loop3A_347 : vector<1x16xf32> to vector<16xf32>
        %parallel_loop3A_349 = vector.shape_cast %parallel_loop3A_333 : vector<16xf32> to vector<1x16xf32>
        tpu.vector_store %arg10[%parallel_loop3A_345, %parallel_loop3A_346], %parallel_loop3A_349 {add = true, strides = array<i32>} : memref<16x768xf32, #tpu.memory_space<vmem>>, vector<1x16xf32>,
        %parallel_loop3A_350 = arith.constant 16 : i32
        %parallel_loop3A_351 = arith.muli %parallel_loop3A_327, %parallel_loop3A_350 : i32
        %parallel_loop3A_352 = arith.constant 2 : i32
        %parallel_loop3A_353 = arith.index_cast %parallel_loop3A_352 : i32 to index
        %parallel_loop3A_354 = arith.index_cast %parallel_loop3A_351 : i32 to index
        %parallel_loop3A_355 = tpu.vector_load %arg10[%parallel_loop3A_353, %parallel_loop3A_354] {strides = array<i32>} : memref<16x768xf32, #tpu.memory_space<vmem>>, vector<1x16xf32>,
        %parallel_loop3A_356 = vector.shape_cast %parallel_loop3A_355 : vector<1x16xf32> to vector<16xf32>
        %parallel_loop3A_357 = vector.shape_cast %parallel_loop3A_333 : vector<16xf32> to vector<1x16xf32>
        tpu.vector_store %arg10[%parallel_loop3A_353, %parallel_loop3A_354], %parallel_loop3A_357 {add = true, strides = array<i32>} : memref<16x768xf32, #tpu.memory_space<vmem>>, vector<1x16xf32>,
        %parallel_loop3A_358 = arith.constant 16 : i32
        %parallel_loop3A_359 = arith.muli %parallel_loop3A_327, %parallel_loop3A_358 : i32
        %parallel_loop3A_360 = arith.constant 3 : i32
        %parallel_loop3A_361 = arith.index_cast %parallel_loop3A_360 : i32 to index
        %parallel_loop3A_362 = arith.index_cast %parallel_loop3A_359 : i32 to index
        %parallel_loop3A_363 = tpu.vector_load %arg10[%parallel_loop3A_361, %parallel_loop3A_362] {strides = array<i32>} : memref<16x768xf32, #tpu.memory_space<vmem>>, vector<1x16xf32>,
        %parallel_loop3A_364 = vector.shape_cast %parallel_loop3A_363 : vector<1x16xf32> to vector<16xf32>
        %parallel_loop3A_365 = vector.shape_cast %parallel_loop3A_333 : vector<16xf32> to vector<1x16xf32>
        tpu.vector_store %arg10[%parallel_loop3A_361, %parallel_loop3A_362], %parallel_loop3A_365 {add = true, strides = array<i32>} : memref<16x768xf32, #tpu.memory_space<vmem>>, vector<1x16xf32>,
        %parallel_loop3A_366 = arith.constant 16 : i32
        %parallel_loop3A_367 = arith.muli %parallel_loop3A_327, %parallel_loop3A_366 : i32
        %parallel_loop3A_368 = arith.constant 4 : i32
        %parallel_loop3A_369 = arith.index_cast %parallel_loop3A_368 : i32 to index
        %parallel_loop3A_370 = arith.index_cast %parallel_loop3A_367 : i32 to index
        %parallel_loop3A_371 = tpu.vector_load %arg10[%parallel_loop3A_369, %parallel_loop3A_370] {strides = array<i32>} : memref<16x768xf32, #tpu.memory_space<vmem>>, vector<1x16xf32>,
        %parallel_loop3A_372 = vector.shape_cast %parallel_loop3A_371 : vector<1x16xf32> to vector<16xf32>
        %parallel_loop3A_373 = vector.shape_cast %parallel_loop3A_333 : vector<16xf32> to vector<1x16xf32>
        tpu.vector_store %arg10[%parallel_loop3A_369, %parallel_loop3A_370], %parallel_loop3A_373 {add = true, strides = array<i32>} : memref<16x768xf32, #tpu.memory_space<vmem>>, vector<1x16xf32>,
        %parallel_loop3A_374 = arith.constant 16 : i32
        %parallel_loop3A_375 = arith.muli %parallel_loop3A_327, %parallel_loop3A_374 : i32
        %parallel_loop3A_376 = arith.constant 5 : i32
        %parallel_loop3A_377 = arith.index_cast %parallel_loop3A_376 : i32 to index
        %parallel_loop3A_378 = arith.index_cast %parallel_loop3A_375 : i32 to index
        %parallel_loop3A_379 = tpu.vector_load %arg10[%parallel_loop3A_377, %parallel_loop3A_378] {strides = array<i32>} : memref<16x768xf32, #tpu.memory_space<vmem>>, vector<1x16xf32>,
        %parallel_loop3A_380 = vector.shape_cast %parallel_loop3A_379 : vector<1x16xf32> to vector<16xf32>
        %parallel_loop3A_381 = vector.shape_cast %parallel_loop3A_333 : vector<16xf32> to vector<1x16xf32>
        tpu.vector_store %arg10[%parallel_loop3A_377, %parallel_loop3A_378], %parallel_loop3A_381 {add = true, strides = array<i32>} : memref<16x768xf32, #tpu.memory_space<vmem>>, vector<1x16xf32>,
        %parallel_loop3A_382 = arith.constant 16 : i32
        %parallel_loop3A_383 = arith.muli %parallel_loop3A_327, %parallel_loop3A_382 : i32
        %parallel_loop3A_384 = arith.constant 6 : i32
        %parallel_loop3A_385 = arith.index_cast %parallel_loop3A_384 : i32 to index
        %parallel_loop3A_386 = arith.index_cast %parallel_loop3A_383 : i32 to index
        %parallel_loop3A_387 = tpu.vector_load %arg10[%parallel_loop3A_385, %parallel_loop3A_386] {strides = array<i32>} : memref<16x768xf32, #tpu.memory_space<vmem>>, vector<1x16xf32>,
        %parallel_loop3A_388 = vector.shape_cast %parallel_loop3A_387 : vector<1x16xf32> to vector<16xf32>
        %parallel_loop3A_389 = vector.shape_cast %parallel_loop3A_333 : vector<16xf32> to vector<1x16xf32>
        tpu.vector_store %arg10[%parallel_loop3A_385, %parallel_loop3A_386], %parallel_loop3A_389 {add = true, strides = array<i32>} : memref<16x768xf32, #tpu.memory_space<vmem>>, vector<1x16xf32>,
        %parallel_loop3A_390 = arith.constant 16 : i32
        %parallel_loop3A_391 = arith.muli %parallel_loop3A_327, %parallel_loop3A_390 : i32
        %parallel_loop3A_392 = arith.constant 7 : i32
        %parallel_loop3A_393 = arith.index_cast %parallel_loop3A_392 : i32 to index
        %parallel_loop3A_394 = arith.index_cast %parallel_loop3A_391 : i32 to index
        %parallel_loop3A_395 = tpu.vector_load %arg10[%parallel_loop3A_393, %parallel_loop3A_394] {strides = array<i32>} : memref<16x768xf32, #tpu.memory_space<vmem>>, vector<1x16xf32>,
        %parallel_loop3A_396 = vector.shape_cast %parallel_loop3A_395 : vector<1x16xf32> to vector<16xf32>
        %parallel_loop3A_397 = vector.shape_cast %parallel_loop3A_333 : vector<16xf32> to vector<1x16xf32>
        tpu.vector_store %arg10[%parallel_loop3A_393, %parallel_loop3A_394], %parallel_loop3A_397 {add = true, strides = array<i32>} : memref<16x768xf32, #tpu.memory_space<vmem>>, vector<1x16xf32>,
        %parallel_loop3A_398 = arith.constant 16 : i32
        %parallel_loop3A_399 = arith.muli %parallel_loop3A_327, %parallel_loop3A_398 : i32
        %parallel_loop3A_400 = arith.constant 8 : i32
        %parallel_loop3A_401 = arith.index_cast %parallel_loop3A_400 : i32 to index
        %parallel_loop3A_402 = arith.index_cast %parallel_loop3A_399 : i32 to index
        %parallel_loop3A_403 = tpu.vector_load %arg10[%parallel_loop3A_401, %parallel_loop3A_402] {strides = array<i32>} : memref<16x768xf32, #tpu.memory_space<vmem>>, vector<1x16xf32>,
        %parallel_loop3A_404 = vector.shape_cast %parallel_loop3A_403 : vector<1x16xf32> to vector<16xf32>
        %parallel_loop3A_405 = vector.shape_cast %parallel_loop3A_333 : vector<16xf32> to vector<1x16xf32>
        tpu.vector_store %arg10[%parallel_loop3A_401, %parallel_loop3A_402], %parallel_loop3A_405 {add = true, strides = array<i32>} : memref<16x768xf32, #tpu.memory_space<vmem>>, vector<1x16xf32>,
        %parallel_loop3A_406 = arith.constant 16 : i32
        %parallel_loop3A_407 = arith.muli %parallel_loop3A_327, %parallel_loop3A_406 : i32
        %parallel_loop3A_408 = arith.constant 9 : i32
        %parallel_loop3A_409 = arith.index_cast %parallel_loop3A_408 : i32 to index
        %parallel_loop3A_410 = arith.index_cast %parallel_loop3A_407 : i32 to index
        %parallel_loop3A_411 = tpu.vector_load %arg10[%parallel_loop3A_409, %parallel_loop3A_410] {strides = array<i32>} : memref<16x768xf32, #tpu.memory_space<vmem>>, vector<1x16xf32>,
        %parallel_loop3A_412 = vector.shape_cast %parallel_loop3A_411 : vector<1x16xf32> to vector<16xf32>
        %parallel_loop3A_413 = vector.shape_cast %parallel_loop3A_333 : vector<16xf32> to vector<1x16xf32>
        tpu.vector_store %arg10[%parallel_loop3A_409, %parallel_loop3A_410], %parallel_loop3A_413 {add = true, strides = array<i32>} : memref<16x768xf32, #tpu.memory_space<vmem>>, vector<1x16xf32>,
        %parallel_loop3A_414 = arith.constant 16 : i32
        %parallel_loop3A_415 = arith.muli %parallel_loop3A_327, %parallel_loop3A_414 : i32
        %parallel_loop3A_416 = arith.constant 10 : i32
        %parallel_loop3A_417 = arith.index_cast %parallel_loop3A_416 : i32 to index
        %parallel_loop3A_418 = arith.index_cast %parallel_loop3A_415 : i32 to index
        %parallel_loop3A_419 = tpu.vector_load %arg10[%parallel_loop3A_417, %parallel_loop3A_418] {strides = array<i32>} : memref<16x768xf32, #tpu.memory_space<vmem>>, vector<1x16xf32>,
        %parallel_loop3A_420 = vector.shape_cast %parallel_loop3A_419 : vector<1x16xf32> to vector<16xf32>
        %parallel_loop3A_421 = vector.shape_cast %parallel_loop3A_333 : vector<16xf32> to vector<1x16xf32>
        tpu.vector_store %arg10[%parallel_loop3A_417, %parallel_loop3A_418], %parallel_loop3A_421 {add = true, strides = array<i32>} : memref<16x768xf32, #tpu.memory_space<vmem>>, vector<1x16xf32>,
        %parallel_loop3A_422 = arith.constant 16 : i32
        %parallel_loop3A_423 = arith.muli %parallel_loop3A_327, %parallel_loop3A_422 : i32
        %parallel_loop3A_424 = arith.constant 11 : i32
        %parallel_loop3A_425 = arith.index_cast %parallel_loop3A_424 : i32 to index
        %parallel_loop3A_426 = arith.index_cast %parallel_loop3A_423 : i32 to index
        %parallel_loop3A_427 = tpu.vector_load %arg10[%parallel_loop3A_425, %parallel_loop3A_426] {strides = array<i32>} : memref<16x768xf32, #tpu.memory_space<vmem>>, vector<1x16xf32>,
        %parallel_loop3A_428 = vector.shape_cast %parallel_loop3A_427 : vector<1x16xf32> to vector<16xf32>
        %parallel_loop3A_429 = vector.shape_cast %parallel_loop3A_333 : vector<16xf32> to vector<1x16xf32>
        tpu.vector_store %arg10[%parallel_loop3A_425, %parallel_loop3A_426], %parallel_loop3A_429 {add = true, strides = array<i32>} : memref<16x768xf32, #tpu.memory_space<vmem>>, vector<1x16xf32>,
        %parallel_loop3A_430 = arith.constant 16 : i32
        %parallel_loop3A_431 = arith.muli %parallel_loop3A_327, %parallel_loop3A_430 : i32
        %parallel_loop3A_432 = arith.constant 12 : i32
        %parallel_loop3A_433 = arith.index_cast %parallel_loop3A_432 : i32 to index
        %parallel_loop3A_434 = arith.index_cast %parallel_loop3A_431 : i32 to index
        %parallel_loop3A_435 = tpu.vector_load %arg10[%parallel_loop3A_433, %parallel_loop3A_434] {strides = array<i32>} : memref<16x768xf32, #tpu.memory_space<vmem>>, vector<1x16xf32>,
        %parallel_loop3A_436 = vector.shape_cast %parallel_loop3A_435 : vector<1x16xf32> to vector<16xf32>
        %parallel_loop3A_437 = vector.shape_cast %parallel_loop3A_333 : vector<16xf32> to vector<1x16xf32>
        tpu.vector_store %arg10[%parallel_loop3A_433, %parallel_loop3A_434], %parallel_loop3A_437 {add = true, strides = array<i32>} : memref<16x768xf32, #tpu.memory_space<vmem>>, vector<1x16xf32>,
        %parallel_loop3A_438 = arith.constant 16 : i32
        %parallel_loop3A_439 = arith.muli %parallel_loop3A_327, %parallel_loop3A_438 : i32
        %parallel_loop3A_440 = arith.constant 13 : i32
        %parallel_loop3A_441 = arith.index_cast %parallel_loop3A_440 : i32 to index
        %parallel_loop3A_442 = arith.index_cast %parallel_loop3A_439 : i32 to index
        %parallel_loop3A_443 = tpu.vector_load %arg10[%parallel_loop3A_441, %parallel_loop3A_442] {strides = array<i32>} : memref<16x768xf32, #tpu.memory_space<vmem>>, vector<1x16xf32>,
        %parallel_loop3A_444 = vector.shape_cast %parallel_loop3A_443 : vector<1x16xf32> to vector<16xf32>
        %parallel_loop3A_445 = vector.shape_cast %parallel_loop3A_333 : vector<16xf32> to vector<1x16xf32>
        tpu.vector_store %arg10[%parallel_loop3A_441, %parallel_loop3A_442], %parallel_loop3A_445 {add = true, strides = array<i32>} : memref<16x768xf32, #tpu.memory_space<vmem>>, vector<1x16xf32>,
        %parallel_loop3A_446 = arith.constant 16 : i32
        %parallel_loop3A_447 = arith.muli %parallel_loop3A_327, %parallel_loop3A_446 : i32
        %parallel_loop3A_448 = arith.constant 14 : i32
        %parallel_loop3A_449 = arith.index_cast %parallel_loop3A_448 : i32 to index
        %parallel_loop3A_450 = arith.index_cast %parallel_loop3A_447 : i32 to index
        %parallel_loop3A_451 = tpu.vector_load %arg10[%parallel_loop3A_449, %parallel_loop3A_450] {strides = array<i32>} : memref<16x768xf32, #tpu.memory_space<vmem>>, vector<1x16xf32>,
        %parallel_loop3A_452 = vector.shape_cast %parallel_loop3A_451 : vector<1x16xf32> to vector<16xf32>
        %parallel_loop3A_453 = vector.shape_cast %parallel_loop3A_333 : vector<16xf32> to vector<1x16xf32>
        tpu.vector_store %arg10[%parallel_loop3A_449, %parallel_loop3A_450], %parallel_loop3A_453 {add = true, strides = array<i32>} : memref<16x768xf32, #tpu.memory_space<vmem>>, vector<1x16xf32>,
        %parallel_loop3A_454 = arith.constant 16 : i32
        %parallel_loop3A_455 = arith.muli %parallel_loop3A_327, %parallel_loop3A_454 : i32
        %parallel_loop3A_456 = arith.constant 15 : i32
        %parallel_loop3A_457 = arith.index_cast %parallel_loop3A_456 : i32 to index
        %parallel_loop3A_458 = arith.index_cast %parallel_loop3A_455 : i32 to index
        %parallel_loop3A_459 = tpu.vector_load %arg10[%parallel_loop3A_457, %parallel_loop3A_458] {strides = array<i32>} : memref<16x768xf32, #tpu.memory_space<vmem>>, vector<1x16xf32>,
        %parallel_loop3A_460 = vector.shape_cast %parallel_loop3A_459 : vector<1x16xf32> to vector<16xf32>
        %parallel_loop3A_461 = vector.shape_cast %parallel_loop3A_333 : vector<16xf32> to vector<1x16xf32>
        tpu.vector_store %arg10[%parallel_loop3A_457, %parallel_loop3A_458], %parallel_loop3A_461 {add = true, strides = array<i32>} : memref<16x768xf32, #tpu.memory_space<vmem>>, vector<1x16xf32>,
      } {sc.loop_unroll_factor = 2 : i64, sc.parallel_access}
      %add3A_221 = arith.addi %mul3A_20, %add3A_208 : i32
      %dma_start3A_222 = arith.constant 0 : i32
      %dma_start3A_223 = arith.constant 0 : i32
      %dma_start3A_224 = tpu.memref_slice %arg4[%select_n3A, %add3A_221, %dma_start3A_222, %dma_start3A_223] : memref<8x196x16x768xf32, #tpu.memory_space<hbm>> -> memref<1x1x16x768xf32, #tpu.memory_space<hbm>>
      %dma_start3A_225 = tpu.memref_squeeze %dma_start3A_224 : memref<1x1x16x768xf32, #tpu.memory_space<hbm>> -> memref<16x768xf32, #tpu.memory_space<hbm>>
      %dma_start3A_226 = arith.constant 0 : i32
      %dma_start3A_227 = arith.constant 0 : i32
      %dma_start3A_228 = tpu.memref_slice %arg4[%select_n3A, %add3A_221, %dma_start3A_226, %dma_start3A_227] : memref<8x196x16x768xf32, #tpu.memory_space<hbm>> -> memref<1x1x16x768xf32, #tpu.memory_space<hbm>>
      %dma_start3A_229 = tpu.memref_squeeze %dma_start3A_228 : memref<1x1x16x768xf32, #tpu.memory_space<hbm>> -> memref<16x768xf32, #tpu.memory_space<hbm>>
      tpu.enqueue_dma source(%arg10 : memref<16x768xf32, #tpu.memory_space<vmem>>) target(%dma_start3A_229 : memref<16x768xf32, #tpu.memory_space<hbm>>) target_semaphore(%arg22 : memref<!tpu.dma_semaphore, #tpu.memory_space<semaphore_mem>>)
      %add3A_230 = arith.constant 3 : i32
      %add3A_231 = arith.addi %add3A_208, %add3A_230 : i32
      %lt3A_232 = arith.constant 48 : i32
      %lt3A_233 = arith.cmpi slt, %add3A_231, %lt3A_232 : i32
      %convert_element_type3A_234 = arith.extui %lt3A_233 : i1 to i32
      %cond3A_235 = arith.constant 0 : i32
      %cond3A_236 = arith.cmpi ne, %convert_element_type3A_234, %cond3A_235 : i32
      scf.if %cond3A_236 {
        %ge3A = arith.constant 6 : i32
        %ge3A_327 = arith.cmpi sge, %add3A_231, %ge3A : i32
        %convert_element_type3A_328 = arith.extui %ge3A_327 : i1 to i32
        %cond3A_329 = arith.constant 0 : i32
        %cond3A_330 = arith.cmpi ne, %convert_element_type3A_328, %cond3A_329 : i32
        scf.if %cond3A_330 {
          %add3A_340 = arith.addi %mul3A_20, %add3A_231 : i32
          %sub3A_341 = arith.constant 6 : i32
          %sub3A_342 = arith.subi %add3A_340, %sub3A_341 : i32
          %dma_wait3A_343 = arith.constant 0 : i32
          %dma_wait3A_344 = arith.constant 0 : i32
          %dma_wait3A_345 = tpu.memref_slice %arg4[%select_n3A, %sub3A_342, %dma_wait3A_343, %dma_wait3A_344] : memref<8x196x16x768xf32, #tpu.memory_space<hbm>> -> memref<1x1x16x768xf32, #tpu.memory_space<hbm>>
          %dma_wait3A_346 = tpu.memref_squeeze %dma_wait3A_345 : memref<1x1x16x768xf32, #tpu.memory_space<hbm>> -> memref<16x768xf32, #tpu.memory_space<hbm>>
          %dma_wait3A_347 = arith.constant 0 : i32
          %dma_wait3A_348 = arith.constant 0 : i32
          %dma_wait3A_349 = tpu.memref_slice %arg4[%select_n3A, %sub3A_342, %dma_wait3A_347, %dma_wait3A_348] : memref<8x196x16x768xf32, #tpu.memory_space<hbm>> -> memref<1x1x16x768xf32, #tpu.memory_space<hbm>>
          %dma_wait3A_350 = tpu.memref_squeeze %dma_wait3A_349 : memref<1x1x16x768xf32, #tpu.memory_space<hbm>> -> memref<16x768xf32, #tpu.memory_space<hbm>>
          tpu.wait_dma2 semaphore(%arg25 : memref<!tpu.dma_semaphore, #tpu.memory_space<semaphore_mem>>) src(%arg13 : memref<16x768xf32, #tpu.memory_space<vmem>>) dst(%dma_wait3A_350 : memref<16x768xf32, #tpu.memory_space<hbm>>)
        } else {
        }
        %add3A_331 = arith.addi %mul3A_20, %add3A_231 : i32
        %dma_start3A_332 = arith.constant 0 : i32
        %dma_start3A_333 = arith.constant 0 : i32
        %dma_start3A_334 = tpu.memref_slice %arg2[%select_n3A, %add3A_331, %dma_start3A_332, %dma_start3A_333] : memref<8x196x16x768xf32, #tpu.memory_space<hbm>> -> memref<1x1x16x768xf32, #tpu.memory_space<hbm>>
        %dma_start3A_335 = tpu.memref_squeeze %dma_start3A_334 : memref<1x1x16x768xf32, #tpu.memory_space<hbm>> -> memref<16x768xf32, #tpu.memory_space<hbm>>
        %dma_start3A_336 = arith.constant 0 : i32
        %dma_start3A_337 = arith.constant 0 : i32
        %dma_start3A_338 = tpu.memref_slice %arg2[%select_n3A, %add3A_331, %dma_start3A_336, %dma_start3A_337] : memref<8x196x16x768xf32, #tpu.memory_space<hbm>> -> memref<1x1x16x768xf32, #tpu.memory_space<hbm>>
        %dma_start3A_339 = tpu.memref_squeeze %dma_start3A_338 : memref<1x1x16x768xf32, #tpu.memory_space<hbm>> -> memref<16x768xf32, #tpu.memory_space<hbm>>
        tpu.enqueue_dma source(%dma_start3A_339 : memref<16x768xf32, #tpu.memory_space<hbm>>) target(%arg13 : memref<16x768xf32, #tpu.memory_space<vmem>>) target_semaphore(%arg19 : memref<!tpu.dma_semaphore, #tpu.memory_space<semaphore_mem>>)
      } else {
      }
      %add3A_237 = arith.constant 3 : i32
      %add3A_238 = arith.addi %add3A_149, %add3A_237 : i32
      %add3A_239 = arith.addi %mul3A_20, %add3A_238 : i32
      %dma_wait3A_240 = arith.constant 0 : i32
      %dma_wait3A_241 = arith.constant 0 : i32
      %dma_wait3A_242 = tpu.memref_slice %arg2[%select_n3A, %add3A_239, %dma_wait3A_240, %dma_wait3A_241] : memref<8x196x16x768xf32, #tpu.memory_space<hbm>> -> memref<1x1x16x768xf32, #tpu.memory_space<hbm>>
      %dma_wait3A_243 = tpu.memref_squeeze %dma_wait3A_242 : memref<1x1x16x768xf32, #tpu.memory_space<hbm>> -> memref<16x768xf32, #tpu.memory_space<hbm>>
      %dma_wait3A_244 = arith.constant 0 : i32
      %dma_wait3A_245 = arith.constant 0 : i32
      %dma_wait3A_246 = tpu.memref_slice %arg2[%select_n3A, %add3A_239, %dma_wait3A_244, %dma_wait3A_245] : memref<8x196x16x768xf32, #tpu.memory_space<hbm>> -> memref<1x1x16x768xf32, #tpu.memory_space<hbm>>
      %dma_wait3A_247 = tpu.memref_squeeze %dma_wait3A_246 : memref<1x1x16x768xf32, #tpu.memory_space<hbm>> -> memref<16x768xf32, #tpu.memory_space<hbm>>
      tpu.wait_dma2 semaphore(%arg17 : memref<!tpu.dma_semaphore, #tpu.memory_space<semaphore_mem>>) src(%dma_wait3A_247 : memref<16x768xf32, #tpu.memory_space<hbm>>) dst(%arg11 : memref<16x768xf32, #tpu.memory_space<vmem>>)
      %parallel_loop3A_248 = arith.constant 0 : i32
      %parallel_loop3A_249 = arith.constant 48 : i32
      %parallel_loop3A_250 = arith.constant 1 : i32
      scf.for %parallel_loop3A_327 = %parallel_loop3A_248 to %parallel_loop3A_249 step %parallel_loop3A_250  : i32 {
        %parallel_loop3A_328 = arith.constant 16 : i32
        %parallel_loop3A_329 = arith.muli %parallel_loop3A_327, %parallel_loop3A_328 : i32
        %parallel_loop3A_330 = arith.index_cast %add3A_238 : i32 to index
        %parallel_loop3A_331 = arith.index_cast %parallel_loop3A_329 : i32 to index
        %parallel_loop3A_332 = tpu.vector_load %arg5[%parallel_loop3A_330, %parallel_loop3A_331] {strides = array<i32>} : memref<48x768xf32, #tpu.memory_space<vmem>>, vector<1x16xf32>,
        %parallel_loop3A_333 = vector.shape_cast %parallel_loop3A_332 : vector<1x16xf32> to vector<16xf32>
        %parallel_loop3A_334 = arith.constant 16 : i32
        %parallel_loop3A_335 = arith.muli %parallel_loop3A_327, %parallel_loop3A_334 : i32
        %parallel_loop3A_336 = arith.constant 0 : i32
        %parallel_loop3A_337 = arith.index_cast %parallel_loop3A_336 : i32 to index
        %parallel_loop3A_338 = arith.index_cast %parallel_loop3A_335 : i32 to index
        %parallel_loop3A_339 = tpu.vector_load %arg11[%parallel_loop3A_337, %parallel_loop3A_338] {strides = array<i32>} : memref<16x768xf32, #tpu.memory_space<vmem>>, vector<1x16xf32>,
        %parallel_loop3A_340 = vector.shape_cast %parallel_loop3A_339 : vector<1x16xf32> to vector<16xf32>
        %parallel_loop3A_341 = vector.shape_cast %parallel_loop3A_333 : vector<16xf32> to vector<1x16xf32>
        tpu.vector_store %arg11[%parallel_loop3A_337, %parallel_loop3A_338], %parallel_loop3A_341 {add = true, strides = array<i32>} : memref<16x768xf32, #tpu.memory_space<vmem>>, vector<1x16xf32>,
        %parallel_loop3A_342 = arith.constant 16 : i32
        %parallel_loop3A_343 = arith.muli %parallel_loop3A_327, %parallel_loop3A_342 : i32
        %parallel_loop3A_344 = arith.constant 1 : i32
        %parallel_loop3A_345 = arith.index_cast %parallel_loop3A_344 : i32 to index
        %parallel_loop3A_346 = arith.index_cast %parallel_loop3A_343 : i32 to index
        %parallel_loop3A_347 = tpu.vector_load %arg11[%parallel_loop3A_345, %parallel_loop3A_346] {strides = array<i32>} : memref<16x768xf32, #tpu.memory_space<vmem>>, vector<1x16xf32>,
        %parallel_loop3A_348 = vector.shape_cast %parallel_loop3A_347 : vector<1x16xf32> to vector<16xf32>
        %parallel_loop3A_349 = vector.shape_cast %parallel_loop3A_333 : vector<16xf32> to vector<1x16xf32>
        tpu.vector_store %arg11[%parallel_loop3A_345, %parallel_loop3A_346], %parallel_loop3A_349 {add = true, strides = array<i32>} : memref<16x768xf32, #tpu.memory_space<vmem>>, vector<1x16xf32>,
        %parallel_loop3A_350 = arith.constant 16 : i32
        %parallel_loop3A_351 = arith.muli %parallel_loop3A_327, %parallel_loop3A_350 : i32
        %parallel_loop3A_352 = arith.constant 2 : i32
        %parallel_loop3A_353 = arith.index_cast %parallel_loop3A_352 : i32 to index
        %parallel_loop3A_354 = arith.index_cast %parallel_loop3A_351 : i32 to index
        %parallel_loop3A_355 = tpu.vector_load %arg11[%parallel_loop3A_353, %parallel_loop3A_354] {strides = array<i32>} : memref<16x768xf32, #tpu.memory_space<vmem>>, vector<1x16xf32>,
        %parallel_loop3A_356 = vector.shape_cast %parallel_loop3A_355 : vector<1x16xf32> to vector<16xf32>
        %parallel_loop3A_357 = vector.shape_cast %parallel_loop3A_333 : vector<16xf32> to vector<1x16xf32>
        tpu.vector_store %arg11[%parallel_loop3A_353, %parallel_loop3A_354], %parallel_loop3A_357 {add = true, strides = array<i32>} : memref<16x768xf32, #tpu.memory_space<vmem>>, vector<1x16xf32>,
        %parallel_loop3A_358 = arith.constant 16 : i32
        %parallel_loop3A_359 = arith.muli %parallel_loop3A_327, %parallel_loop3A_358 : i32
        %parallel_loop3A_360 = arith.constant 3 : i32
        %parallel_loop3A_361 = arith.index_cast %parallel_loop3A_360 : i32 to index
        %parallel_loop3A_362 = arith.index_cast %parallel_loop3A_359 : i32 to index
        %parallel_loop3A_363 = tpu.vector_load %arg11[%parallel_loop3A_361, %parallel_loop3A_362] {strides = array<i32>} : memref<16x768xf32, #tpu.memory_space<vmem>>, vector<1x16xf32>,
        %parallel_loop3A_364 = vector.shape_cast %parallel_loop3A_363 : vector<1x16xf32> to vector<16xf32>
        %parallel_loop3A_365 = vector.shape_cast %parallel_loop3A_333 : vector<16xf32> to vector<1x16xf32>
        tpu.vector_store %arg11[%parallel_loop3A_361, %parallel_loop3A_362], %parallel_loop3A_365 {add = true, strides = array<i32>} : memref<16x768xf32, #tpu.memory_space<vmem>>, vector<1x16xf32>,
        %parallel_loop3A_366 = arith.constant 16 : i32
        %parallel_loop3A_367 = arith.muli %parallel_loop3A_327, %parallel_loop3A_366 : i32
        %parallel_loop3A_368 = arith.constant 4 : i32
        %parallel_loop3A_369 = arith.index_cast %parallel_loop3A_368 : i32 to index
        %parallel_loop3A_370 = arith.index_cast %parallel_loop3A_367 : i32 to index
        %parallel_loop3A_371 = tpu.vector_load %arg11[%parallel_loop3A_369, %parallel_loop3A_370] {strides = array<i32>} : memref<16x768xf32, #tpu.memory_space<vmem>>, vector<1x16xf32>,
        %parallel_loop3A_372 = vector.shape_cast %parallel_loop3A_371 : vector<1x16xf32> to vector<16xf32>
        %parallel_loop3A_373 = vector.shape_cast %parallel_loop3A_333 : vector<16xf32> to vector<1x16xf32>
        tpu.vector_store %arg11[%parallel_loop3A_369, %parallel_loop3A_370], %parallel_loop3A_373 {add = true, strides = array<i32>} : memref<16x768xf32, #tpu.memory_space<vmem>>, vector<1x16xf32>,
        %parallel_loop3A_374 = arith.constant 16 : i32
        %parallel_loop3A_375 = arith.muli %parallel_loop3A_327, %parallel_loop3A_374 : i32
        %parallel_loop3A_376 = arith.constant 5 : i32
        %parallel_loop3A_377 = arith.index_cast %parallel_loop3A_376 : i32 to index
        %parallel_loop3A_378 = arith.index_cast %parallel_loop3A_375 : i32 to index
        %parallel_loop3A_379 = tpu.vector_load %arg11[%parallel_loop3A_377, %parallel_loop3A_378] {strides = array<i32>} : memref<16x768xf32, #tpu.memory_space<vmem>>, vector<1x16xf32>,
        %parallel_loop3A_380 = vector.shape_cast %parallel_loop3A_379 : vector<1x16xf32> to vector<16xf32>
        %parallel_loop3A_381 = vector.shape_cast %parallel_loop3A_333 : vector<16xf32> to vector<1x16xf32>
        tpu.vector_store %arg11[%parallel_loop3A_377, %parallel_loop3A_378], %parallel_loop3A_381 {add = true, strides = array<i32>} : memref<16x768xf32, #tpu.memory_space<vmem>>, vector<1x16xf32>,
        %parallel_loop3A_382 = arith.constant 16 : i32
        %parallel_loop3A_383 = arith.muli %parallel_loop3A_327, %parallel_loop3A_382 : i32
        %parallel_loop3A_384 = arith.constant 6 : i32
        %parallel_loop3A_385 = arith.index_cast %parallel_loop3A_384 : i32 to index
        %parallel_loop3A_386 = arith.index_cast %parallel_loop3A_383 : i32 to index
        %parallel_loop3A_387 = tpu.vector_load %arg11[%parallel_loop3A_385, %parallel_loop3A_386] {strides = array<i32>} : memref<16x768xf32, #tpu.memory_space<vmem>>, vector<1x16xf32>,
        %parallel_loop3A_388 = vector.shape_cast %parallel_loop3A_387 : vector<1x16xf32> to vector<16xf32>
        %parallel_loop3A_389 = vector.shape_cast %parallel_loop3A_333 : vector<16xf32> to vector<1x16xf32>
        tpu.vector_store %arg11[%parallel_loop3A_385, %parallel_loop3A_386], %parallel_loop3A_389 {add = true, strides = array<i32>} : memref<16x768xf32, #tpu.memory_space<vmem>>, vector<1x16xf32>,
        %parallel_loop3A_390 = arith.constant 16 : i32
        %parallel_loop3A_391 = arith.muli %parallel_loop3A_327, %parallel_loop3A_390 : i32
        %parallel_loop3A_392 = arith.constant 7 : i32
        %parallel_loop3A_393 = arith.index_cast %parallel_loop3A_392 : i32 to index
        %parallel_loop3A_394 = arith.index_cast %parallel_loop3A_391 : i32 to index
        %parallel_loop3A_395 = tpu.vector_load %arg11[%parallel_loop3A_393, %parallel_loop3A_394] {strides = array<i32>} : memref<16x768xf32, #tpu.memory_space<vmem>>, vector<1x16xf32>,
        %parallel_loop3A_396 = vector.shape_cast %parallel_loop3A_395 : vector<1x16xf32> to vector<16xf32>
        %parallel_loop3A_397 = vector.shape_cast %parallel_loop3A_333 : vector<16xf32> to vector<1x16xf32>
        tpu.vector_store %arg11[%parallel_loop3A_393, %parallel_loop3A_394], %parallel_loop3A_397 {add = true, strides = array<i32>} : memref<16x768xf32, #tpu.memory_space<vmem>>, vector<1x16xf32>,
        %parallel_loop3A_398 = arith.constant 16 : i32
        %parallel_loop3A_399 = arith.muli %parallel_loop3A_327, %parallel_loop3A_398 : i32
        %parallel_loop3A_400 = arith.constant 8 : i32
        %parallel_loop3A_401 = arith.index_cast %parallel_loop3A_400 : i32 to index
        %parallel_loop3A_402 = arith.index_cast %parallel_loop3A_399 : i32 to index
        %parallel_loop3A_403 = tpu.vector_load %arg11[%parallel_loop3A_401, %parallel_loop3A_402] {strides = array<i32>} : memref<16x768xf32, #tpu.memory_space<vmem>>, vector<1x16xf32>,
        %parallel_loop3A_404 = vector.shape_cast %parallel_loop3A_403 : vector<1x16xf32> to vector<16xf32>
        %parallel_loop3A_405 = vector.shape_cast %parallel_loop3A_333 : vector<16xf32> to vector<1x16xf32>
        tpu.vector_store %arg11[%parallel_loop3A_401, %parallel_loop3A_402], %parallel_loop3A_405 {add = true, strides = array<i32>} : memref<16x768xf32, #tpu.memory_space<vmem>>, vector<1x16xf32>,
        %parallel_loop3A_406 = arith.constant 16 : i32
        %parallel_loop3A_407 = arith.muli %parallel_loop3A_327, %parallel_loop3A_406 : i32
        %parallel_loop3A_408 = arith.constant 9 : i32
        %parallel_loop3A_409 = arith.index_cast %parallel_loop3A_408 : i32 to index
        %parallel_loop3A_410 = arith.index_cast %parallel_loop3A_407 : i32 to index
        %parallel_loop3A_411 = tpu.vector_load %arg11[%parallel_loop3A_409, %parallel_loop3A_410] {strides = array<i32>} : memref<16x768xf32, #tpu.memory_space<vmem>>, vector<1x16xf32>,
        %parallel_loop3A_412 = vector.shape_cast %parallel_loop3A_411 : vector<1x16xf32> to vector<16xf32>
        %parallel_loop3A_413 = vector.shape_cast %parallel_loop3A_333 : vector<16xf32> to vector<1x16xf32>
        tpu.vector_store %arg11[%parallel_loop3A_409, %parallel_loop3A_410], %parallel_loop3A_413 {add = true, strides = array<i32>} : memref<16x768xf32, #tpu.memory_space<vmem>>, vector<1x16xf32>,
        %parallel_loop3A_414 = arith.constant 16 : i32
        %parallel_loop3A_415 = arith.muli %parallel_loop3A_327, %parallel_loop3A_414 : i32
        %parallel_loop3A_416 = arith.constant 10 : i32
        %parallel_loop3A_417 = arith.index_cast %parallel_loop3A_416 : i32 to index
        %parallel_loop3A_418 = arith.index_cast %parallel_loop3A_415 : i32 to index
        %parallel_loop3A_419 = tpu.vector_load %arg11[%parallel_loop3A_417, %parallel_loop3A_418] {strides = array<i32>} : memref<16x768xf32, #tpu.memory_space<vmem>>, vector<1x16xf32>,
        %parallel_loop3A_420 = vector.shape_cast %parallel_loop3A_419 : vector<1x16xf32> to vector<16xf32>
        %parallel_loop3A_421 = vector.shape_cast %parallel_loop3A_333 : vector<16xf32> to vector<1x16xf32>
        tpu.vector_store %arg11[%parallel_loop3A_417, %parallel_loop3A_418], %parallel_loop3A_421 {add = true, strides = array<i32>} : memref<16x768xf32, #tpu.memory_space<vmem>>, vector<1x16xf32>,
        %parallel_loop3A_422 = arith.constant 16 : i32
        %parallel_loop3A_423 = arith.muli %parallel_loop3A_327, %parallel_loop3A_422 : i32
        %parallel_loop3A_424 = arith.constant 11 : i32
        %parallel_loop3A_425 = arith.index_cast %parallel_loop3A_424 : i32 to index
        %parallel_loop3A_426 = arith.index_cast %parallel_loop3A_423 : i32 to index
        %parallel_loop3A_427 = tpu.vector_load %arg11[%parallel_loop3A_425, %parallel_loop3A_426] {strides = array<i32>} : memref<16x768xf32, #tpu.memory_space<vmem>>, vector<1x16xf32>,
        %parallel_loop3A_428 = vector.shape_cast %parallel_loop3A_427 : vector<1x16xf32> to vector<16xf32>
        %parallel_loop3A_429 = vector.shape_cast %parallel_loop3A_333 : vector<16xf32> to vector<1x16xf32>
        tpu.vector_store %arg11[%parallel_loop3A_425, %parallel_loop3A_426], %parallel_loop3A_429 {add = true, strides = array<i32>} : memref<16x768xf32, #tpu.memory_space<vmem>>, vector<1x16xf32>,
        %parallel_loop3A_430 = arith.constant 16 : i32
        %parallel_loop3A_431 = arith.muli %parallel_loop3A_327, %parallel_loop3A_430 : i32
        %parallel_loop3A_432 = arith.constant 12 : i32
        %parallel_loop3A_433 = arith.index_cast %parallel_loop3A_432 : i32 to index
        %parallel_loop3A_434 = arith.index_cast %parallel_loop3A_431 : i32 to index
        %parallel_loop3A_435 = tpu.vector_load %arg11[%parallel_loop3A_433, %parallel_loop3A_434] {strides = array<i32>} : memref<16x768xf32, #tpu.memory_space<vmem>>, vector<1x16xf32>,
        %parallel_loop3A_436 = vector.shape_cast %parallel_loop3A_435 : vector<1x16xf32> to vector<16xf32>
        %parallel_loop3A_437 = vector.shape_cast %parallel_loop3A_333 : vector<16xf32> to vector<1x16xf32>
        tpu.vector_store %arg11[%parallel_loop3A_433, %parallel_loop3A_434], %parallel_loop3A_437 {add = true, strides = array<i32>} : memref<16x768xf32, #tpu.memory_space<vmem>>, vector<1x16xf32>,
        %parallel_loop3A_438 = arith.constant 16 : i32
        %parallel_loop3A_439 = arith.muli %parallel_loop3A_327, %parallel_loop3A_438 : i32
        %parallel_loop3A_440 = arith.constant 13 : i32
        %parallel_loop3A_441 = arith.index_cast %parallel_loop3A_440 : i32 to index
        %parallel_loop3A_442 = arith.index_cast %parallel_loop3A_439 : i32 to index
        %parallel_loop3A_443 = tpu.vector_load %arg11[%parallel_loop3A_441, %parallel_loop3A_442] {strides = array<i32>} : memref<16x768xf32, #tpu.memory_space<vmem>>, vector<1x16xf32>,
        %parallel_loop3A_444 = vector.shape_cast %parallel_loop3A_443 : vector<1x16xf32> to vector<16xf32>
        %parallel_loop3A_445 = vector.shape_cast %parallel_loop3A_333 : vector<16xf32> to vector<1x16xf32>
        tpu.vector_store %arg11[%parallel_loop3A_441, %parallel_loop3A_442], %parallel_loop3A_445 {add = true, strides = array<i32>} : memref<16x768xf32, #tpu.memory_space<vmem>>, vector<1x16xf32>,
        %parallel_loop3A_446 = arith.constant 16 : i32
        %parallel_loop3A_447 = arith.muli %parallel_loop3A_327, %parallel_loop3A_446 : i32
        %parallel_loop3A_448 = arith.constant 14 : i32
        %parallel_loop3A_449 = arith.index_cast %parallel_loop3A_448 : i32 to index
        %parallel_loop3A_450 = arith.index_cast %parallel_loop3A_447 : i32 to index
        %parallel_loop3A_451 = tpu.vector_load %arg11[%parallel_loop3A_449, %parallel_loop3A_450] {strides = array<i32>} : memref<16x768xf32, #tpu.memory_space<vmem>>, vector<1x16xf32>,
        %parallel_loop3A_452 = vector.shape_cast %parallel_loop3A_451 : vector<1x16xf32> to vector<16xf32>
        %parallel_loop3A_453 = vector.shape_cast %parallel_loop3A_333 : vector<16xf32> to vector<1x16xf32>
        tpu.vector_store %arg11[%parallel_loop3A_449, %parallel_loop3A_450], %parallel_loop3A_453 {add = true, strides = array<i32>} : memref<16x768xf32, #tpu.memory_space<vmem>>, vector<1x16xf32>,
        %parallel_loop3A_454 = arith.constant 16 : i32
        %parallel_loop3A_455 = arith.muli %parallel_loop3A_327, %parallel_loop3A_454 : i32
        %parallel_loop3A_456 = arith.constant 15 : i32
        %parallel_loop3A_457 = arith.index_cast %parallel_loop3A_456 : i32 to index
        %parallel_loop3A_458 = arith.index_cast %parallel_loop3A_455 : i32 to index
        %parallel_loop3A_459 = tpu.vector_load %arg11[%parallel_loop3A_457, %parallel_loop3A_458] {strides = array<i32>} : memref<16x768xf32, #tpu.memory_space<vmem>>, vector<1x16xf32>,
        %parallel_loop3A_460 = vector.shape_cast %parallel_loop3A_459 : vector<1x16xf32> to vector<16xf32>
        %parallel_loop3A_461 = vector.shape_cast %parallel_loop3A_333 : vector<16xf32> to vector<1x16xf32>
        tpu.vector_store %arg11[%parallel_loop3A_457, %parallel_loop3A_458], %parallel_loop3A_461 {add = true, strides = array<i32>} : memref<16x768xf32, #tpu.memory_space<vmem>>, vector<1x16xf32>,
      } {sc.loop_unroll_factor = 2 : i64, sc.parallel_access}
      %add3A_251 = arith.addi %mul3A_20, %add3A_238 : i32
      %dma_start3A_252 = arith.constant 0 : i32
      %dma_start3A_253 = arith.constant 0 : i32
      %dma_start3A_254 = tpu.memref_slice %arg4[%select_n3A, %add3A_251, %dma_start3A_252, %dma_start3A_253] : memref<8x196x16x768xf32, #tpu.memory_space<hbm>> -> memref<1x1x16x768xf32, #tpu.memory_space<hbm>>
      %dma_start3A_255 = tpu.memref_squeeze %dma_start3A_254 : memref<1x1x16x768xf32, #tpu.memory_space<hbm>> -> memref<16x768xf32, #tpu.memory_space<hbm>>
      %dma_start3A_256 = arith.constant 0 : i32
      %dma_start3A_257 = arith.constant 0 : i32
      %dma_start3A_258 = tpu.memref_slice %arg4[%select_n3A, %add3A_251, %dma_start3A_256, %dma_start3A_257] : memref<8x196x16x768xf32, #tpu.memory_space<hbm>> -> memref<1x1x16x768xf32, #tpu.memory_space<hbm>>
      %dma_start3A_259 = tpu.memref_squeeze %dma_start3A_258 : memref<1x1x16x768xf32, #tpu.memory_space<hbm>> -> memref<16x768xf32, #tpu.memory_space<hbm>>
      tpu.enqueue_dma source(%arg11 : memref<16x768xf32, #tpu.memory_space<vmem>>) target(%dma_start3A_259 : memref<16x768xf32, #tpu.memory_space<hbm>>) target_semaphore(%arg23 : memref<!tpu.dma_semaphore, #tpu.memory_space<semaphore_mem>>)
      %add3A_260 = arith.constant 3 : i32
      %add3A_261 = arith.addi %add3A_238, %add3A_260 : i32
      %lt3A_262 = arith.constant 48 : i32
      %lt3A_263 = arith.cmpi slt, %add3A_261, %lt3A_262 : i32
      %convert_element_type3A_264 = arith.extui %lt3A_263 : i1 to i32
      %cond3A_265 = arith.constant 0 : i32
      %cond3A_266 = arith.cmpi ne, %convert_element_type3A_264, %cond3A_265 : i32
      scf.if %cond3A_266 {
        %ge3A = arith.constant 6 : i32
        %ge3A_327 = arith.cmpi sge, %add3A_261, %ge3A : i32
        %convert_element_type3A_328 = arith.extui %ge3A_327 : i1 to i32
        %cond3A_329 = arith.constant 0 : i32
        %cond3A_330 = arith.cmpi ne, %convert_element_type3A_328, %cond3A_329 : i32
        scf.if %cond3A_330 {
          %add3A_340 = arith.addi %mul3A_20, %add3A_261 : i32
          %sub3A_341 = arith.constant 6 : i32
          %sub3A_342 = arith.subi %add3A_340, %sub3A_341 : i32
          %dma_wait3A_343 = arith.constant 0 : i32
          %dma_wait3A_344 = arith.constant 0 : i32
          %dma_wait3A_345 = tpu.memref_slice %arg4[%select_n3A, %sub3A_342, %dma_wait3A_343, %dma_wait3A_344] : memref<8x196x16x768xf32, #tpu.memory_space<hbm>> -> memref<1x1x16x768xf32, #tpu.memory_space<hbm>>
          %dma_wait3A_346 = tpu.memref_squeeze %dma_wait3A_345 : memref<1x1x16x768xf32, #tpu.memory_space<hbm>> -> memref<16x768xf32, #tpu.memory_space<hbm>>
          %dma_wait3A_347 = arith.constant 0 : i32
          %dma_wait3A_348 = arith.constant 0 : i32
          %dma_wait3A_349 = tpu.memref_slice %arg4[%select_n3A, %sub3A_342, %dma_wait3A_347, %dma_wait3A_348] : memref<8x196x16x768xf32, #tpu.memory_space<hbm>> -> memref<1x1x16x768xf32, #tpu.memory_space<hbm>>
          %dma_wait3A_350 = tpu.memref_squeeze %dma_wait3A_349 : memref<1x1x16x768xf32, #tpu.memory_space<hbm>> -> memref<16x768xf32, #tpu.memory_space<hbm>>
          tpu.wait_dma2 semaphore(%arg20 : memref<!tpu.dma_semaphore, #tpu.memory_space<semaphore_mem>>) src(%arg8 : memref<16x768xf32, #tpu.memory_space<vmem>>) dst(%dma_wait3A_350 : memref<16x768xf32, #tpu.memory_space<hbm>>)
        } else {
        }
        %add3A_331 = arith.addi %mul3A_20, %add3A_261 : i32
        %dma_start3A_332 = arith.constant 0 : i32
        %dma_start3A_333 = arith.constant 0 : i32
        %dma_start3A_334 = tpu.memref_slice %arg2[%select_n3A, %add3A_331, %dma_start3A_332, %dma_start3A_333] : memref<8x196x16x768xf32, #tpu.memory_space<hbm>> -> memref<1x1x16x768xf32, #tpu.memory_space<hbm>>
        %dma_start3A_335 = tpu.memref_squeeze %dma_start3A_334 : memref<1x1x16x768xf32, #tpu.memory_space<hbm>> -> memref<16x768xf32, #tpu.memory_space<hbm>>
        %dma_start3A_336 = arith.constant 0 : i32
        %dma_start3A_337 = arith.constant 0 : i32
        %dma_start3A_338 = tpu.memref_slice %arg2[%select_n3A, %add3A_331, %dma_start3A_336, %dma_start3A_337] : memref<8x196x16x768xf32, #tpu.memory_space<hbm>> -> memref<1x1x16x768xf32, #tpu.memory_space<hbm>>
        %dma_start3A_339 = tpu.memref_squeeze %dma_start3A_338 : memref<1x1x16x768xf32, #tpu.memory_space<hbm>> -> memref<16x768xf32, #tpu.memory_space<hbm>>
        tpu.enqueue_dma source(%dma_start3A_339 : memref<16x768xf32, #tpu.memory_space<hbm>>) target(%arg8 : memref<16x768xf32, #tpu.memory_space<vmem>>) target_semaphore(%arg14 : memref<!tpu.dma_semaphore, #tpu.memory_space<semaphore_mem>>)
      } else {
      }
      %add3A_267 = arith.constant 4 : i32
      %add3A_268 = arith.addi %add3A_149, %add3A_267 : i32
      %add3A_269 = arith.addi %mul3A_20, %add3A_268 : i32
      %dma_wait3A_270 = arith.constant 0 : i32
      %dma_wait3A_271 = arith.constant 0 : i32
      %dma_wait3A_272 = tpu.memref_slice %arg2[%select_n3A, %add3A_269, %dma_wait3A_270, %dma_wait3A_271] : memref<8x196x16x768xf32, #tpu.memory_space<hbm>> -> memref<1x1x16x768xf32, #tpu.memory_space<hbm>>
      %dma_wait3A_273 = tpu.memref_squeeze %dma_wait3A_272 : memref<1x1x16x768xf32, #tpu.memory_space<hbm>> -> memref<16x768xf32, #tpu.memory_space<hbm>>
      %dma_wait3A_274 = arith.constant 0 : i32
      %dma_wait3A_275 = arith.constant 0 : i32
      %dma_wait3A_276 = tpu.memref_slice %arg2[%select_n3A, %add3A_269, %dma_wait3A_274, %dma_wait3A_275] : memref<8x196x16x768xf32, #tpu.memory_space<hbm>> -> memref<1x1x16x768xf32, #tpu.memory_space<hbm>>
      %dma_wait3A_277 = tpu.memref_squeeze %dma_wait3A_276 : memref<1x1x16x768xf32, #tpu.memory_space<hbm>> -> memref<16x768xf32, #tpu.memory_space<hbm>>
      tpu.wait_dma2 semaphore(%arg18 : memref<!tpu.dma_semaphore, #tpu.memory_space<semaphore_mem>>) src(%dma_wait3A_277 : memref<16x768xf32, #tpu.memory_space<hbm>>) dst(%arg12 : memref<16x768xf32, #tpu.memory_space<vmem>>)
      %parallel_loop3A_278 = arith.constant 0 : i32
      %parallel_loop3A_279 = arith.constant 48 : i32
      %parallel_loop3A_280 = arith.constant 1 : i32
      scf.for %parallel_loop3A_327 = %parallel_loop3A_278 to %parallel_loop3A_279 step %parallel_loop3A_280  : i32 {
        %parallel_loop3A_328 = arith.constant 16 : i32
        %parallel_loop3A_329 = arith.muli %parallel_loop3A_327, %parallel_loop3A_328 : i32
        %parallel_loop3A_330 = arith.index_cast %add3A_268 : i32 to index
        %parallel_loop3A_331 = arith.index_cast %parallel_loop3A_329 : i32 to index
        %parallel_loop3A_332 = tpu.vector_load %arg5[%parallel_loop3A_330, %parallel_loop3A_331] {strides = array<i32>} : memref<48x768xf32, #tpu.memory_space<vmem>>, vector<1x16xf32>,
        %parallel_loop3A_333 = vector.shape_cast %parallel_loop3A_332 : vector<1x16xf32> to vector<16xf32>
        %parallel_loop3A_334 = arith.constant 16 : i32
        %parallel_loop3A_335 = arith.muli %parallel_loop3A_327, %parallel_loop3A_334 : i32
        %parallel_loop3A_336 = arith.constant 0 : i32
        %parallel_loop3A_337 = arith.index_cast %parallel_loop3A_336 : i32 to index
        %parallel_loop3A_338 = arith.index_cast %parallel_loop3A_335 : i32 to index
        %parallel_loop3A_339 = tpu.vector_load %arg12[%parallel_loop3A_337, %parallel_loop3A_338] {strides = array<i32>} : memref<16x768xf32, #tpu.memory_space<vmem>>, vector<1x16xf32>,
        %parallel_loop3A_340 = vector.shape_cast %parallel_loop3A_339 : vector<1x16xf32> to vector<16xf32>
        %parallel_loop3A_341 = vector.shape_cast %parallel_loop3A_333 : vector<16xf32> to vector<1x16xf32>
        tpu.vector_store %arg12[%parallel_loop3A_337, %parallel_loop3A_338], %parallel_loop3A_341 {add = true, strides = array<i32>} : memref<16x768xf32, #tpu.memory_space<vmem>>, vector<1x16xf32>,
        %parallel_loop3A_342 = arith.constant 16 : i32
        %parallel_loop3A_343 = arith.muli %parallel_loop3A_327, %parallel_loop3A_342 : i32
        %parallel_loop3A_344 = arith.constant 1 : i32
        %parallel_loop3A_345 = arith.index_cast %parallel_loop3A_344 : i32 to index
        %parallel_loop3A_346 = arith.index_cast %parallel_loop3A_343 : i32 to index
        %parallel_loop3A_347 = tpu.vector_load %arg12[%parallel_loop3A_345, %parallel_loop3A_346] {strides = array<i32>} : memref<16x768xf32, #tpu.memory_space<vmem>>, vector<1x16xf32>,
        %parallel_loop3A_348 = vector.shape_cast %parallel_loop3A_347 : vector<1x16xf32> to vector<16xf32>
        %parallel_loop3A_349 = vector.shape_cast %parallel_loop3A_333 : vector<16xf32> to vector<1x16xf32>
        tpu.vector_store %arg12[%parallel_loop3A_345, %parallel_loop3A_346], %parallel_loop3A_349 {add = true, strides = array<i32>} : memref<16x768xf32, #tpu.memory_space<vmem>>, vector<1x16xf32>,
        %parallel_loop3A_350 = arith.constant 16 : i32
        %parallel_loop3A_351 = arith.muli %parallel_loop3A_327, %parallel_loop3A_350 : i32
        %parallel_loop3A_352 = arith.constant 2 : i32
        %parallel_loop3A_353 = arith.index_cast %parallel_loop3A_352 : i32 to index
        %parallel_loop3A_354 = arith.index_cast %parallel_loop3A_351 : i32 to index
        %parallel_loop3A_355 = tpu.vector_load %arg12[%parallel_loop3A_353, %parallel_loop3A_354] {strides = array<i32>} : memref<16x768xf32, #tpu.memory_space<vmem>>, vector<1x16xf32>,
        %parallel_loop3A_356 = vector.shape_cast %parallel_loop3A_355 : vector<1x16xf32> to vector<16xf32>
        %parallel_loop3A_357 = vector.shape_cast %parallel_loop3A_333 : vector<16xf32> to vector<1x16xf32>
        tpu.vector_store %arg12[%parallel_loop3A_353, %parallel_loop3A_354], %parallel_loop3A_357 {add = true, strides = array<i32>} : memref<16x768xf32, #tpu.memory_space<vmem>>, vector<1x16xf32>,
        %parallel_loop3A_358 = arith.constant 16 : i32
        %parallel_loop3A_359 = arith.muli %parallel_loop3A_327, %parallel_loop3A_358 : i32
        %parallel_loop3A_360 = arith.constant 3 : i32
        %parallel_loop3A_361 = arith.index_cast %parallel_loop3A_360 : i32 to index
        %parallel_loop3A_362 = arith.index_cast %parallel_loop3A_359 : i32 to index
        %parallel_loop3A_363 = tpu.vector_load %arg12[%parallel_loop3A_361, %parallel_loop3A_362] {strides = array<i32>} : memref<16x768xf32, #tpu.memory_space<vmem>>, vector<1x16xf32>,
        %parallel_loop3A_364 = vector.shape_cast %parallel_loop3A_363 : vector<1x16xf32> to vector<16xf32>
        %parallel_loop3A_365 = vector.shape_cast %parallel_loop3A_333 : vector<16xf32> to vector<1x16xf32>
        tpu.vector_store %arg12[%parallel_loop3A_361, %parallel_loop3A_362], %parallel_loop3A_365 {add = true, strides = array<i32>} : memref<16x768xf32, #tpu.memory_space<vmem>>, vector<1x16xf32>,
        %parallel_loop3A_366 = arith.constant 16 : i32
        %parallel_loop3A_367 = arith.muli %parallel_loop3A_327, %parallel_loop3A_366 : i32
        %parallel_loop3A_368 = arith.constant 4 : i32
        %parallel_loop3A_369 = arith.index_cast %parallel_loop3A_368 : i32 to index
        %parallel_loop3A_370 = arith.index_cast %parallel_loop3A_367 : i32 to index
        %parallel_loop3A_371 = tpu.vector_load %arg12[%parallel_loop3A_369, %parallel_loop3A_370] {strides = array<i32>} : memref<16x768xf32, #tpu.memory_space<vmem>>, vector<1x16xf32>,
        %parallel_loop3A_372 = vector.shape_cast %parallel_loop3A_371 : vector<1x16xf32> to vector<16xf32>
        %parallel_loop3A_373 = vector.shape_cast %parallel_loop3A_333 : vector<16xf32> to vector<1x16xf32>
        tpu.vector_store %arg12[%parallel_loop3A_369, %parallel_loop3A_370], %parallel_loop3A_373 {add = true, strides = array<i32>} : memref<16x768xf32, #tpu.memory_space<vmem>>, vector<1x16xf32>,
        %parallel_loop3A_374 = arith.constant 16 : i32
        %parallel_loop3A_375 = arith.muli %parallel_loop3A_327, %parallel_loop3A_374 : i32
        %parallel_loop3A_376 = arith.constant 5 : i32
        %parallel_loop3A_377 = arith.index_cast %parallel_loop3A_376 : i32 to index
        %parallel_loop3A_378 = arith.index_cast %parallel_loop3A_375 : i32 to index
        %parallel_loop3A_379 = tpu.vector_load %arg12[%parallel_loop3A_377, %parallel_loop3A_378] {strides = array<i32>} : memref<16x768xf32, #tpu.memory_space<vmem>>, vector<1x16xf32>,
        %parallel_loop3A_380 = vector.shape_cast %parallel_loop3A_379 : vector<1x16xf32> to vector<16xf32>
        %parallel_loop3A_381 = vector.shape_cast %parallel_loop3A_333 : vector<16xf32> to vector<1x16xf32>
        tpu.vector_store %arg12[%parallel_loop3A_377, %parallel_loop3A_378], %parallel_loop3A_381 {add = true, strides = array<i32>} : memref<16x768xf32, #tpu.memory_space<vmem>>, vector<1x16xf32>,
        %parallel_loop3A_382 = arith.constant 16 : i32
        %parallel_loop3A_383 = arith.muli %parallel_loop3A_327, %parallel_loop3A_382 : i32
        %parallel_loop3A_384 = arith.constant 6 : i32
        %parallel_loop3A_385 = arith.index_cast %parallel_loop3A_384 : i32 to index
        %parallel_loop3A_386 = arith.index_cast %parallel_loop3A_383 : i32 to index
        %parallel_loop3A_387 = tpu.vector_load %arg12[%parallel_loop3A_385, %parallel_loop3A_386] {strides = array<i32>} : memref<16x768xf32, #tpu.memory_space<vmem>>, vector<1x16xf32>,
        %parallel_loop3A_388 = vector.shape_cast %parallel_loop3A_387 : vector<1x16xf32> to vector<16xf32>
        %parallel_loop3A_389 = vector.shape_cast %parallel_loop3A_333 : vector<16xf32> to vector<1x16xf32>
        tpu.vector_store %arg12[%parallel_loop3A_385, %parallel_loop3A_386], %parallel_loop3A_389 {add = true, strides = array<i32>} : memref<16x768xf32, #tpu.memory_space<vmem>>, vector<1x16xf32>,
        %parallel_loop3A_390 = arith.constant 16 : i32
        %parallel_loop3A_391 = arith.muli %parallel_loop3A_327, %parallel_loop3A_390 : i32
        %parallel_loop3A_392 = arith.constant 7 : i32
        %parallel_loop3A_393 = arith.index_cast %parallel_loop3A_392 : i32 to index
        %parallel_loop3A_394 = arith.index_cast %parallel_loop3A_391 : i32 to index
        %parallel_loop3A_395 = tpu.vector_load %arg12[%parallel_loop3A_393, %parallel_loop3A_394] {strides = array<i32>} : memref<16x768xf32, #tpu.memory_space<vmem>>, vector<1x16xf32>,
        %parallel_loop3A_396 = vector.shape_cast %parallel_loop3A_395 : vector<1x16xf32> to vector<16xf32>
        %parallel_loop3A_397 = vector.shape_cast %parallel_loop3A_333 : vector<16xf32> to vector<1x16xf32>
        tpu.vector_store %arg12[%parallel_loop3A_393, %parallel_loop3A_394], %parallel_loop3A_397 {add = true, strides = array<i32>} : memref<16x768xf32, #tpu.memory_space<vmem>>, vector<1x16xf32>,
        %parallel_loop3A_398 = arith.constant 16 : i32
        %parallel_loop3A_399 = arith.muli %parallel_loop3A_327, %parallel_loop3A_398 : i32
        %parallel_loop3A_400 = arith.constant 8 : i32
        %parallel_loop3A_401 = arith.index_cast %parallel_loop3A_400 : i32 to index
        %parallel_loop3A_402 = arith.index_cast %parallel_loop3A_399 : i32 to index
        %parallel_loop3A_403 = tpu.vector_load %arg12[%parallel_loop3A_401, %parallel_loop3A_402] {strides = array<i32>} : memref<16x768xf32, #tpu.memory_space<vmem>>, vector<1x16xf32>,
        %parallel_loop3A_404 = vector.shape_cast %parallel_loop3A_403 : vector<1x16xf32> to vector<16xf32>
        %parallel_loop3A_405 = vector.shape_cast %parallel_loop3A_333 : vector<16xf32> to vector<1x16xf32>
        tpu.vector_store %arg12[%parallel_loop3A_401, %parallel_loop3A_402], %parallel_loop3A_405 {add = true, strides = array<i32>} : memref<16x768xf32, #tpu.memory_space<vmem>>, vector<1x16xf32>,
        %parallel_loop3A_406 = arith.constant 16 : i32
        %parallel_loop3A_407 = arith.muli %parallel_loop3A_327, %parallel_loop3A_406 : i32
        %parallel_loop3A_408 = arith.constant 9 : i32
        %parallel_loop3A_409 = arith.index_cast %parallel_loop3A_408 : i32 to index
        %parallel_loop3A_410 = arith.index_cast %parallel_loop3A_407 : i32 to index
        %parallel_loop3A_411 = tpu.vector_load %arg12[%parallel_loop3A_409, %parallel_loop3A_410] {strides = array<i32>} : memref<16x768xf32, #tpu.memory_space<vmem>>, vector<1x16xf32>,
        %parallel_loop3A_412 = vector.shape_cast %parallel_loop3A_411 : vector<1x16xf32> to vector<16xf32>
        %parallel_loop3A_413 = vector.shape_cast %parallel_loop3A_333 : vector<16xf32> to vector<1x16xf32>
        tpu.vector_store %arg12[%parallel_loop3A_409, %parallel_loop3A_410], %parallel_loop3A_413 {add = true, strides = array<i32>} : memref<16x768xf32, #tpu.memory_space<vmem>>, vector<1x16xf32>,
        %parallel_loop3A_414 = arith.constant 16 : i32
        %parallel_loop3A_415 = arith.muli %parallel_loop3A_327, %parallel_loop3A_414 : i32
        %parallel_loop3A_416 = arith.constant 10 : i32
        %parallel_loop3A_417 = arith.index_cast %parallel_loop3A_416 : i32 to index
        %parallel_loop3A_418 = arith.index_cast %parallel_loop3A_415 : i32 to index
        %parallel_loop3A_419 = tpu.vector_load %arg12[%parallel_loop3A_417, %parallel_loop3A_418] {strides = array<i32>} : memref<16x768xf32, #tpu.memory_space<vmem>>, vector<1x16xf32>,
        %parallel_loop3A_420 = vector.shape_cast %parallel_loop3A_419 : vector<1x16xf32> to vector<16xf32>
        %parallel_loop3A_421 = vector.shape_cast %parallel_loop3A_333 : vector<16xf32> to vector<1x16xf32>
        tpu.vector_store %arg12[%parallel_loop3A_417, %parallel_loop3A_418], %parallel_loop3A_421 {add = true, strides = array<i32>} : memref<16x768xf32, #tpu.memory_space<vmem>>, vector<1x16xf32>,
        %parallel_loop3A_422 = arith.constant 16 : i32
        %parallel_loop3A_423 = arith.muli %parallel_loop3A_327, %parallel_loop3A_422 : i32
        %parallel_loop3A_424 = arith.constant 11 : i32
        %parallel_loop3A_425 = arith.index_cast %parallel_loop3A_424 : i32 to index
        %parallel_loop3A_426 = arith.index_cast %parallel_loop3A_423 : i32 to index
        %parallel_loop3A_427 = tpu.vector_load %arg12[%parallel_loop3A_425, %parallel_loop3A_426] {strides = array<i32>} : memref<16x768xf32, #tpu.memory_space<vmem>>, vector<1x16xf32>,
        %parallel_loop3A_428 = vector.shape_cast %parallel_loop3A_427 : vector<1x16xf32> to vector<16xf32>
        %parallel_loop3A_429 = vector.shape_cast %parallel_loop3A_333 : vector<16xf32> to vector<1x16xf32>
        tpu.vector_store %arg12[%parallel_loop3A_425, %parallel_loop3A_426], %parallel_loop3A_429 {add = true, strides = array<i32>} : memref<16x768xf32, #tpu.memory_space<vmem>>, vector<1x16xf32>,
        %parallel_loop3A_430 = arith.constant 16 : i32
        %parallel_loop3A_431 = arith.muli %parallel_loop3A_327, %parallel_loop3A_430 : i32
        %parallel_loop3A_432 = arith.constant 12 : i32
        %parallel_loop3A_433 = arith.index_cast %parallel_loop3A_432 : i32 to index
        %parallel_loop3A_434 = arith.index_cast %parallel_loop3A_431 : i32 to index
        %parallel_loop3A_435 = tpu.vector_load %arg12[%parallel_loop3A_433, %parallel_loop3A_434] {strides = array<i32>} : memref<16x768xf32, #tpu.memory_space<vmem>>, vector<1x16xf32>,
        %parallel_loop3A_436 = vector.shape_cast %parallel_loop3A_435 : vector<1x16xf32> to vector<16xf32>
        %parallel_loop3A_437 = vector.shape_cast %parallel_loop3A_333 : vector<16xf32> to vector<1x16xf32>
        tpu.vector_store %arg12[%parallel_loop3A_433, %parallel_loop3A_434], %parallel_loop3A_437 {add = true, strides = array<i32>} : memref<16x768xf32, #tpu.memory_space<vmem>>, vector<1x16xf32>,
        %parallel_loop3A_438 = arith.constant 16 : i32
        %parallel_loop3A_439 = arith.muli %parallel_loop3A_327, %parallel_loop3A_438 : i32
        %parallel_loop3A_440 = arith.constant 13 : i32
        %parallel_loop3A_441 = arith.index_cast %parallel_loop3A_440 : i32 to index
        %parallel_loop3A_442 = arith.index_cast %parallel_loop3A_439 : i32 to index
        %parallel_loop3A_443 = tpu.vector_load %arg12[%parallel_loop3A_441, %parallel_loop3A_442] {strides = array<i32>} : memref<16x768xf32, #tpu.memory_space<vmem>>, vector<1x16xf32>,
        %parallel_loop3A_444 = vector.shape_cast %parallel_loop3A_443 : vector<1x16xf32> to vector<16xf32>
        %parallel_loop3A_445 = vector.shape_cast %parallel_loop3A_333 : vector<16xf32> to vector<1x16xf32>
        tpu.vector_store %arg12[%parallel_loop3A_441, %parallel_loop3A_442], %parallel_loop3A_445 {add = true, strides = array<i32>} : memref<16x768xf32, #tpu.memory_space<vmem>>, vector<1x16xf32>,
        %parallel_loop3A_446 = arith.constant 16 : i32
        %parallel_loop3A_447 = arith.muli %parallel_loop3A_327, %parallel_loop3A_446 : i32
        %parallel_loop3A_448 = arith.constant 14 : i32
        %parallel_loop3A_449 = arith.index_cast %parallel_loop3A_448 : i32 to index
        %parallel_loop3A_450 = arith.index_cast %parallel_loop3A_447 : i32 to index
        %parallel_loop3A_451 = tpu.vector_load %arg12[%parallel_loop3A_449, %parallel_loop3A_450] {strides = array<i32>} : memref<16x768xf32, #tpu.memory_space<vmem>>, vector<1x16xf32>,
        %parallel_loop3A_452 = vector.shape_cast %parallel_loop3A_451 : vector<1x16xf32> to vector<16xf32>
        %parallel_loop3A_453 = vector.shape_cast %parallel_loop3A_333 : vector<16xf32> to vector<1x16xf32>
        tpu.vector_store %arg12[%parallel_loop3A_449, %parallel_loop3A_450], %parallel_loop3A_453 {add = true, strides = array<i32>} : memref<16x768xf32, #tpu.memory_space<vmem>>, vector<1x16xf32>,
        %parallel_loop3A_454 = arith.constant 16 : i32
        %parallel_loop3A_455 = arith.muli %parallel_loop3A_327, %parallel_loop3A_454 : i32
        %parallel_loop3A_456 = arith.constant 15 : i32
        %parallel_loop3A_457 = arith.index_cast %parallel_loop3A_456 : i32 to index
        %parallel_loop3A_458 = arith.index_cast %parallel_loop3A_455 : i32 to index
        %parallel_loop3A_459 = tpu.vector_load %arg12[%parallel_loop3A_457, %parallel_loop3A_458] {strides = array<i32>} : memref<16x768xf32, #tpu.memory_space<vmem>>, vector<1x16xf32>,
        %parallel_loop3A_460 = vector.shape_cast %parallel_loop3A_459 : vector<1x16xf32> to vector<16xf32>
        %parallel_loop3A_461 = vector.shape_cast %parallel_loop3A_333 : vector<16xf32> to vector<1x16xf32>
        tpu.vector_store %arg12[%parallel_loop3A_457, %parallel_loop3A_458], %parallel_loop3A_461 {add = true, strides = array<i32>} : memref<16x768xf32, #tpu.memory_space<vmem>>, vector<1x16xf32>,
      } {sc.loop_unroll_factor = 2 : i64, sc.parallel_access}
      %add3A_281 = arith.addi %mul3A_20, %add3A_268 : i32
      %dma_start3A_282 = arith.constant 0 : i32
      %dma_start3A_283 = arith.constant 0 : i32
      %dma_start3A_284 = tpu.memref_slice %arg4[%select_n3A, %add3A_281, %dma_start3A_282, %dma_start3A_283] : memref<8x196x16x768xf32, #tpu.memory_space<hbm>> -> memref<1x1x16x768xf32, #tpu.memory_space<hbm>>
      %dma_start3A_285 = tpu.memref_squeeze %dma_start3A_284 : memref<1x1x16x768xf32, #tpu.memory_space<hbm>> -> memref<16x768xf32, #tpu.memory_space<hbm>>
      %dma_start3A_286 = arith.constant 0 : i32
      %dma_start3A_287 = arith.constant 0 : i32
      %dma_start3A_288 = tpu.memref_slice %arg4[%select_n3A, %add3A_281, %dma_start3A_286, %dma_start3A_287] : memref<8x196x16x768xf32, #tpu.memory_space<hbm>> -> memref<1x1x16x768xf32, #tpu.memory_space<hbm>>
      %dma_start3A_289 = tpu.memref_squeeze %dma_start3A_288 : memref<1x1x16x768xf32, #tpu.memory_space<hbm>> -> memref<16x768xf32, #tpu.memory_space<hbm>>
      tpu.enqueue_dma source(%arg12 : memref<16x768xf32, #tpu.memory_space<vmem>>) target(%dma_start3A_289 : memref<16x768xf32, #tpu.memory_space<hbm>>) target_semaphore(%arg24 : memref<!tpu.dma_semaphore, #tpu.memory_space<semaphore_mem>>)
      %add3A_290 = arith.constant 3 : i32
      %add3A_291 = arith.addi %add3A_268, %add3A_290 : i32
      %lt3A_292 = arith.constant 48 : i32
      %lt3A_293 = arith.cmpi slt, %add3A_291, %lt3A_292 : i32
      %convert_element_type3A_294 = arith.extui %lt3A_293 : i1 to i32
      %cond3A_295 = arith.constant 0 : i32
      %cond3A_296 = arith.cmpi ne, %convert_element_type3A_294, %cond3A_295 : i32
      scf.if %cond3A_296 {
        %ge3A = arith.constant 6 : i32
        %ge3A_327 = arith.cmpi sge, %add3A_291, %ge3A : i32
        %convert_element_type3A_328 = arith.extui %ge3A_327 : i1 to i32
        %cond3A_329 = arith.constant 0 : i32
        %cond3A_330 = arith.cmpi ne, %convert_element_type3A_328, %cond3A_329 : i32
        scf.if %cond3A_330 {
          %add3A_340 = arith.addi %mul3A_20, %add3A_291 : i32
          %sub3A_341 = arith.constant 6 : i32
          %sub3A_342 = arith.subi %add3A_340, %sub3A_341 : i32
          %dma_wait3A_343 = arith.constant 0 : i32
          %dma_wait3A_344 = arith.constant 0 : i32
          %dma_wait3A_345 = tpu.memref_slice %arg4[%select_n3A, %sub3A_342, %dma_wait3A_343, %dma_wait3A_344] : memref<8x196x16x768xf32, #tpu.memory_space<hbm>> -> memref<1x1x16x768xf32, #tpu.memory_space<hbm>>
          %dma_wait3A_346 = tpu.memref_squeeze %dma_wait3A_345 : memref<1x1x16x768xf32, #tpu.memory_space<hbm>> -> memref<16x768xf32, #tpu.memory_space<hbm>>
          %dma_wait3A_347 = arith.constant 0 : i32
          %dma_wait3A_348 = arith.constant 0 : i32
          %dma_wait3A_349 = tpu.memref_slice %arg4[%select_n3A, %sub3A_342, %dma_wait3A_347, %dma_wait3A_348] : memref<8x196x16x768xf32, #tpu.memory_space<hbm>> -> memref<1x1x16x768xf32, #tpu.memory_space<hbm>>
          %dma_wait3A_350 = tpu.memref_squeeze %dma_wait3A_349 : memref<1x1x16x768xf32, #tpu.memory_space<hbm>> -> memref<16x768xf32, #tpu.memory_space<hbm>>
          tpu.wait_dma2 semaphore(%arg21 : memref<!tpu.dma_semaphore, #tpu.memory_space<semaphore_mem>>) src(%arg9 : memref<16x768xf32, #tpu.memory_space<vmem>>) dst(%dma_wait3A_350 : memref<16x768xf32, #tpu.memory_space<hbm>>)
        } else {
        }
        %add3A_331 = arith.addi %mul3A_20, %add3A_291 : i32
        %dma_start3A_332 = arith.constant 0 : i32
        %dma_start3A_333 = arith.constant 0 : i32
        %dma_start3A_334 = tpu.memref_slice %arg2[%select_n3A, %add3A_331, %dma_start3A_332, %dma_start3A_333] : memref<8x196x16x768xf32, #tpu.memory_space<hbm>> -> memref<1x1x16x768xf32, #tpu.memory_space<hbm>>
        %dma_start3A_335 = tpu.memref_squeeze %dma_start3A_334 : memref<1x1x16x768xf32, #tpu.memory_space<hbm>> -> memref<16x768xf32, #tpu.memory_space<hbm>>
        %dma_start3A_336 = arith.constant 0 : i32
        %dma_start3A_337 = arith.constant 0 : i32
        %dma_start3A_338 = tpu.memref_slice %arg2[%select_n3A, %add3A_331, %dma_start3A_336, %dma_start3A_337] : memref<8x196x16x768xf32, #tpu.memory_space<hbm>> -> memref<1x1x16x768xf32, #tpu.memory_space<hbm>>
        %dma_start3A_339 = tpu.memref_squeeze %dma_start3A_338 : memref<1x1x16x768xf32, #tpu.memory_space<hbm>> -> memref<16x768xf32, #tpu.memory_space<hbm>>
        tpu.enqueue_dma source(%dma_start3A_339 : memref<16x768xf32, #tpu.memory_space<hbm>>) target(%arg9 : memref<16x768xf32, #tpu.memory_space<vmem>>) target_semaphore(%arg15 : memref<!tpu.dma_semaphore, #tpu.memory_space<semaphore_mem>>)
      } else {
      }
      %add3A_297 = arith.constant 5 : i32
      %add3A_298 = arith.addi %add3A_149, %add3A_297 : i32
      %add3A_299 = arith.addi %mul3A_20, %add3A_298 : i32
      %dma_wait3A_300 = arith.constant 0 : i32
      %dma_wait3A_301 = arith.constant 0 : i32
      %dma_wait3A_302 = tpu.memref_slice %arg2[%select_n3A, %add3A_299, %dma_wait3A_300, %dma_wait3A_301] : memref<8x196x16x768xf32, #tpu.memory_space<hbm>> -> memref<1x1x16x768xf32, #tpu.memory_space<hbm>>
      %dma_wait3A_303 = tpu.memref_squeeze %dma_wait3A_302 : memref<1x1x16x768xf32, #tpu.memory_space<hbm>> -> memref<16x768xf32, #tpu.memory_space<hbm>>
      %dma_wait3A_304 = arith.constant 0 : i32
      %dma_wait3A_305 = arith.constant 0 : i32
      %dma_wait3A_306 = tpu.memref_slice %arg2[%select_n3A, %add3A_299, %dma_wait3A_304, %dma_wait3A_305] : memref<8x196x16x768xf32, #tpu.memory_space<hbm>> -> memref<1x1x16x768xf32, #tpu.memory_space<hbm>>
      %dma_wait3A_307 = tpu.memref_squeeze %dma_wait3A_306 : memref<1x1x16x768xf32, #tpu.memory_space<hbm>> -> memref<16x768xf32, #tpu.memory_space<hbm>>
      tpu.wait_dma2 semaphore(%arg19 : memref<!tpu.dma_semaphore, #tpu.memory_space<semaphore_mem>>) src(%dma_wait3A_307 : memref<16x768xf32, #tpu.memory_space<hbm>>) dst(%arg13 : memref<16x768xf32, #tpu.memory_space<vmem>>)
      %parallel_loop3A_308 = arith.constant 0 : i32
      %parallel_loop3A_309 = arith.constant 48 : i32
      %parallel_loop3A_310 = arith.constant 1 : i32
      scf.for %parallel_loop3A_327 = %parallel_loop3A_308 to %parallel_loop3A_309 step %parallel_loop3A_310  : i32 {
        %parallel_loop3A_328 = arith.constant 16 : i32
        %parallel_loop3A_329 = arith.muli %parallel_loop3A_327, %parallel_loop3A_328 : i32
        %parallel_loop3A_330 = arith.index_cast %add3A_298 : i32 to index
        %parallel_loop3A_331 = arith.index_cast %parallel_loop3A_329 : i32 to index
        %parallel_loop3A_332 = tpu.vector_load %arg5[%parallel_loop3A_330, %parallel_loop3A_331] {strides = array<i32>} : memref<48x768xf32, #tpu.memory_space<vmem>>, vector<1x16xf32>,
        %parallel_loop3A_333 = vector.shape_cast %parallel_loop3A_332 : vector<1x16xf32> to vector<16xf32>
        %parallel_loop3A_334 = arith.constant 16 : i32
        %parallel_loop3A_335 = arith.muli %parallel_loop3A_327, %parallel_loop3A_334 : i32
        %parallel_loop3A_336 = arith.constant 0 : i32
        %parallel_loop3A_337 = arith.index_cast %parallel_loop3A_336 : i32 to index
        %parallel_loop3A_338 = arith.index_cast %parallel_loop3A_335 : i32 to index
        %parallel_loop3A_339 = tpu.vector_load %arg13[%parallel_loop3A_337, %parallel_loop3A_338] {strides = array<i32>} : memref<16x768xf32, #tpu.memory_space<vmem>>, vector<1x16xf32>,
        %parallel_loop3A_340 = vector.shape_cast %parallel_loop3A_339 : vector<1x16xf32> to vector<16xf32>
        %parallel_loop3A_341 = vector.shape_cast %parallel_loop3A_333 : vector<16xf32> to vector<1x16xf32>
        tpu.vector_store %arg13[%parallel_loop3A_337, %parallel_loop3A_338], %parallel_loop3A_341 {add = true, strides = array<i32>} : memref<16x768xf32, #tpu.memory_space<vmem>>, vector<1x16xf32>,
        %parallel_loop3A_342 = arith.constant 16 : i32
        %parallel_loop3A_343 = arith.muli %parallel_loop3A_327, %parallel_loop3A_342 : i32
        %parallel_loop3A_344 = arith.constant 1 : i32
        %parallel_loop3A_345 = arith.index_cast %parallel_loop3A_344 : i32 to index
        %parallel_loop3A_346 = arith.index_cast %parallel_loop3A_343 : i32 to index
        %parallel_loop3A_347 = tpu.vector_load %arg13[%parallel_loop3A_345, %parallel_loop3A_346] {strides = array<i32>} : memref<16x768xf32, #tpu.memory_space<vmem>>, vector<1x16xf32>,
        %parallel_loop3A_348 = vector.shape_cast %parallel_loop3A_347 : vector<1x16xf32> to vector<16xf32>
        %parallel_loop3A_349 = vector.shape_cast %parallel_loop3A_333 : vector<16xf32> to vector<1x16xf32>
        tpu.vector_store %arg13[%parallel_loop3A_345, %parallel_loop3A_346], %parallel_loop3A_349 {add = true, strides = array<i32>} : memref<16x768xf32, #tpu.memory_space<vmem>>, vector<1x16xf32>,
        %parallel_loop3A_350 = arith.constant 16 : i32
        %parallel_loop3A_351 = arith.muli %parallel_loop3A_327, %parallel_loop3A_350 : i32
        %parallel_loop3A_352 = arith.constant 2 : i32
        %parallel_loop3A_353 = arith.index_cast %parallel_loop3A_352 : i32 to index
        %parallel_loop3A_354 = arith.index_cast %parallel_loop3A_351 : i32 to index
        %parallel_loop3A_355 = tpu.vector_load %arg13[%parallel_loop3A_353, %parallel_loop3A_354] {strides = array<i32>} : memref<16x768xf32, #tpu.memory_space<vmem>>, vector<1x16xf32>,
        %parallel_loop3A_356 = vector.shape_cast %parallel_loop3A_355 : vector<1x16xf32> to vector<16xf32>
        %parallel_loop3A_357 = vector.shape_cast %parallel_loop3A_333 : vector<16xf32> to vector<1x16xf32>
        tpu.vector_store %arg13[%parallel_loop3A_353, %parallel_loop3A_354], %parallel_loop3A_357 {add = true, strides = array<i32>} : memref<16x768xf32, #tpu.memory_space<vmem>>, vector<1x16xf32>,
        %parallel_loop3A_358 = arith.constant 16 : i32
        %parallel_loop3A_359 = arith.muli %parallel_loop3A_327, %parallel_loop3A_358 : i32
        %parallel_loop3A_360 = arith.constant 3 : i32
        %parallel_loop3A_361 = arith.index_cast %parallel_loop3A_360 : i32 to index
        %parallel_loop3A_362 = arith.index_cast %parallel_loop3A_359 : i32 to index
        %parallel_loop3A_363 = tpu.vector_load %arg13[%parallel_loop3A_361, %parallel_loop3A_362] {strides = array<i32>} : memref<16x768xf32, #tpu.memory_space<vmem>>, vector<1x16xf32>,
        %parallel_loop3A_364 = vector.shape_cast %parallel_loop3A_363 : vector<1x16xf32> to vector<16xf32>
        %parallel_loop3A_365 = vector.shape_cast %parallel_loop3A_333 : vector<16xf32> to vector<1x16xf32>
        tpu.vector_store %arg13[%parallel_loop3A_361, %parallel_loop3A_362], %parallel_loop3A_365 {add = true, strides = array<i32>} : memref<16x768xf32, #tpu.memory_space<vmem>>, vector<1x16xf32>,
        %parallel_loop3A_366 = arith.constant 16 : i32
        %parallel_loop3A_367 = arith.muli %parallel_loop3A_327, %parallel_loop3A_366 : i32
        %parallel_loop3A_368 = arith.constant 4 : i32
        %parallel_loop3A_369 = arith.index_cast %parallel_loop3A_368 : i32 to index
        %parallel_loop3A_370 = arith.index_cast %parallel_loop3A_367 : i32 to index
        %parallel_loop3A_371 = tpu.vector_load %arg13[%parallel_loop3A_369, %parallel_loop3A_370] {strides = array<i32>} : memref<16x768xf32, #tpu.memory_space<vmem>>, vector<1x16xf32>,
        %parallel_loop3A_372 = vector.shape_cast %parallel_loop3A_371 : vector<1x16xf32> to vector<16xf32>
        %parallel_loop3A_373 = vector.shape_cast %parallel_loop3A_333 : vector<16xf32> to vector<1x16xf32>
        tpu.vector_store %arg13[%parallel_loop3A_369, %parallel_loop3A_370], %parallel_loop3A_373 {add = true, strides = array<i32>} : memref<16x768xf32, #tpu.memory_space<vmem>>, vector<1x16xf32>,
        %parallel_loop3A_374 = arith.constant 16 : i32
        %parallel_loop3A_375 = arith.muli %parallel_loop3A_327, %parallel_loop3A_374 : i32
        %parallel_loop3A_376 = arith.constant 5 : i32
        %parallel_loop3A_377 = arith.index_cast %parallel_loop3A_376 : i32 to index
        %parallel_loop3A_378 = arith.index_cast %parallel_loop3A_375 : i32 to index
        %parallel_loop3A_379 = tpu.vector_load %arg13[%parallel_loop3A_377, %parallel_loop3A_378] {strides = array<i32>} : memref<16x768xf32, #tpu.memory_space<vmem>>, vector<1x16xf32>,
        %parallel_loop3A_380 = vector.shape_cast %parallel_loop3A_379 : vector<1x16xf32> to vector<16xf32>
        %parallel_loop3A_381 = vector.shape_cast %parallel_loop3A_333 : vector<16xf32> to vector<1x16xf32>
        tpu.vector_store %arg13[%parallel_loop3A_377, %parallel_loop3A_378], %parallel_loop3A_381 {add = true, strides = array<i32>} : memref<16x768xf32, #tpu.memory_space<vmem>>, vector<1x16xf32>,
        %parallel_loop3A_382 = arith.constant 16 : i32
        %parallel_loop3A_383 = arith.muli %parallel_loop3A_327, %parallel_loop3A_382 : i32
        %parallel_loop3A_384 = arith.constant 6 : i32
        %parallel_loop3A_385 = arith.index_cast %parallel_loop3A_384 : i32 to index
        %parallel_loop3A_386 = arith.index_cast %parallel_loop3A_383 : i32 to index
        %parallel_loop3A_387 = tpu.vector_load %arg13[%parallel_loop3A_385, %parallel_loop3A_386] {strides = array<i32>} : memref<16x768xf32, #tpu.memory_space<vmem>>, vector<1x16xf32>,
        %parallel_loop3A_388 = vector.shape_cast %parallel_loop3A_387 : vector<1x16xf32> to vector<16xf32>
        %parallel_loop3A_389 = vector.shape_cast %parallel_loop3A_333 : vector<16xf32> to vector<1x16xf32>
        tpu.vector_store %arg13[%parallel_loop3A_385, %parallel_loop3A_386], %parallel_loop3A_389 {add = true, strides = array<i32>} : memref<16x768xf32, #tpu.memory_space<vmem>>, vector<1x16xf32>,
        %parallel_loop3A_390 = arith.constant 16 : i32
        %parallel_loop3A_391 = arith.muli %parallel_loop3A_327, %parallel_loop3A_390 : i32
        %parallel_loop3A_392 = arith.constant 7 : i32
        %parallel_loop3A_393 = arith.index_cast %parallel_loop3A_392 : i32 to index
        %parallel_loop3A_394 = arith.index_cast %parallel_loop3A_391 : i32 to index
        %parallel_loop3A_395 = tpu.vector_load %arg13[%parallel_loop3A_393, %parallel_loop3A_394] {strides = array<i32>} : memref<16x768xf32, #tpu.memory_space<vmem>>, vector<1x16xf32>,
        %parallel_loop3A_396 = vector.shape_cast %parallel_loop3A_395 : vector<1x16xf32> to vector<16xf32>
        %parallel_loop3A_397 = vector.shape_cast %parallel_loop3A_333 : vector<16xf32> to vector<1x16xf32>
        tpu.vector_store %arg13[%parallel_loop3A_393, %parallel_loop3A_394], %parallel_loop3A_397 {add = true, strides = array<i32>} : memref<16x768xf32, #tpu.memory_space<vmem>>, vector<1x16xf32>,
        %parallel_loop3A_398 = arith.constant 16 : i32
        %parallel_loop3A_399 = arith.muli %parallel_loop3A_327, %parallel_loop3A_398 : i32
        %parallel_loop3A_400 = arith.constant 8 : i32
        %parallel_loop3A_401 = arith.index_cast %parallel_loop3A_400 : i32 to index
        %parallel_loop3A_402 = arith.index_cast %parallel_loop3A_399 : i32 to index
        %parallel_loop3A_403 = tpu.vector_load %arg13[%parallel_loop3A_401, %parallel_loop3A_402] {strides = array<i32>} : memref<16x768xf32, #tpu.memory_space<vmem>>, vector<1x16xf32>,
        %parallel_loop3A_404 = vector.shape_cast %parallel_loop3A_403 : vector<1x16xf32> to vector<16xf32>
        %parallel_loop3A_405 = vector.shape_cast %parallel_loop3A_333 : vector<16xf32> to vector<1x16xf32>
        tpu.vector_store %arg13[%parallel_loop3A_401, %parallel_loop3A_402], %parallel_loop3A_405 {add = true, strides = array<i32>} : memref<16x768xf32, #tpu.memory_space<vmem>>, vector<1x16xf32>,
        %parallel_loop3A_406 = arith.constant 16 : i32
        %parallel_loop3A_407 = arith.muli %parallel_loop3A_327, %parallel_loop3A_406 : i32
        %parallel_loop3A_408 = arith.constant 9 : i32
        %parallel_loop3A_409 = arith.index_cast %parallel_loop3A_408 : i32 to index
        %parallel_loop3A_410 = arith.index_cast %parallel_loop3A_407 : i32 to index
        %parallel_loop3A_411 = tpu.vector_load %arg13[%parallel_loop3A_409, %parallel_loop3A_410] {strides = array<i32>} : memref<16x768xf32, #tpu.memory_space<vmem>>, vector<1x16xf32>,
        %parallel_loop3A_412 = vector.shape_cast %parallel_loop3A_411 : vector<1x16xf32> to vector<16xf32>
        %parallel_loop3A_413 = vector.shape_cast %parallel_loop3A_333 : vector<16xf32> to vector<1x16xf32>
        tpu.vector_store %arg13[%parallel_loop3A_409, %parallel_loop3A_410], %parallel_loop3A_413 {add = true, strides = array<i32>} : memref<16x768xf32, #tpu.memory_space<vmem>>, vector<1x16xf32>,
        %parallel_loop3A_414 = arith.constant 16 : i32
        %parallel_loop3A_415 = arith.muli %parallel_loop3A_327, %parallel_loop3A_414 : i32
        %parallel_loop3A_416 = arith.constant 10 : i32
        %parallel_loop3A_417 = arith.index_cast %parallel_loop3A_416 : i32 to index
        %parallel_loop3A_418 = arith.index_cast %parallel_loop3A_415 : i32 to index
        %parallel_loop3A_419 = tpu.vector_load %arg13[%parallel_loop3A_417, %parallel_loop3A_418] {strides = array<i32>} : memref<16x768xf32, #tpu.memory_space<vmem>>, vector<1x16xf32>,
        %parallel_loop3A_420 = vector.shape_cast %parallel_loop3A_419 : vector<1x16xf32> to vector<16xf32>
        %parallel_loop3A_421 = vector.shape_cast %parallel_loop3A_333 : vector<16xf32> to vector<1x16xf32>
        tpu.vector_store %arg13[%parallel_loop3A_417, %parallel_loop3A_418], %parallel_loop3A_421 {add = true, strides = array<i32>} : memref<16x768xf32, #tpu.memory_space<vmem>>, vector<1x16xf32>,
        %parallel_loop3A_422 = arith.constant 16 : i32
        %parallel_loop3A_423 = arith.muli %parallel_loop3A_327, %parallel_loop3A_422 : i32
        %parallel_loop3A_424 = arith.constant 11 : i32
        %parallel_loop3A_425 = arith.index_cast %parallel_loop3A_424 : i32 to index
        %parallel_loop3A_426 = arith.index_cast %parallel_loop3A_423 : i32 to index
        %parallel_loop3A_427 = tpu.vector_load %arg13[%parallel_loop3A_425, %parallel_loop3A_426] {strides = array<i32>} : memref<16x768xf32, #tpu.memory_space<vmem>>, vector<1x16xf32>,
        %parallel_loop3A_428 = vector.shape_cast %parallel_loop3A_427 : vector<1x16xf32> to vector<16xf32>
        %parallel_loop3A_429 = vector.shape_cast %parallel_loop3A_333 : vector<16xf32> to vector<1x16xf32>
        tpu.vector_store %arg13[%parallel_loop3A_425, %parallel_loop3A_426], %parallel_loop3A_429 {add = true, strides = array<i32>} : memref<16x768xf32, #tpu.memory_space<vmem>>, vector<1x16xf32>,
        %parallel_loop3A_430 = arith.constant 16 : i32
        %parallel_loop3A_431 = arith.muli %parallel_loop3A_327, %parallel_loop3A_430 : i32
        %parallel_loop3A_432 = arith.constant 12 : i32
        %parallel_loop3A_433 = arith.index_cast %parallel_loop3A_432 : i32 to index
        %parallel_loop3A_434 = arith.index_cast %parallel_loop3A_431 : i32 to index
        %parallel_loop3A_435 = tpu.vector_load %arg13[%parallel_loop3A_433, %parallel_loop3A_434] {strides = array<i32>} : memref<16x768xf32, #tpu.memory_space<vmem>>, vector<1x16xf32>,
        %parallel_loop3A_436 = vector.shape_cast %parallel_loop3A_435 : vector<1x16xf32> to vector<16xf32>
        %parallel_loop3A_437 = vector.shape_cast %parallel_loop3A_333 : vector<16xf32> to vector<1x16xf32>
        tpu.vector_store %arg13[%parallel_loop3A_433, %parallel_loop3A_434], %parallel_loop3A_437 {add = true, strides = array<i32>} : memref<16x768xf32, #tpu.memory_space<vmem>>, vector<1x16xf32>,
        %parallel_loop3A_438 = arith.constant 16 : i32
        %parallel_loop3A_439 = arith.muli %parallel_loop3A_327, %parallel_loop3A_438 : i32
        %parallel_loop3A_440 = arith.constant 13 : i32
        %parallel_loop3A_441 = arith.index_cast %parallel_loop3A_440 : i32 to index
        %parallel_loop3A_442 = arith.index_cast %parallel_loop3A_439 : i32 to index
        %parallel_loop3A_443 = tpu.vector_load %arg13[%parallel_loop3A_441, %parallel_loop3A_442] {strides = array<i32>} : memref<16x768xf32, #tpu.memory_space<vmem>>, vector<1x16xf32>,
        %parallel_loop3A_444 = vector.shape_cast %parallel_loop3A_443 : vector<1x16xf32> to vector<16xf32>
        %parallel_loop3A_445 = vector.shape_cast %parallel_loop3A_333 : vector<16xf32> to vector<1x16xf32>
        tpu.vector_store %arg13[%parallel_loop3A_441, %parallel_loop3A_442], %parallel_loop3A_445 {add = true, strides = array<i32>} : memref<16x768xf32, #tpu.memory_space<vmem>>, vector<1x16xf32>,
        %parallel_loop3A_446 = arith.constant 16 : i32
        %parallel_loop3A_447 = arith.muli %parallel_loop3A_327, %parallel_loop3A_446 : i32
        %parallel_loop3A_448 = arith.constant 14 : i32
        %parallel_loop3A_449 = arith.index_cast %parallel_loop3A_448 : i32 to index
        %parallel_loop3A_450 = arith.index_cast %parallel_loop3A_447 : i32 to index
        %parallel_loop3A_451 = tpu.vector_load %arg13[%parallel_loop3A_449, %parallel_loop3A_450] {strides = array<i32>} : memref<16x768xf32, #tpu.memory_space<vmem>>, vector<1x16xf32>,
        %parallel_loop3A_452 = vector.shape_cast %parallel_loop3A_451 : vector<1x16xf32> to vector<16xf32>
        %parallel_loop3A_453 = vector.shape_cast %parallel_loop3A_333 : vector<16xf32> to vector<1x16xf32>
        tpu.vector_store %arg13[%parallel_loop3A_449, %parallel_loop3A_450], %parallel_loop3A_453 {add = true, strides = array<i32>} : memref<16x768xf32, #tpu.memory_space<vmem>>, vector<1x16xf32>,
        %parallel_loop3A_454 = arith.constant 16 : i32
        %parallel_loop3A_455 = arith.muli %parallel_loop3A_327, %parallel_loop3A_454 : i32
        %parallel_loop3A_456 = arith.constant 15 : i32
        %parallel_loop3A_457 = arith.index_cast %parallel_loop3A_456 : i32 to index
        %parallel_loop3A_458 = arith.index_cast %parallel_loop3A_455 : i32 to index
        %parallel_loop3A_459 = tpu.vector_load %arg13[%parallel_loop3A_457, %parallel_loop3A_458] {strides = array<i32>} : memref<16x768xf32, #tpu.memory_space<vmem>>, vector<1x16xf32>,
        %parallel_loop3A_460 = vector.shape_cast %parallel_loop3A_459 : vector<1x16xf32> to vector<16xf32>
        %parallel_loop3A_461 = vector.shape_cast %parallel_loop3A_333 : vector<16xf32> to vector<1x16xf32>
        tpu.vector_store %arg13[%parallel_loop3A_457, %parallel_loop3A_458], %parallel_loop3A_461 {add = true, strides = array<i32>} : memref<16x768xf32, #tpu.memory_space<vmem>>, vector<1x16xf32>,
      } {sc.loop_unroll_factor = 2 : i64, sc.parallel_access}
      %add3A_311 = arith.addi %mul3A_20, %add3A_298 : i32
      %dma_start3A_312 = arith.constant 0 : i32
      %dma_start3A_313 = arith.constant 0 : i32
      %dma_start3A_314 = tpu.memref_slice %arg4[%select_n3A, %add3A_311, %dma_start3A_312, %dma_start3A_313] : memref<8x196x16x768xf32, #tpu.memory_space<hbm>> -> memref<1x1x16x768xf32, #tpu.memory_space<hbm>>
      %dma_start3A_315 = tpu.memref_squeeze %dma_start3A_314 : memref<1x1x16x768xf32, #tpu.memory_space<hbm>> -> memref<16x768xf32, #tpu.memory_space<hbm>>
      %dma_start3A_316 = arith.constant 0 : i32
      %dma_start3A_317 = arith.constant 0 : i32
      %dma_start3A_318 = tpu.memref_slice %arg4[%select_n3A, %add3A_311, %dma_start3A_316, %dma_start3A_317] : memref<8x196x16x768xf32, #tpu.memory_space<hbm>> -> memref<1x1x16x768xf32, #tpu.memory_space<hbm>>
      %dma_start3A_319 = tpu.memref_squeeze %dma_start3A_318 : memref<1x1x16x768xf32, #tpu.memory_space<hbm>> -> memref<16x768xf32, #tpu.memory_space<hbm>>
      tpu.enqueue_dma source(%arg13 : memref<16x768xf32, #tpu.memory_space<vmem>>) target(%dma_start3A_319 : memref<16x768xf32, #tpu.memory_space<hbm>>) target_semaphore(%arg25 : memref<!tpu.dma_semaphore, #tpu.memory_space<semaphore_mem>>)
      %add3A_320 = arith.constant 3 : i32
      %add3A_321 = arith.addi %add3A_298, %add3A_320 : i32
      %lt3A_322 = arith.constant 48 : i32
      %lt3A_323 = arith.cmpi slt, %add3A_321, %lt3A_322 : i32
      %convert_element_type3A_324 = arith.extui %lt3A_323 : i1 to i32
      %cond3A_325 = arith.constant 0 : i32
      %cond3A_326 = arith.cmpi ne, %convert_element_type3A_324, %cond3A_325 : i32
      scf.if %cond3A_326 {
        %ge3A = arith.constant 6 : i32
        %ge3A_327 = arith.cmpi sge, %add3A_321, %ge3A : i32
        %convert_element_type3A_328 = arith.extui %ge3A_327 : i1 to i32
        %cond3A_329 = arith.constant 0 : i32
        %cond3A_330 = arith.cmpi ne, %convert_element_type3A_328, %cond3A_329 : i32
        scf.if %cond3A_330 {
          %add3A_340 = arith.addi %mul3A_20, %add3A_321 : i32
          %sub3A_341 = arith.constant 6 : i32
          %sub3A_342 = arith.subi %add3A_340, %sub3A_341 : i32
          %dma_wait3A_343 = arith.constant 0 : i32
          %dma_wait3A_344 = arith.constant 0 : i32
          %dma_wait3A_345 = tpu.memref_slice %arg4[%select_n3A, %sub3A_342, %dma_wait3A_343, %dma_wait3A_344] : memref<8x196x16x768xf32, #tpu.memory_space<hbm>> -> memref<1x1x16x768xf32, #tpu.memory_space<hbm>>
          %dma_wait3A_346 = tpu.memref_squeeze %dma_wait3A_345 : memref<1x1x16x768xf32, #tpu.memory_space<hbm>> -> memref<16x768xf32, #tpu.memory_space<hbm>>
          %dma_wait3A_347 = arith.constant 0 : i32
          %dma_wait3A_348 = arith.constant 0 : i32
          %dma_wait3A_349 = tpu.memref_slice %arg4[%select_n3A, %sub3A_342, %dma_wait3A_347, %dma_wait3A_348] : memref<8x196x16x768xf32, #tpu.memory_space<hbm>> -> memref<1x1x16x768xf32, #tpu.memory_space<hbm>>
          %dma_wait3A_350 = tpu.memref_squeeze %dma_wait3A_349 : memref<1x1x16x768xf32, #tpu.memory_space<hbm>> -> memref<16x768xf32, #tpu.memory_space<hbm>>
          tpu.wait_dma2 semaphore(%arg22 : memref<!tpu.dma_semaphore, #tpu.memory_space<semaphore_mem>>) src(%arg10 : memref<16x768xf32, #tpu.memory_space<vmem>>) dst(%dma_wait3A_350 : memref<16x768xf32, #tpu.memory_space<hbm>>)
        } else {
        }
        %add3A_331 = arith.addi %mul3A_20, %add3A_321 : i32
        %dma_start3A_332 = arith.constant 0 : i32
        %dma_start3A_333 = arith.constant 0 : i32
        %dma_start3A_334 = tpu.memref_slice %arg2[%select_n3A, %add3A_331, %dma_start3A_332, %dma_start3A_333] : memref<8x196x16x768xf32, #tpu.memory_space<hbm>> -> memref<1x1x16x768xf32, #tpu.memory_space<hbm>>
        %dma_start3A_335 = tpu.memref_squeeze %dma_start3A_334 : memref<1x1x16x768xf32, #tpu.memory_space<hbm>> -> memref<16x768xf32, #tpu.memory_space<hbm>>
        %dma_start3A_336 = arith.constant 0 : i32
        %dma_start3A_337 = arith.constant 0 : i32
        %dma_start3A_338 = tpu.memref_slice %arg2[%select_n3A, %add3A_331, %dma_start3A_336, %dma_start3A_337] : memref<8x196x16x768xf32, #tpu.memory_space<hbm>> -> memref<1x1x16x768xf32, #tpu.memory_space<hbm>>
        %dma_start3A_339 = tpu.memref_squeeze %dma_start3A_338 : memref<1x1x16x768xf32, #tpu.memory_space<hbm>> -> memref<16x768xf32, #tpu.memory_space<hbm>>
        tpu.enqueue_dma source(%dma_start3A_339 : memref<16x768xf32, #tpu.memory_space<hbm>>) target(%arg10 : memref<16x768xf32, #tpu.memory_space<vmem>>) target_semaphore(%arg16 : memref<!tpu.dma_semaphore, #tpu.memory_space<semaphore_mem>>)
      } else {
      }
    }
    %scan3A_69 = arith.constant 8 : i32
    %add3A_70 = arith.constant 42 : i32
    %add3A_71 = arith.addi %mul3A_20, %add3A_70 : i32
    %dma_wait3A = arith.constant 0 : i32
    %dma_wait3A_72 = arith.constant 0 : i32
    %dma_wait3A_73 = tpu.memref_slice %arg4[%select_n3A, %add3A_71, %dma_wait3A, %dma_wait3A_72] : memref<8x196x16x768xf32, #tpu.memory_space<hbm>> -> memref<1x1x16x768xf32, #tpu.memory_space<hbm>>
    %dma_wait3A_74 = tpu.memref_squeeze %dma_wait3A_73 : memref<1x1x16x768xf32, #tpu.memory_space<hbm>> -> memref<16x768xf32, #tpu.memory_space<hbm>>
    %dma_wait3A_75 = arith.constant 0 : i32
    %dma_wait3A_76 = arith.constant 0 : i32
    %dma_wait3A_77 = tpu.memref_slice %arg4[%select_n3A, %add3A_71, %dma_wait3A_75, %dma_wait3A_76] : memref<8x196x16x768xf32, #tpu.memory_space<hbm>> -> memref<1x1x16x768xf32, #tpu.memory_space<hbm>>
    %dma_wait3A_78 = tpu.memref_squeeze %dma_wait3A_77 : memref<1x1x16x768xf32, #tpu.memory_space<hbm>> -> memref<16x768xf32, #tpu.memory_space<hbm>>
    tpu.wait_dma2 semaphore(%arg20 : memref<!tpu.dma_semaphore, #tpu.memory_space<semaphore_mem>>) src(%arg8 : memref<16x768xf32, #tpu.memory_space<vmem>>) dst(%dma_wait3A_78 : memref<16x768xf32, #tpu.memory_space<hbm>>)
    %add3A_79 = arith.constant 43 : i32
    %add3A_80 = arith.addi %mul3A_20, %add3A_79 : i32
    %dma_wait3A_81 = arith.constant 0 : i32
    %dma_wait3A_82 = arith.constant 0 : i32
    %dma_wait3A_83 = tpu.memref_slice %arg4[%select_n3A, %add3A_80, %dma_wait3A_81, %dma_wait3A_82] : memref<8x196x16x768xf32, #tpu.memory_space<hbm>> -> memref<1x1x16x768xf32, #tpu.memory_space<hbm>>
    %dma_wait3A_84 = tpu.memref_squeeze %dma_wait3A_83 : memref<1x1x16x768xf32, #tpu.memory_space<hbm>> -> memref<16x768xf32, #tpu.memory_space<hbm>>
    %dma_wait3A_85 = arith.constant 0 : i32
    %dma_wait3A_86 = arith.constant 0 : i32
    %dma_wait3A_87 = tpu.memref_slice %arg4[%select_n3A, %add3A_80, %dma_wait3A_85, %dma_wait3A_86] : memref<8x196x16x768xf32, #tpu.memory_space<hbm>> -> memref<1x1x16x768xf32, #tpu.memory_space<hbm>>
    %dma_wait3A_88 = tpu.memref_squeeze %dma_wait3A_87 : memref<1x1x16x768xf32, #tpu.memory_space<hbm>> -> memref<16x768xf32, #tpu.memory_space<hbm>>
    tpu.wait_dma2 semaphore(%arg21 : memref<!tpu.dma_semaphore, #tpu.memory_space<semaphore_mem>>) src(%arg9 : memref<16x768xf32, #tpu.memory_space<vmem>>) dst(%dma_wait3A_88 : memref<16x768xf32, #tpu.memory_space<hbm>>)
    %add3A_89 = arith.constant 44 : i32
    %add3A_90 = arith.addi %mul3A_20, %add3A_89 : i32
    %dma_wait3A_91 = arith.constant 0 : i32
    %dma_wait3A_92 = arith.constant 0 : i32
    %dma_wait3A_93 = tpu.memref_slice %arg4[%select_n3A, %add3A_90, %dma_wait3A_91, %dma_wait3A_92] : memref<8x196x16x768xf32, #tpu.memory_space<hbm>> -> memref<1x1x16x768xf32, #tpu.memory_space<hbm>>
    %dma_wait3A_94 = tpu.memref_squeeze %dma_wait3A_93 : memref<1x1x16x768xf32, #tpu.memory_space<hbm>> -> memref<16x768xf32, #tpu.memory_space<hbm>>
    %dma_wait3A_95 = arith.constant 0 : i32
    %dma_wait3A_96 = arith.constant 0 : i32
    %dma_wait3A_97 = tpu.memref_slice %arg4[%select_n3A, %add3A_90, %dma_wait3A_95, %dma_wait3A_96] : memref<8x196x16x768xf32, #tpu.memory_space<hbm>> -> memref<1x1x16x768xf32, #tpu.memory_space<hbm>>
    %dma_wait3A_98 = tpu.memref_squeeze %dma_wait3A_97 : memref<1x1x16x768xf32, #tpu.memory_space<hbm>> -> memref<16x768xf32, #tpu.memory_space<hbm>>
    tpu.wait_dma2 semaphore(%arg22 : memref<!tpu.dma_semaphore, #tpu.memory_space<semaphore_mem>>) src(%arg10 : memref<16x768xf32, #tpu.memory_space<vmem>>) dst(%dma_wait3A_98 : memref<16x768xf32, #tpu.memory_space<hbm>>)
    %add3A_99 = arith.constant 45 : i32
    %add3A_100 = arith.addi %mul3A_20, %add3A_99 : i32
    %dma_wait3A_101 = arith.constant 0 : i32
    %dma_wait3A_102 = arith.constant 0 : i32
    %dma_wait3A_103 = tpu.memref_slice %arg4[%select_n3A, %add3A_100, %dma_wait3A_101, %dma_wait3A_102] : memref<8x196x16x768xf32, #tpu.memory_space<hbm>> -> memref<1x1x16x768xf32, #tpu.memory_space<hbm>>
    %dma_wait3A_104 = tpu.memref_squeeze %dma_wait3A_103 : memref<1x1x16x768xf32, #tpu.memory_space<hbm>> -> memref<16x768xf32, #tpu.memory_space<hbm>>
    %dma_wait3A_105 = arith.constant 0 : i32
    %dma_wait3A_106 = arith.constant 0 : i32
    %dma_wait3A_107 = tpu.memref_slice %arg4[%select_n3A, %add3A_100, %dma_wait3A_105, %dma_wait3A_106] : memref<8x196x16x768xf32, #tpu.memory_space<hbm>> -> memref<1x1x16x768xf32, #tpu.memory_space<hbm>>
    %dma_wait3A_108 = tpu.memref_squeeze %dma_wait3A_107 : memref<1x1x16x768xf32, #tpu.memory_space<hbm>> -> memref<16x768xf32, #tpu.memory_space<hbm>>
    tpu.wait_dma2 semaphore(%arg23 : memref<!tpu.dma_semaphore, #tpu.memory_space<semaphore_mem>>) src(%arg11 : memref<16x768xf32, #tpu.memory_space<vmem>>) dst(%dma_wait3A_108 : memref<16x768xf32, #tpu.memory_space<hbm>>)
    %add3A_109 = arith.constant 46 : i32
    %add3A_110 = arith.addi %mul3A_20, %add3A_109 : i32
    %dma_wait3A_111 = arith.constant 0 : i32
    %dma_wait3A_112 = arith.constant 0 : i32
    %dma_wait3A_113 = tpu.memref_slice %arg4[%select_n3A, %add3A_110, %dma_wait3A_111, %dma_wait3A_112] : memref<8x196x16x768xf32, #tpu.memory_space<hbm>> -> memref<1x1x16x768xf32, #tpu.memory_space<hbm>>
    %dma_wait3A_114 = tpu.memref_squeeze %dma_wait3A_113 : memref<1x1x16x768xf32, #tpu.memory_space<hbm>> -> memref<16x768xf32, #tpu.memory_space<hbm>>
    %dma_wait3A_115 = arith.constant 0 : i32
    %dma_wait3A_116 = arith.constant 0 : i32
    %dma_wait3A_117 = tpu.memref_slice %arg4[%select_n3A, %add3A_110, %dma_wait3A_115, %dma_wait3A_116] : memref<8x196x16x768xf32, #tpu.memory_space<hbm>> -> memref<1x1x16x768xf32, #tpu.memory_space<hbm>>
    %dma_wait3A_118 = tpu.memref_squeeze %dma_wait3A_117 : memref<1x1x16x768xf32, #tpu.memory_space<hbm>> -> memref<16x768xf32, #tpu.memory_space<hbm>>
    tpu.wait_dma2 semaphore(%arg24 : memref<!tpu.dma_semaphore, #tpu.memory_space<semaphore_mem>>) src(%arg12 : memref<16x768xf32, #tpu.memory_space<vmem>>) dst(%dma_wait3A_118 : memref<16x768xf32, #tpu.memory_space<hbm>>)
    %add3A_119 = arith.constant 47 : i32
    %add3A_120 = arith.addi %mul3A_20, %add3A_119 : i32
    %dma_wait3A_121 = arith.constant 0 : i32
    %dma_wait3A_122 = arith.constant 0 : i32
    %dma_wait3A_123 = tpu.memref_slice %arg4[%select_n3A, %add3A_120, %dma_wait3A_121, %dma_wait3A_122] : memref<8x196x16x768xf32, #tpu.memory_space<hbm>> -> memref<1x1x16x768xf32, #tpu.memory_space<hbm>>
    %dma_wait3A_124 = tpu.memref_squeeze %dma_wait3A_123 : memref<1x1x16x768xf32, #tpu.memory_space<hbm>> -> memref<16x768xf32, #tpu.memory_space<hbm>>
    %dma_wait3A_125 = arith.constant 0 : i32
    %dma_wait3A_126 = arith.constant 0 : i32
    %dma_wait3A_127 = tpu.memref_slice %arg4[%select_n3A, %add3A_120, %dma_wait3A_125, %dma_wait3A_126] : memref<8x196x16x768xf32, #tpu.memory_space<hbm>> -> memref<1x1x16x768xf32, #tpu.memory_space<hbm>>
    %dma_wait3A_128 = tpu.memref_squeeze %dma_wait3A_127 : memref<1x1x16x768xf32, #tpu.memory_space<hbm>> -> memref<16x768xf32, #tpu.memory_space<hbm>>
    tpu.wait_dma2 semaphore(%arg25 : memref<!tpu.dma_semaphore, #tpu.memory_space<semaphore_mem>>) src(%arg13 : memref<16x768xf32, #tpu.memory_space<vmem>>) dst(%dma_wait3A_128 : memref<16x768xf32, #tpu.memory_space<hbm>>)
    %dma_wait3A_129 = arith.constant 0 : i32
    %dma_wait3A_130 = arith.constant 0 : i32
    %dma_wait3A_131 = tpu.memref_slice %arg2[%select_n3A, %add3A_22, %dma_wait3A_129, %dma_wait3A_130] : memref<8x196x16x768xf32, #tpu.memory_space<hbm>> -> memref<1x1x16x768xf32, #tpu.memory_space<hbm>>
    %dma_wait3A_132 = tpu.memref_squeeze %dma_wait3A_131 : memref<1x1x16x768xf32, #tpu.memory_space<hbm>> -> memref<16x768xf32, #tpu.memory_space<hbm>>
    %dma_wait3A_133 = arith.constant 0 : i32
    %dma_wait3A_134 = arith.constant 0 : i32
    %dma_wait3A_135 = tpu.memref_slice %arg2[%select_n3A, %add3A_22, %dma_wait3A_133, %dma_wait3A_134] : memref<8x196x16x768xf32, #tpu.memory_space<hbm>> -> memref<1x1x16x768xf32, #tpu.memory_space<hbm>>
    %dma_wait3A_136 = tpu.memref_squeeze %dma_wait3A_135 : memref<1x1x16x768xf32, #tpu.memory_space<hbm>> -> memref<16x768xf32, #tpu.memory_space<hbm>>
    tpu.wait_dma2 semaphore(%arg26 : memref<!tpu.dma_semaphore, #tpu.memory_space<semaphore_mem>>) src(%dma_wait3A_136 : memref<16x768xf32, #tpu.memory_space<hbm>>) dst(%arg6 : memref<16x768xf32, #tpu.memory_space<vmem>>)
    %dma_wait3A_137 = arith.constant 192 : i32
    %dma_wait3A_138 = arith.constant 0 : i32
    %dma_wait3A_139 = tpu.memref_slice %arg3[%dma_wait3A_137, %dma_wait3A_138] : memref<196x768xf32, #tpu.memory_space<hbm>> -> memref<4x768xf32, #tpu.memory_space<hbm>>
    %dma_wait3A_140 = arith.constant 192 : i32
    %dma_wait3A_141 = arith.constant 0 : i32
    %dma_wait3A_142 = tpu.memref_slice %arg3[%dma_wait3A_140, %dma_wait3A_141] : memref<196x768xf32, #tpu.memory_space<hbm>> -> memref<4x768xf32, #tpu.memory_space<hbm>>
    tpu.wait_dma2 semaphore(%arg27 : memref<!tpu.dma_semaphore, #tpu.memory_space<semaphore_mem>>) src(%dma_wait3A_142 : memref<4x768xf32, #tpu.memory_space<hbm>>) dst(%arg7 : memref<4x768xf32, #tpu.memory_space<vmem>>)
    %parallel_loop3A = arith.constant 0 : i32
    %parallel_loop3A_143 = arith.constant 48 : i32
    %parallel_loop3A_144 = arith.constant 1 : i32
    scf.for %parallel_loop3A_145 = %parallel_loop3A to %parallel_loop3A_143 step %parallel_loop3A_144  : i32 {
      %parallel_loop3A_146 = arith.constant 16 : i32
      %parallel_loop3A_147 = arith.muli %parallel_loop3A_145, %parallel_loop3A_146 : i32
      %parallel_loop3A_148 = arith.index_cast %rem3A_18 : i32 to index
      %parallel_loop3A_149 = arith.index_cast %parallel_loop3A_147 : i32 to index
      %parallel_loop3A_150 = tpu.vector_load %arg7[%parallel_loop3A_148, %parallel_loop3A_149] {strides = array<i32>} : memref<4x768xf32, #tpu.memory_space<vmem>>, vector<1x16xf32>,
      %parallel_loop3A_151 = vector.shape_cast %parallel_loop3A_150 : vector<1x16xf32> to vector<16xf32>
      %parallel_loop3A_152 = arith.constant 16 : i32
      %parallel_loop3A_153 = arith.muli %parallel_loop3A_145, %parallel_loop3A_152 : i32
      %parallel_loop3A_154 = arith.constant 0 : i32
      %parallel_loop3A_155 = arith.index_cast %parallel_loop3A_154 : i32 to index
      %parallel_loop3A_156 = arith.index_cast %parallel_loop3A_153 : i32 to index
      %parallel_loop3A_157 = tpu.vector_load %arg6[%parallel_loop3A_155, %parallel_loop3A_156] {strides = array<i32>} : memref<16x768xf32, #tpu.memory_space<vmem>>, vector<1x16xf32>,
      %parallel_loop3A_158 = vector.shape_cast %parallel_loop3A_157 : vector<1x16xf32> to vector<16xf32>
      %parallel_loop3A_159 = vector.shape_cast %parallel_loop3A_151 : vector<16xf32> to vector<1x16xf32>
      tpu.vector_store %arg6[%parallel_loop3A_155, %parallel_loop3A_156], %parallel_loop3A_159 {add = true, strides = array<i32>} : memref<16x768xf32, #tpu.memory_space<vmem>>, vector<1x16xf32>,
      %parallel_loop3A_160 = arith.constant 16 : i32
      %parallel_loop3A_161 = arith.muli %parallel_loop3A_145, %parallel_loop3A_160 : i32
      %parallel_loop3A_162 = arith.constant 1 : i32
      %parallel_loop3A_163 = arith.index_cast %parallel_loop3A_162 : i32 to index
      %parallel_loop3A_164 = arith.index_cast %parallel_loop3A_161 : i32 to index
      %parallel_loop3A_165 = tpu.vector_load %arg6[%parallel_loop3A_163, %parallel_loop3A_164] {strides = array<i32>} : memref<16x768xf32, #tpu.memory_space<vmem>>, vector<1x16xf32>,
      %parallel_loop3A_166 = vector.shape_cast %parallel_loop3A_165 : vector<1x16xf32> to vector<16xf32>
      %parallel_loop3A_167 = vector.shape_cast %parallel_loop3A_151 : vector<16xf32> to vector<1x16xf32>
      tpu.vector_store %arg6[%parallel_loop3A_163, %parallel_loop3A_164], %parallel_loop3A_167 {add = true, strides = array<i32>} : memref<16x768xf32, #tpu.memory_space<vmem>>, vector<1x16xf32>,
      %parallel_loop3A_168 = arith.constant 16 : i32
      %parallel_loop3A_169 = arith.muli %parallel_loop3A_145, %parallel_loop3A_168 : i32
      %parallel_loop3A_170 = arith.constant 2 : i32
      %parallel_loop3A_171 = arith.index_cast %parallel_loop3A_170 : i32 to index
      %parallel_loop3A_172 = arith.index_cast %parallel_loop3A_169 : i32 to index
      %parallel_loop3A_173 = tpu.vector_load %arg6[%parallel_loop3A_171, %parallel_loop3A_172] {strides = array<i32>} : memref<16x768xf32, #tpu.memory_space<vmem>>, vector<1x16xf32>,
      %parallel_loop3A_174 = vector.shape_cast %parallel_loop3A_173 : vector<1x16xf32> to vector<16xf32>
      %parallel_loop3A_175 = vector.shape_cast %parallel_loop3A_151 : vector<16xf32> to vector<1x16xf32>
      tpu.vector_store %arg6[%parallel_loop3A_171, %parallel_loop3A_172], %parallel_loop3A_175 {add = true, strides = array<i32>} : memref<16x768xf32, #tpu.memory_space<vmem>>, vector<1x16xf32>,
      %parallel_loop3A_176 = arith.constant 16 : i32
      %parallel_loop3A_177 = arith.muli %parallel_loop3A_145, %parallel_loop3A_176 : i32
      %parallel_loop3A_178 = arith.constant 3 : i32
      %parallel_loop3A_179 = arith.index_cast %parallel_loop3A_178 : i32 to index
      %parallel_loop3A_180 = arith.index_cast %parallel_loop3A_177 : i32 to index
      %parallel_loop3A_181 = tpu.vector_load %arg6[%parallel_loop3A_179, %parallel_loop3A_180] {strides = array<i32>} : memref<16x768xf32, #tpu.memory_space<vmem>>, vector<1x16xf32>,
      %parallel_loop3A_182 = vector.shape_cast %parallel_loop3A_181 : vector<1x16xf32> to vector<16xf32>
      %parallel_loop3A_183 = vector.shape_cast %parallel_loop3A_151 : vector<16xf32> to vector<1x16xf32>
      tpu.vector_store %arg6[%parallel_loop3A_179, %parallel_loop3A_180], %parallel_loop3A_183 {add = true, strides = array<i32>} : memref<16x768xf32, #tpu.memory_space<vmem>>, vector<1x16xf32>,
      %parallel_loop3A_184 = arith.constant 16 : i32
      %parallel_loop3A_185 = arith.muli %parallel_loop3A_145, %parallel_loop3A_184 : i32
      %parallel_loop3A_186 = arith.constant 4 : i32
      %parallel_loop3A_187 = arith.index_cast %parallel_loop3A_186 : i32 to index
      %parallel_loop3A_188 = arith.index_cast %parallel_loop3A_185 : i32 to index
      %parallel_loop3A_189 = tpu.vector_load %arg6[%parallel_loop3A_187, %parallel_loop3A_188] {strides = array<i32>} : memref<16x768xf32, #tpu.memory_space<vmem>>, vector<1x16xf32>,
      %parallel_loop3A_190 = vector.shape_cast %parallel_loop3A_189 : vector<1x16xf32> to vector<16xf32>
      %parallel_loop3A_191 = vector.shape_cast %parallel_loop3A_151 : vector<16xf32> to vector<1x16xf32>
      tpu.vector_store %arg6[%parallel_loop3A_187, %parallel_loop3A_188], %parallel_loop3A_191 {add = true, strides = array<i32>} : memref<16x768xf32, #tpu.memory_space<vmem>>, vector<1x16xf32>,
      %parallel_loop3A_192 = arith.constant 16 : i32
      %parallel_loop3A_193 = arith.muli %parallel_loop3A_145, %parallel_loop3A_192 : i32
      %parallel_loop3A_194 = arith.constant 5 : i32
      %parallel_loop3A_195 = arith.index_cast %parallel_loop3A_194 : i32 to index
      %parallel_loop3A_196 = arith.index_cast %parallel_loop3A_193 : i32 to index
      %parallel_loop3A_197 = tpu.vector_load %arg6[%parallel_loop3A_195, %parallel_loop3A_196] {strides = array<i32>} : memref<16x768xf32, #tpu.memory_space<vmem>>, vector<1x16xf32>,
      %parallel_loop3A_198 = vector.shape_cast %parallel_loop3A_197 : vector<1x16xf32> to vector<16xf32>
      %parallel_loop3A_199 = vector.shape_cast %parallel_loop3A_151 : vector<16xf32> to vector<1x16xf32>
      tpu.vector_store %arg6[%parallel_loop3A_195, %parallel_loop3A_196], %parallel_loop3A_199 {add = true, strides = array<i32>} : memref<16x768xf32, #tpu.memory_space<vmem>>, vector<1x16xf32>,
      %parallel_loop3A_200 = arith.constant 16 : i32
      %parallel_loop3A_201 = arith.muli %parallel_loop3A_145, %parallel_loop3A_200 : i32
      %parallel_loop3A_202 = arith.constant 6 : i32
      %parallel_loop3A_203 = arith.index_cast %parallel_loop3A_202 : i32 to index
      %parallel_loop3A_204 = arith.index_cast %parallel_loop3A_201 : i32 to index
      %parallel_loop3A_205 = tpu.vector_load %arg6[%parallel_loop3A_203, %parallel_loop3A_204] {strides = array<i32>} : memref<16x768xf32, #tpu.memory_space<vmem>>, vector<1x16xf32>,
      %parallel_loop3A_206 = vector.shape_cast %parallel_loop3A_205 : vector<1x16xf32> to vector<16xf32>
      %parallel_loop3A_207 = vector.shape_cast %parallel_loop3A_151 : vector<16xf32> to vector<1x16xf32>
      tpu.vector_store %arg6[%parallel_loop3A_203, %parallel_loop3A_204], %parallel_loop3A_207 {add = true, strides = array<i32>} : memref<16x768xf32, #tpu.memory_space<vmem>>, vector<1x16xf32>,
      %parallel_loop3A_208 = arith.constant 16 : i32
      %parallel_loop3A_209 = arith.muli %parallel_loop3A_145, %parallel_loop3A_208 : i32
      %parallel_loop3A_210 = arith.constant 7 : i32
      %parallel_loop3A_211 = arith.index_cast %parallel_loop3A_210 : i32 to index
      %parallel_loop3A_212 = arith.index_cast %parallel_loop3A_209 : i32 to index
      %parallel_loop3A_213 = tpu.vector_load %arg6[%parallel_loop3A_211, %parallel_loop3A_212] {strides = array<i32>} : memref<16x768xf32, #tpu.memory_space<vmem>>, vector<1x16xf32>,
      %parallel_loop3A_214 = vector.shape_cast %parallel_loop3A_213 : vector<1x16xf32> to vector<16xf32>
      %parallel_loop3A_215 = vector.shape_cast %parallel_loop3A_151 : vector<16xf32> to vector<1x16xf32>
      tpu.vector_store %arg6[%parallel_loop3A_211, %parallel_loop3A_212], %parallel_loop3A_215 {add = true, strides = array<i32>} : memref<16x768xf32, #tpu.memory_space<vmem>>, vector<1x16xf32>,
      %parallel_loop3A_216 = arith.constant 16 : i32
      %parallel_loop3A_217 = arith.muli %parallel_loop3A_145, %parallel_loop3A_216 : i32
      %parallel_loop3A_218 = arith.constant 8 : i32
      %parallel_loop3A_219 = arith.index_cast %parallel_loop3A_218 : i32 to index
      %parallel_loop3A_220 = arith.index_cast %parallel_loop3A_217 : i32 to index
      %parallel_loop3A_221 = tpu.vector_load %arg6[%parallel_loop3A_219, %parallel_loop3A_220] {strides = array<i32>} : memref<16x768xf32, #tpu.memory_space<vmem>>, vector<1x16xf32>,
      %parallel_loop3A_222 = vector.shape_cast %parallel_loop3A_221 : vector<1x16xf32> to vector<16xf32>
      %parallel_loop3A_223 = vector.shape_cast %parallel_loop3A_151 : vector<16xf32> to vector<1x16xf32>
      tpu.vector_store %arg6[%parallel_loop3A_219, %parallel_loop3A_220], %parallel_loop3A_223 {add = true, strides = array<i32>} : memref<16x768xf32, #tpu.memory_space<vmem>>, vector<1x16xf32>,
      %parallel_loop3A_224 = arith.constant 16 : i32
      %parallel_loop3A_225 = arith.muli %parallel_loop3A_145, %parallel_loop3A_224 : i32
      %parallel_loop3A_226 = arith.constant 9 : i32
      %parallel_loop3A_227 = arith.index_cast %parallel_loop3A_226 : i32 to index
      %parallel_loop3A_228 = arith.index_cast %parallel_loop3A_225 : i32 to index
      %parallel_loop3A_229 = tpu.vector_load %arg6[%parallel_loop3A_227, %parallel_loop3A_228] {strides = array<i32>} : memref<16x768xf32, #tpu.memory_space<vmem>>, vector<1x16xf32>,
      %parallel_loop3A_230 = vector.shape_cast %parallel_loop3A_229 : vector<1x16xf32> to vector<16xf32>
      %parallel_loop3A_231 = vector.shape_cast %parallel_loop3A_151 : vector<16xf32> to vector<1x16xf32>
      tpu.vector_store %arg6[%parallel_loop3A_227, %parallel_loop3A_228], %parallel_loop3A_231 {add = true, strides = array<i32>} : memref<16x768xf32, #tpu.memory_space<vmem>>, vector<1x16xf32>,
      %parallel_loop3A_232 = arith.constant 16 : i32
      %parallel_loop3A_233 = arith.muli %parallel_loop3A_145, %parallel_loop3A_232 : i32
      %parallel_loop3A_234 = arith.constant 10 : i32
      %parallel_loop3A_235 = arith.index_cast %parallel_loop3A_234 : i32 to index
      %parallel_loop3A_236 = arith.index_cast %parallel_loop3A_233 : i32 to index
      %parallel_loop3A_237 = tpu.vector_load %arg6[%parallel_loop3A_235, %parallel_loop3A_236] {strides = array<i32>} : memref<16x768xf32, #tpu.memory_space<vmem>>, vector<1x16xf32>,
      %parallel_loop3A_238 = vector.shape_cast %parallel_loop3A_237 : vector<1x16xf32> to vector<16xf32>
      %parallel_loop3A_239 = vector.shape_cast %parallel_loop3A_151 : vector<16xf32> to vector<1x16xf32>
      tpu.vector_store %arg6[%parallel_loop3A_235, %parallel_loop3A_236], %parallel_loop3A_239 {add = true, strides = array<i32>} : memref<16x768xf32, #tpu.memory_space<vmem>>, vector<1x16xf32>,
      %parallel_loop3A_240 = arith.constant 16 : i32
      %parallel_loop3A_241 = arith.muli %parallel_loop3A_145, %parallel_loop3A_240 : i32
      %parallel_loop3A_242 = arith.constant 11 : i32
      %parallel_loop3A_243 = arith.index_cast %parallel_loop3A_242 : i32 to index
      %parallel_loop3A_244 = arith.index_cast %parallel_loop3A_241 : i32 to index
      %parallel_loop3A_245 = tpu.vector_load %arg6[%parallel_loop3A_243, %parallel_loop3A_244] {strides = array<i32>} : memref<16x768xf32, #tpu.memory_space<vmem>>, vector<1x16xf32>,
      %parallel_loop3A_246 = vector.shape_cast %parallel_loop3A_245 : vector<1x16xf32> to vector<16xf32>
      %parallel_loop3A_247 = vector.shape_cast %parallel_loop3A_151 : vector<16xf32> to vector<1x16xf32>
      tpu.vector_store %arg6[%parallel_loop3A_243, %parallel_loop3A_244], %parallel_loop3A_247 {add = true, strides = array<i32>} : memref<16x768xf32, #tpu.memory_space<vmem>>, vector<1x16xf32>,
      %parallel_loop3A_248 = arith.constant 16 : i32
      %parallel_loop3A_249 = arith.muli %parallel_loop3A_145, %parallel_loop3A_248 : i32
      %parallel_loop3A_250 = arith.constant 12 : i32
      %parallel_loop3A_251 = arith.index_cast %parallel_loop3A_250 : i32 to index
      %parallel_loop3A_252 = arith.index_cast %parallel_loop3A_249 : i32 to index
      %parallel_loop3A_253 = tpu.vector_load %arg6[%parallel_loop3A_251, %parallel_loop3A_252] {strides = array<i32>} : memref<16x768xf32, #tpu.memory_space<vmem>>, vector<1x16xf32>,
      %parallel_loop3A_254 = vector.shape_cast %parallel_loop3A_253 : vector<1x16xf32> to vector<16xf32>
      %parallel_loop3A_255 = vector.shape_cast %parallel_loop3A_151 : vector<16xf32> to vector<1x16xf32>
      tpu.vector_store %arg6[%parallel_loop3A_251, %parallel_loop3A_252], %parallel_loop3A_255 {add = true, strides = array<i32>} : memref<16x768xf32, #tpu.memory_space<vmem>>, vector<1x16xf32>,
      %parallel_loop3A_256 = arith.constant 16 : i32
      %parallel_loop3A_257 = arith.muli %parallel_loop3A_145, %parallel_loop3A_256 : i32
      %parallel_loop3A_258 = arith.constant 13 : i32
      %parallel_loop3A_259 = arith.index_cast %parallel_loop3A_258 : i32 to index
      %parallel_loop3A_260 = arith.index_cast %parallel_loop3A_257 : i32 to index
      %parallel_loop3A_261 = tpu.vector_load %arg6[%parallel_loop3A_259, %parallel_loop3A_260] {strides = array<i32>} : memref<16x768xf32, #tpu.memory_space<vmem>>, vector<1x16xf32>,
      %parallel_loop3A_262 = vector.shape_cast %parallel_loop3A_261 : vector<1x16xf32> to vector<16xf32>
      %parallel_loop3A_263 = vector.shape_cast %parallel_loop3A_151 : vector<16xf32> to vector<1x16xf32>
      tpu.vector_store %arg6[%parallel_loop3A_259, %parallel_loop3A_260], %parallel_loop3A_263 {add = true, strides = array<i32>} : memref<16x768xf32, #tpu.memory_space<vmem>>, vector<1x16xf32>,
      %parallel_loop3A_264 = arith.constant 16 : i32
      %parallel_loop3A_265 = arith.muli %parallel_loop3A_145, %parallel_loop3A_264 : i32
      %parallel_loop3A_266 = arith.constant 14 : i32
      %parallel_loop3A_267 = arith.index_cast %parallel_loop3A_266 : i32 to index
      %parallel_loop3A_268 = arith.index_cast %parallel_loop3A_265 : i32 to index
      %parallel_loop3A_269 = tpu.vector_load %arg6[%parallel_loop3A_267, %parallel_loop3A_268] {strides = array<i32>} : memref<16x768xf32, #tpu.memory_space<vmem>>, vector<1x16xf32>,
      %parallel_loop3A_270 = vector.shape_cast %parallel_loop3A_269 : vector<1x16xf32> to vector<16xf32>
      %parallel_loop3A_271 = vector.shape_cast %parallel_loop3A_151 : vector<16xf32> to vector<1x16xf32>
      tpu.vector_store %arg6[%parallel_loop3A_267, %parallel_loop3A_268], %parallel_loop3A_271 {add = true, strides = array<i32>} : memref<16x768xf32, #tpu.memory_space<vmem>>, vector<1x16xf32>,
      %parallel_loop3A_272 = arith.constant 16 : i32
      %parallel_loop3A_273 = arith.muli %parallel_loop3A_145, %parallel_loop3A_272 : i32
      %parallel_loop3A_274 = arith.constant 15 : i32
      %parallel_loop3A_275 = arith.index_cast %parallel_loop3A_274 : i32 to index
      %parallel_loop3A_276 = arith.index_cast %parallel_loop3A_273 : i32 to index
      %parallel_loop3A_277 = tpu.vector_load %arg6[%parallel_loop3A_275, %parallel_loop3A_276] {strides = array<i32>} : memref<16x768xf32, #tpu.memory_space<vmem>>, vector<1x16xf32>,
      %parallel_loop3A_278 = vector.shape_cast %parallel_loop3A_277 : vector<1x16xf32> to vector<16xf32>
      %parallel_loop3A_279 = vector.shape_cast %parallel_loop3A_151 : vector<16xf32> to vector<1x16xf32>
      tpu.vector_store %arg6[%parallel_loop3A_275, %parallel_loop3A_276], %parallel_loop3A_279 {add = true, strides = array<i32>} : memref<16x768xf32, #tpu.memory_space<vmem>>, vector<1x16xf32>,
    } {sc.loop_unroll_factor = 2 : i64, sc.parallel_access}
    "tpu.region"() ({
      %run_scoped3A = tpu.sem_alloc : memref<!tpu.dma_semaphore, #tpu.memory_space<semaphore_mem>>
      %dma_start3A_145 = arith.constant 0 : i32
      %dma_start3A_146 = arith.constant 0 : i32
      %dma_start3A_147 = tpu.memref_slice %arg4[%select_n3A, %add3A_22, %dma_start3A_145, %dma_start3A_146] : memref<8x196x16x768xf32, #tpu.memory_space<hbm>> -> memref<1x1x16x768xf32, #tpu.memory_space<hbm>>
      %dma_start3A_148 = tpu.memref_squeeze %dma_start3A_147 : memref<1x1x16x768xf32, #tpu.memory_space<hbm>> -> memref<16x768xf32, #tpu.memory_space<hbm>>
      %dma_start3A_149 = arith.constant 0 : i32
      %dma_start3A_150 = arith.constant 0 : i32
      %dma_start3A_151 = tpu.memref_slice %arg4[%select_n3A, %add3A_22, %dma_start3A_149, %dma_start3A_150] : memref<8x196x16x768xf32, #tpu.memory_space<hbm>> -> memref<1x1x16x768xf32, #tpu.memory_space<hbm>>
      %dma_start3A_152 = tpu.memref_squeeze %dma_start3A_151 : memref<1x1x16x768xf32, #tpu.memory_space<hbm>> -> memref<16x768xf32, #tpu.memory_space<hbm>>
      tpu.enqueue_dma source(%arg6 : memref<16x768xf32, #tpu.memory_space<vmem>>) target(%dma_start3A_152 : memref<16x768xf32, #tpu.memory_space<hbm>>) target_semaphore(%run_scoped3A : memref<!tpu.dma_semaphore, #tpu.memory_space<semaphore_mem>>)
      %dma_wait3A_153 = arith.constant 0 : i32
      %dma_wait3A_154 = arith.constant 0 : i32
      %dma_wait3A_155 = tpu.memref_slice %arg4[%select_n3A, %add3A_22, %dma_wait3A_153, %dma_wait3A_154] : memref<8x196x16x768xf32, #tpu.memory_space<hbm>> -> memref<1x1x16x768xf32, #tpu.memory_space<hbm>>
      %dma_wait3A_156 = tpu.memref_squeeze %dma_wait3A_155 : memref<1x1x16x768xf32, #tpu.memory_space<hbm>> -> memref<16x768xf32, #tpu.memory_space<hbm>>
      %dma_wait3A_157 = arith.constant 0 : i32
      %dma_wait3A_158 = arith.constant 0 : i32
      %dma_wait3A_159 = tpu.memref_slice %arg4[%select_n3A, %add3A_22, %dma_wait3A_157, %dma_wait3A_158] : memref<8x196x16x768xf32, #tpu.memory_space<hbm>> -> memref<1x1x16x768xf32, #tpu.memory_space<hbm>>
      %dma_wait3A_160 = tpu.memref_squeeze %dma_wait3A_159 : memref<1x1x16x768xf32, #tpu.memory_space<hbm>> -> memref<16x768xf32, #tpu.memory_space<hbm>>
      tpu.wait_dma2 semaphore(%run_scoped3A : memref<!tpu.dma_semaphore, #tpu.memory_space<semaphore_mem>>) src(%arg6 : memref<16x768xf32, #tpu.memory_space<vmem>>) dst(%dma_wait3A_160 : memref<16x768xf32, #tpu.memory_space<hbm>>)
      tpu.yield
    }) : () -> ()
    return
  }
}

</mosaic_0001>

<sc_bundles>
// kernel: kernel.3.cloned.1.call-start
scs
__scs_entry_jumppad:
0x0: {  	(pc) =	sbr.rel $0x88, $3  }
0x1: {  	(tag) =	ssettag $0x0;
	lr =	simm.s32 $0x1  }
0x2: {  	[smem:$0x3F9F] =	sst lr;
	_ =	strace $0xD0000000  }
0x3: {  	_ = 	snop  }
0x4: {  	_ = 	snop  }
0x5: {  	_ = 	snop  }
0x6: {  	_ = 	snop  }
0x7: {  	_ = 	snop  }
__scs_overlays_trampoline_lowered:
0x8: {  	[smem:$0x3FAE] =	sst s0  }
0x9: {  	[smem:$0x3FAF] =	sst s1  }
0xa: {  	[smem:$0x3FB0] =	sst s2  }
0xb: {  	[smem:$0x3FB1] =	sst s3  }
0xc: {  	[smem:$0x3FB2] =	sst s4  }
0xd: {  	[smem:$0x3FB3] =	sst s5  }
0xe: {  	[smem:$0x3FB4] =	sst s6  }
0xf: {  	[smem:$0x3FB5] =	sst s7  }
0x10: {  	[smem:$0x3FB6] =	sst s8  }
0x11: {  	[smem:$0x3FB7] =	sst s9;
	s0 =	simm.s32 @!p0 $0x0  }
0x12: {  	s1 =	sld [smem:$0x3F9D];
	s0 =	simm.s32 @p0 $0x1  }
0x13: {  	[smem:$0x3FB8] =	sst s0;
	s0 =	simm.s32 @!p1 $0x0  }
0x14: {  	s2 =	sld [smem:$0x3F9C];
	s0 =	simm.s32 @p1 $0x1  }
0x15: {  	[smem:$0x3FB9] =	sst s0;
	s0 =	simm.s32 @!p2 $0x0  }
0x16: {  	s3 =	sld [smem:$0x3FDB];
	s0 =	simm.s32 @p2 $0x1  }
0x17: {  	s4 =	simm.s32 $0x1BF5;
	[smem:$0x3FBB] =	sst s0  }
0x18: {  	s0 =	sld [smem:$0x3F9E];
	_ =	swait.ge [sflag:s4], $0x0  }
0x19: {  	s7 =	sld [smem:$0x3F9F]  }
0x1a: {  	s8 =	sadd.s32 $0xFFFFE003, lr  }
0x1b: {  	s9 =	sadd.s32 $0xFFFFFEF7, lr;
	s5 =	simm.s32 $0xFFFFFFFF;
	p2 =	slt.u32 s8, $0xFFFFF086  }
0x1c: {  	p1 =	slt.u32 s9, $0xF7A;
	s5 =	simm.s32 @!p2 $0x0  }
0x1d: {  	s5 =	simm.s32 @p1 $0x1;
	p0 =	seq.s32 s7, s2  }
0x1e: {  	s7 =	smul.u32 @!p0 $0xF7A, s2;
	p2 =	seq.s32 @!p0 s5, $0x0  }
0x1f: {  	s9 =	smul.u32 $0xF7A, s1;
	s8 =	simm.s32 @!p0 $0x1BF5;
	p2 =	por !p2, p0  }
0x20: {  	[sflag:s8] =	ssyncset.s32 @!p0 $0xFFFFF086;
	s6 =	sadd.s32 @!p0 s3, s7;
	s7 =	simm.s32 @!p0 $0x108  }
0x21: {  	s3 =	sadd.s32 s3, s9;
	s6 =	sadd.s32 @!p0 $0x88, s6;
	s7 =	simm.s32 @p2 $0x1082  }
0x22: {  	[simem:s7], [sflag:s8] =	dma.local @!p0 [hbm:s6], $0xF7A  }
0x23: {  	s9 =	sor.u32 $0xD0000000, s2;
	s6 =	simm.s32 $0x108;
	_ =	swait.ge @!p0 [sflag:s8], $0x0  }
0x24: {  	s3 =	sadd.s32 $0x88, s3;
	s6 =	simm.s32 @!p1 $0x1082;
	[sflag:s4] =	ssyncset.s32 $0xFFFFF086  }
0x25: {  	[simem:s6], [sflag:s4] =	dma.local [hbm:s3], $0xF7A  }
0x26: {  	[smem:$0x3F9F] =	sst s1;
	(tag) =	ssettag s2;
	_ =	strace s9  }
0x27: {  	s1 =	sld [smem:$0x3FAF]  }
0x28: {  	s2 =	sld [smem:$0x3FB0]  }
0x29: {  	s4 =	sld [smem:$0x3FB2]  }
0x2a: {  	p0 =	seq.s32 s5, $0x0;
	s5 =	sld [smem:$0x3FB3]  }
0x2b: {  	s6 =	sld [smem:$0x3FB4]  }
0x2c: {  	s7 =	sld [smem:$0x3FB5]  }
0x2d: {  	s3 =	simm.s32 $0x108;
	s8 =	sld [smem:$0x3FB6]  }
0x2e: {  	s3 =	simm.s32 @!p0 $0x1082;
	s9 =	sld [smem:$0x3FB7]  }
0x2f: {  	lr =	sadd.s32 s0, s3;
	s0 =	sld [smem:$0x3FAE]  }
0x30: {  	s3 =	sld [smem:$0x3FB1]  }
0x31: {  	[smem:$0x3FBA] =	sst s10  }
0x32: {  	s10 =	sld [smem:$0x3FB8];
	_ =	sdelay $0x3  }
0x33: {  	p0 =	seq.s32 s10, $0x1;
	s10 =	sld [smem:$0x3FBA];
	_ =	sdelay $0x3  }
0x34: {  	[smem:$0x3FBA] =	sst s10  }
0x35: {  	s10 =	sld [smem:$0x3FB9];
	_ =	sdelay $0x3  }
0x36: {  	p1 =	seq.s32 s10, $0x1;
	s10 =	sld [smem:$0x3FBA];
	_ =	sdelay $0x3  }
0x37: {  	[smem:$0x3FBA] =	sst s10  }
0x38: {  	s10 =	sld [smem:$0x3FBB]  }
0x39: {  	_ = 	snop;
	(pc) =	sbr.ind lr, $3  }
0x3a: {  	_ = 	snop  }
0x3b: {  	_ = 	snop  }
0x3c: {  	p2 =	seq.s32 s10, $0x1;
	s10 =	sld [smem:$0x3FBA]  }
0x3d: {  	_ =	shalt  }
0x3e: {  	_ =	shalt  }
0x3f: {  	_ =	shalt  }
0x40: {  	_ =	shalt  }
0x41: {  	_ =	shalt  }
0x42: {  	_ =	shalt  }
0x43: {  	_ =	shalt  }
0x44: {  	_ =	shalt  }
0x45: {  	_ =	shalt  }
0x46: {  	_ =	shalt  }
0x47: {  	_ =	shalt  }
0x48: {  	_ =	shalt  }
0x49: {  	_ =	shalt  }
0x4a: {  	_ =	shalt  }
0x4b: {  	_ =	shalt  }
0x4c: {  	_ =	shalt  }
0x4d: {  	_ =	shalt  }
0x4e: {  	_ =	shalt  }
0x4f: {  	_ =	shalt  }
0x50: {  	_ =	shalt  }
0x51: {  	_ =	shalt  }
0x52: {  	_ =	shalt  }
0x53: {  	_ =	shalt  }
0x54: {  	_ =	shalt  }
0x55: {  	_ =	shalt  }
0x56: {  	_ =	shalt  }
0x57: {  	_ =	shalt  }
0x58: {  	_ =	shalt  }
0x59: {  	_ =	shalt  }
0x5a: {  	_ =	shalt  }
0x5b: {  	_ =	shalt  }
0x5c: {  	_ =	shalt  }
0x5d: {  	_ =	shalt  }
0x5e: {  	_ =	shalt  }
0x5f: {  	_ =	shalt  }
0x60: {  	_ =	shalt  }
0x61: {  	_ =	shalt  }
0x62: {  	_ =	shalt  }
0x63: {  	_ =	shalt  }
0x64: {  	_ =	shalt  }
0x65: {  	_ =	shalt  }
0x66: {  	_ =	shalt  }
0x67: {  	_ =	shalt  }
0x68: {  	_ =	shalt  }
0x69: {  	_ =	shalt  }
0x6a: {  	_ =	shalt  }
0x6b: {  	_ =	shalt  }
0x6c: {  	_ =	shalt  }
0x6d: {  	_ =	shalt  }
0x6e: {  	_ =	shalt  }
0x6f: {  	_ =	shalt  }
0x70: {  	_ =	shalt  }
0x71: {  	_ =	shalt  }
0x72: {  	_ =	shalt  }
0x73: {  	_ =	shalt  }
0x74: {  	_ =	shalt  }
0x75: {  	_ =	shalt  }
0x76: {  	_ =	shalt  }
0x77: {  	_ =	shalt  }
0x78: {  	_ =	shalt  }
0x79: {  	_ =	shalt  }
0x7a: {  	_ =	shalt  }
0x7b: {  	_ =	shalt  }
0x7c: {  	_ =	shalt  }
0x7d: {  	_ =	shalt  }
0x7e: {  	_ =	shalt  }
0x7f: {  	_ =	shalt  }
0x80: {  	_ =	shalt  }
0x81: {  	_ =	shalt  }
0x82: {  	_ =	shalt  }
0x83: {  	_ =	shalt  }
0x84: {  	_ =	shalt  }
0x85: {  	_ =	shalt  }
0x86: {  	_ =	shalt  }
0x87: {  	_ =	shalt  }
.Lfunc_end0:
.L_simem_size_0:
called_computation_lowered:
.L_overlay_start_0:
0x88: {  	s2 =	sld [smem:$0x3FD9]  }
0x89: {  	s3 =	sld [smem:$0x3FFE];
	_ =	sdelay $0x1  }
0x8a: {  	s1 =	srdreg.scid  }
0x8b: {  	s0 =	sand.u32 $0x1, s1  }
0x8c: {  	s18 =	sshll.u32 s0, $0xA;
	s2 =	sadd.s32 s3, s2  }
0x8d: {  	s2 =	sadd.s32 s2, s18  }
0x8e: {  	[smem:$0x3FC6] =	sst s2  }
0x8f: {  	_ = 	snop  }
0x90: {  	s2 =	sld [smem:$0x3FC9]  }
0x91: {  	s19 =	sld [smem:$0x3FC8]  }
0x92: {  	s4 =	sld [smem:$0x3FD0];
	(tm) =	ssettm $0x1  }
0x93: {  	s5 =	sld [smem:$0x3FFB];
	_ =	sdelay $0x3  }
0x94: {  	_ =	strace s5  }
0x95: {  	s5 =	sld [smem:$0x3FFC];
	_ =	sdelay $0x3  }
0x96: {  	_ =	strace s5  }
0x97: {  	s5 =	sld [smem:$0x3FFD];
	_ =	sdelay $0x3  }
0x98: {  	_ =	strace s5  }
0x99: {  	_ =	strace $0x8FFFFFFF  }
0x9a: {  	s20 =	sld [smem:$0x3FDB];
	_ =	sdelay $0x1  }
0x9b: {  	s6 =	simm.s32 $_scs_section_size  }
0x9c: {  	s7 =	simm.s32 $_size__tile_overlayer_lowered;
	s8 =	simm.s32 $_tile_overlayer_lowered  }
0x9d: {  	s23 =	simm.s32 $0x1BFF;
	s22 =	sshll.u32 s8, $0x1;
	s5 =	sadd.s32 s6, s20  }
0x9e: {  	s9 =	simm.s32 $0x0;
	s21 =	sshll.u32 s7, $0x1;
	s7 =	sadd.s32 s22, s5  }
0x9f: {  	[timem:s9], [sflag:s23] =	dma.local [hbm:s7], s21  }
0xa0: {  	_ =	swait.ge [sflag:s23], s21  }
0xa1: {  	s6 =	ssub.s32 $0x0, s21;
	[sflag:s23] =	ssyncset.done $0x0  }
0xa2: {  	[sflag:s23] =	ssyncadd.s32 s6;
	_ =	sdelay $0x1  }
0xa3: {  	s24 =	simm.s32 $0x1B8B  }
0xa4: {  	_ =	swait.ge [sflag:s24], $0x1  }
0xa5: {  	[sflag:s24] =	ssyncset.done $0x0  }
0xa6: {  	s25 =	simm.s32 $0x1B8E;
	[sflag:s24] =	ssyncadd.s32 $0xFFFFFFFF  }
0xa7: {  	s26 =	simm.s32 $execute0_lowered;
	[smem:$0x3FD2] =	sst s25  }
0xa8: {  	s6 =	sshll.u32 s26, $0x1;
	_ =	strace $0x80000046;
	[dreg:$0x1] =	wrdreg $0xFFFFFFFF  }
0xa9: {  	s28 =	simm.s32 $_size_execute0_lowered;
	s5 =	sadd.s32 s5, s6;
	[dreg:$0x0] =	wrdreg $0x0  }
0xaa: {  	s6 =	sshll.u32 s28, $0x1;
	[dreg:$0x2] =	wrdreg s5  }
0xab: {  	[dreg:$0x3] =	wrdreg s6  }
0xac: {  	[dreg:$0x4] =	wrdreg $0xC0  }
0xad: {  	_ =	task [dreg:s9], $0x5FFFF  }
0xae: {  	[dreg:$0x1] =	wrdreg $0xFFFFFFFF  }
0xaf: {  	[dreg:$0x0] =	wrdreg $0x60  }
0xb0: {  	[dreg:$0x2] =	wrdreg s2  }
0xb1: {  	[dreg:$0x3] =	wrdreg s19  }
0xb2: {  	[dreg:$0x4] =	wrdreg s4  }
0xb3: {  	[dreg:$0x5] =	wrdreg $0x9  }
0xb4: {  	_ =	task.clear_ibuf [dreg:s9], $0x6FFFF;
	_ =	strace $0x90000046  }
0xb5: {  	s29 =	simm.s32 $0x9;
	_ =	strace $0x80000048  }
0xb6: {  	_ =	swait.ge [sflag:s29], $0x1  }
0xb7: {  	[sflag:s29] =	ssyncadd.s32 $0xFFFFFFFF  }
0xb8: {  	_ =	strace $0x90000048  }
0xb9: {  	_ =	sfence  }
0xba: {  	s30 =	sld [smem:$0x0];
	_ =	sdelay $0x2  }
0xbb: {  	s31 =	sshll.u32 s1, $0xD;
	s1 =	sshrl.u32 s1, $0x2  }
0xbc: {  	s3 =	sand.u32 $0x4000, s31;
	s1 =	sadd.s32 s1, s30  }
0xbd: {  	s0 =	sor.u32 s3, s0;
	s1 =	sshll.u32 s1, $0x11  }
0xbe: {  	s0 =	sor.u32 s1, s0  }
0xbf: {  	s0 =	sadd.s32 $0x8F2B, s0  }
0xc0: {  	[sflag:s0] =	ssyncadd.remote.s32 $0x1  }
0xc1: {  	_ =	sfence.sel $0xFFFF  }
0xc2: {  	[dreg:$0x0] =	wrdreg $0xFFFFFFFF;
	(pc) =	sbr.abs _section_cstart, $3  }
0xc3: {  	[dreg:$0x1] =	wrdreg $0xFFFFFFFF  }
0xc4: {  	_ =	task.clear_ibuf [dreg:s9], $0x2FFFF;
	_ =	strace $0x9FFFFFFF  }
0xc5: {  	(tm) =	ssettm $0x7FFFFFFF  }
tec
execute0_lowered:
.L_overlay_start_1:
0x0: {  	(tag) =	ssettag $0x1  }
0x1: {  	s8 =	rddreg [dreg:$0x0]  }
0x2: {  	s0 =	srdreg.scid;
	s4 =	rddreg [dreg:$0x1]  }
0x3: {  	s7 =	stileid.u32;
	s3 =	simm.s32 $0x1;
	s31 =	rddreg [dreg:$0x2]  }
0x4: {  	s30 =	simm.s32 $0x0;
	s0 =	sand.u32 $0x1, s0;
	s2 =	sand.u32 $0x3, s7  }
0x5: {  	[smem:$0x7FF] =	sst s30;
	s23 =	sshll.u32 s7, $0x7;
	s9 =	smul.u32 $0x30, s2  }
0x6: {  	s1 =	sshll.u32 s0, $0x4;
	p1 =	sne.s32 s2, $0x0;
	s17 =	smul.u32 $0x3000, s2  }
0x7: {  	s0 =	ssub.s32 $0x2, s0;
	_ =	strace $0x80000047;
	s2 =	smul.u32 $0x90000, s2  }
0x8: {  	s24 =	sand.u32 $0x180, s23;
	s1 =	sor.u32 s7, s1;
	s18 =	sshrl.u32 s0, $0x1  }
0x9: {  	s26 =	sor.u32 $0xC000, s24;
	p0 =	seq.s32 s1, $0x0;
	s1 =	sshrl.u32 s1, $0x2  }
0xa: {  	s5 =	sshrl.u32 s9, $0x3;
	s0 =	ssub.s32 s0, s18;
	[dreg:$0xb] =	wrdreg s9  }
0xb: {  	s25 =	sor.u32 $0x6, s9;
	s28 =	sor.u32 $0x7, s9;
	[dreg:$0xa] =	wrdreg s26  }
0xc: {  	s29 =	sor.u32 $0x8, s9;
	p0 =	por !p1, !p0;
	[dreg:$0x13] =	wrdreg s25  }
0xd: {  	s19 =	smul.u32 $0x300, s5;
	[dreg:$0x14] =	wrdreg s28;
	p0 =	por !p0, !p0  }
0xe: {  	[dreg:$0x15] =	wrdreg s29;
	s0 =	smax.u32 s0, $0x1;
	s3 =	simm.s32 @!p0 $0x0  }
0xf: {  	[dreg:$0x17] =	wrdreg s0;
	s1 =	ssub.s32 s1, s3;
	s3 =	sadd.s32 s4, s19  }
0x10: {  	s4 =	sadd.s32 $0x4800, s4;
	s6 =	smul.u32 $0x24C000, s1;
	[dreg:$0xd] =	wrdreg s3  }
0x11: {  	[dreg:$0xf] =	wrdreg s4  }
0x12: {  	s1 =	sadd.s32 s17, s6;
	[dreg:$0xc] =	wrdreg s6;
	s2 =	sadd.s32 s2, s6  }
0x13: {  	s1 =	sadd.s32 $0x240000, s1;
	s21 =	sshrl.u32 s2, $0x3;
	s22 =	sor.u32 $0x3000, s2  }
0x14: {  	s2 =	sadd.s32 $0x6000, s2;
	s1 =	sshrl.u32 s1, $0x3;
	s3 =	sadd.s32 s8, s21  }
0x15: {  	s2 =	sshrl.u32 s2, $0x3;
	s20 =	sadd.s32 s8, s1;
	[dreg:$0x10] =	wrdreg s3  }
0x16: {  	s2 =	sadd.s32 s8, s2;
	[dreg:$0xe] =	wrdreg s20  }
0x17: {  	s3 =	sshrl.u32 s22, $0x3;
	s1 =	sadd.s32 s31, s1;
	[dreg:$0x12] =	wrdreg s2  }
0x18: {  	s3 =	sadd.s32 s8, s3;
	[dreg:$0x16] =	wrdreg s1;
	s1 =	simm.s32 $0xF  }
0x19: {  	s2 =	simm.s32 $0x9000;
	[dreg:$0x11] =	wrdreg s3;
	s3 =	simm.s32 $0x0  }
.LBB2_1:
0x1a: {  	[dreg:$0x18] =	wrdreg s3  }
0x1b: {  	s0 =	rddreg [dreg:$0xd]  }
0x1c: {  	[tilespmem:s30], [sflag:$0xF] =	stream.linear.gather [hbm4b:s0+s30], $0x9000, $0x38;
	[tilespmem:$0x1EC00] =	vst v63  }
0x1d: {  	_ =	swait.ge [sflag:s1], $0x9000  }
0x1e: {  	[sflag:s1] =	ssyncset.done $0x0  }
0x1f: {  	s20 =	simm.s32 $0x200;
	s18 =	rddreg [dreg:$0xe];
	[sflag:s1] =	ssyncadd.s32 $0xFFFF7000  }
0x20: {  	[tilespmem:s2], [sflag:$0xD] =	stream.linear.gather [hbm4b:s18+s30], $0x3000, $0x38;
	[tilespmem:$0x1EC00] =	vst v63  }
0x21: {  	s21 =	simm.s32 $0x400;
	s22 =	simm.s32 $0xC000;
	s19 =	rddreg [dreg:$0xf]  }
0x22: {  	[tilespmem:s22], [sflag:$0xE] =	stream.strided.gather [hbm4b:s19+s20], $0xC00, s21, s20, $0x38;
	[tilespmem:$0x1EC00] =	vst v63  }
0x23: {  	s24 =	simm.s32 $0xCC00;
	s23 =	rddreg [dreg:$0x10]  }
0x24: {  	[tilespmem:s24], [sflag:$0x1] =	stream.linear.gather [hbm4b:s23+s30], $0x3000, $0x38;
	[tilespmem:$0x1EC00] =	vst v63  }
0x25: {  	s26 =	simm.s32 $0xFC00;
	s6 =	simm.s32 $0x0;
	s25 =	rddreg [dreg:$0x11]  }
0x26: {  	[tilespmem:s26], [sflag:$0x2] =	stream.linear.gather [hbm4b:s25+s30], $0x3000, $0x38;
	[tilespmem:$0x1EC00] =	vst v63  }
0x27: {  	s29 =	simm.s32 $0x12C00;
	s28 =	rddreg [dreg:$0x12];
	s18 =	simm.s32 $0x0  }
0x28: {  	[tilespmem:s29], [sflag:$0x3] =	stream.linear.gather [hbm4b:s28+s30], $0x3000, $0x38;
	[tilespmem:$0x1EC00] =	vst v63  }
.LBB2_2:
0x29: {  	s23 =	smul.u32 $0x6, s18;
	_ =	sdelay $0x1  }
0x2a: {  	s1 =	smul.u32 $0x300, s18;
	s0 =	sshrl.u32 s23, $0x3  }
0x2b: {  	s0 =	smul.u32 $0x6000, s0;
	_ =	sdelay $0x1  }
0x2c: {  	s1 =	sand.u32 $0x300, s1;
	s9 =	sshra.s32 s0, $0x2  }
0x2d: {  	s3 =	simm.s32 $0x1;
	s0 =	sor.u32 s1, s9  }
0x2e: {  	s10 =	simm.s32 $0x0;
	_ =	swait.ge [sflag:s3], $0x3000;
	[dreg:$0x4] =	wrdreg s0  }
0x2f: {  	s12 =	sand.u32 $0x60, s10;
	s1 =	sand.u32 $0x1C00, s10;
	s0 =	rddreg [dreg:$0x4]  }
0x30: {  	[sflag:s3] =	ssyncset.done $0x0;
	s2 =	sor.u32 $0x10, s12;
	s0 =	sadd.s32 s1, s0  }
0x31: {  	[sflag:s3] =	ssyncadd.s32 $0xFFFFD000;
	s13 =	sadd.s32 s2, s0  }
0x32: {  	v1 =	vld [tilespmem:s13+$0x0];
	_ =	sdelay $0x2  }
0x33: {  	s3 =	sadd.s32 $0xCC00, s1;
	s0 =	sadd.s32 s12, s0  }
0x34: {  	s14 =	sor.u32 s2, s3;
	v0 =	vld [tilespmem:s0+$0x0]  }
0x35: {  	s4 =	sor.u32 $0x80, s14;
	[tilespmem:s14+$0x0] =	vst.add.f32.msk $0xffff, v1  }
0x36: {  	s5 =	sand.u32 $0x3, s10;
	s15 =	sor.u32 $0x100, s14;
	[tilespmem:s4+$0x0] =	vst.add.f32.msk $0xffff, v1  }
0x37: {  	s5 =	sshll.u32 s5, $0x5;
	s16 =	sor.u32 $0x180, s14;
	[tilespmem:s15+$0x0] =	vst.add.f32.msk $0xffff, v1  }
0x38: {  	s5 =	sadd.s32 $0x0, s5;
	s17 =	sor.u32 $0x200, s14;
	[tilespmem:s16+$0x0] =	vst.add.f32.msk $0xffff, v1  }
0x39: {  	s19 =	sadd.s32 $0x10, s5;
	s0 =	sor.u32 $0x280, s14;
	[tilespmem:s17+$0x0] =	vst.add.f32.msk $0xffff, v1  }
0x3a: {  	s20 =	sor.u32 $0x300, s19;
	[tilespmem:s0+$0x0] =	vst.add.f32.msk $0xffff, v1  }
0x3b: {  	s21 =	sor.u32 $0x380, s19;
	s7 =	sadd.s32 $0xE400, s1;
	[tilespmem:s20+$0xCC00] =	vst.add.f32.msk $0xffff, v1  }
0x3c: {  	s22 =	sor.u32 s2, s7;
	[tilespmem:s21+$0xCC00] =	vst.add.f32.msk $0xffff, v1  }
0x3d: {  	s4 =	sadd.s32 $0xE480, s1;
	s21 =	sor.u32 s12, s3;
	[tilespmem:s22+$0x0] =	vst.add.f32.msk $0xffff, v1  }
0x3e: {  	s24 =	sor.u32 s2, s4;
	[tilespmem:s21+$0x0] =	vst.add.f32.msk $0xffff, v0  }
0x3f: {  	s8 =	sadd.s32 $0xE500, s1;
	s22 =	sor.u32 $0x80, s21;
	[tilespmem:s24+$0x0] =	vst.add.f32.msk $0xffff, v1  }
0x40: {  	s25 =	sor.u32 s2, s8;
	[tilespmem:s22+$0x0] =	vst.add.f32.msk $0xffff, v0  }
0x41: {  	s13 =	sadd.s32 $0xE580, s1;
	s3 =	sor.u32 $0x100, s21;
	[tilespmem:s25+$0x0] =	vst.add.f32.msk $0xffff, v1  }
0x42: {  	s26 =	sor.u32 s2, s13;
	s14 =	sadd.s32 $0xE600, s1;
	[tilespmem:s3+$0x0] =	vst.add.f32.msk $0xffff, v0  }
0x43: {  	s11 =	sor.u32 s2, s14;
	s15 =	sadd.s32 $0xE680, s1;
	[tilespmem:s26+$0x0] =	vst.add.f32.msk $0xffff, v1  }
0x44: {  	s17 =	sor.u32 s2, s15;
	[tilespmem:s11+$0x0] =	vst.add.f32.msk $0xffff, v1  }
0x45: {  	s16 =	sadd.s32 $0xE700, s1;
	s11 =	sor.u32 $0x180, s21;
	[tilespmem:s17+$0x0] =	vst.add.f32.msk $0xffff, v1  }
0x46: {  	s19 =	sor.u32 s2, s16;
	[tilespmem:s11+$0x0] =	vst.add.f32.msk $0xffff, v0  }
0x47: {  	s5 =	sor.u32 $0x300, s5;
	s1 =	sadd.s32 $0xE780, s1;
	s26 =	sor.u32 $0x200, s21;
	[tilespmem:s19+$0x0] =	vst.add.f32.msk $0xffff, v1  }
0x48: {  	s30 =	sor.u32 s12, s14;
	s28 =	sor.u32 s12, s15;
	s20 =	sor.u32 s2, s1;
	[tilespmem:s26+$0x0] =	vst.add.f32.msk $0xffff, v0  }
0x49: {  	s29 =	sor.u32 s12, s1;
	s24 =	sor.u32 s10, s10;
	s17 =	sor.u32 $0x280, s21;
	[tilespmem:s20+$0x0] =	vst.add.f32.msk $0xffff, v1  }
0x4a: {  	s0 =	sor.u32 s12, s4;
	s2 =	sor.u32 s12, s8;
	s25 =	sor.u32 $0x380, s24;
	[tilespmem:s17+$0x0] =	vst.add.f32.msk $0xffff, v0  }
0x4b: {  	s24 =	sor.u32 s12, s7;
	s7 =	sor.u32 s12, s16;
	s11 =	simm.s32 $0x0;
	[tilespmem:s5+$0xCC00] =	vst.add.f32.msk $0xffff, v0  }
0x4c: {  	s26 =	sor.u32 s12, s13;
	s12 =	simm.s32 $0x0;
	s13 =	simm.s32 $0x0;
	[tilespmem:s25+$0xCC00] =	vst.add.f32.msk $0xffff, v0  }
.LBB2_3:
0x4d: {  	[tilespmem:s24+$0x0] =	vst.add.f32.msk $0xffff, v0  }
0x4e: {  	s10 =	sadd.s32 $0x100, s10;
	s12 =	sadd.s32 $0x20, s12;
	[tilespmem:s0+$0x0] =	vst.add.f32.msk $0xffff, v0  }
0x4f: {  	s1 =	rddreg [dreg:$0x4];
	s19 =	sand.u32 $0x60, s12;
	s16 =	sand.u32 $0x1C00, s10;
	[tilespmem:s2+$0x0] =	vst.add.f32.msk $0xffff, v0  }
0x50: {  	s1 =	sadd.s32 s16, s1;
	s20 =	sor.u32 $0x10, s19;
	[tilespmem:s26+$0x0] =	vst.add.f32.msk $0xffff, v0  }
0x51: {  	s14 =	sadd.s32 s19, s1;
	s1 =	sadd.s32 s20, s1;
	[tilespmem:s30+$0x0] =	vst.add.f32.msk $0xffff, v0  }
0x52: {  	v1 =	vld [tilespmem:s1+$0x0]  }
0x53: {  	v2 =	vld [tilespmem:s14+$0x0]  }
0x54: {  	[tilespmem:s28+$0x0] =	vst.add.f32.msk $0xffff, v0  }
0x55: {  	s15 =	sadd.s32 $0xCC00, s16;
	[tilespmem:s7+$0x0] =	vst.add.f32.msk $0xffff, v0  }
0x56: {  	s0 =	sor.u32 s20, s15;
	[tilespmem:s29+$0x0] =	vst.add.f32.msk $0xffff, v0  }
0x57: {  	s21 =	sor.u32 $0x80, s0;
	[tilespmem:s0+$0x0] =	vst.add.f32.msk $0xffff, v1  }
0x58: {  	s24 =	sor.u32 $0x100, s0;
	[tilespmem:s21+$0x0] =	vst.add.f32.msk $0xffff, v1  }
0x59: {  	s14 =	sor.u32 s19, s15;
	v0 =	vmov v2;
	[tilespmem:s24+$0x0] =	vst.add.f32.msk $0xffff, v1  }
0x5a: {  	s3 =	sor.u32 $0x180, s0;
	[tilespmem:s14+$0x0] =	vst.add.f32.msk $0xffff, v0  }
0x5b: {  	s13 =	sadd.s32 $0x1, s13;
	s15 =	sor.u32 $0x80, s14;
	[tilespmem:s3+$0x0] =	vst.add.f32.msk $0xffff, v1  }
0x5c: {  	s22 =	sand.u32 $0x3, s13;
	s4 =	sor.u32 $0x200, s0;
	[tilespmem:s15+$0x0] =	vst.add.f32.msk $0xffff, v0  }
0x5d: {  	s2 =	sshll.u32 s22, $0x5;
	s25 =	sor.u32 $0x100, s14;
	[tilespmem:s4+$0x0] =	vst.add.f32.msk $0xffff, v1  }
0x5e: {  	s2 =	sadd.s32 s2, s10;
	s0 =	sor.u32 $0x280, s0;
	[tilespmem:s25+$0x0] =	vst.add.f32.msk $0xffff, v0  }
0x5f: {  	s26 =	sadd.s32 $0x10, s2;
	s21 =	sor.u32 $0x180, s14;
	[tilespmem:s0+$0x0] =	vst.add.f32.msk $0xffff, v1  }
0x60: {  	s5 =	sor.u32 $0x300, s2;
	s2 =	sor.u32 $0x300, s26;
	[tilespmem:s21+$0x0] =	vst.add.f32.msk $0xffff, v0  }
0x61: {  	s8 =	sor.u32 s10, s12;
	s1 =	sor.u32 $0x200, s14;
	[tilespmem:s2+$0xCC00] =	vst.add.f32.msk $0xffff, v1  }
0x62: {  	s17 =	sor.u32 $0x380, s8;
	s8 =	sor.u32 $0x380, s26;
	[tilespmem:s1+$0x0] =	vst.add.f32.msk $0xffff, v0  }
0x63: {  	s7 =	sadd.s32 $0xE400, s16;
	s3 =	sor.u32 $0x280, s14;
	[tilespmem:s8+$0xCC00] =	vst.add.f32.msk $0xffff, v1  }
0x64: {  	s2 =	sor.u32 s20, s7;
	[tilespmem:s3+$0x0] =	vst.add.f32.msk $0xffff, v0  }
0x65: {  	s11 =	sadd.s32 $0x2, s11;
	s22 =	sadd.s32 $0xE480, s16;
	[tilespmem:s2+$0x0] =	vst.add.f32.msk $0xffff, v1  }
0x66: {  	p0 =	slt.u32 s11, $0x2E;
	s26 =	sadd.s32 $0xE500, s16;
	s4 =	sor.u32 s20, s22;
	[tilespmem:s5+$0xCC00] =	vst.add.f32.msk $0xffff, v0  }
0x67: {  	s24 =	sor.u32 s19, s7;
	s0 =	sor.u32 s19, s22;
	s7 =	sadd.s32 $0xE600, s16;
	[tilespmem:s4+$0x0] =	vst.add.f32.msk $0xffff, v1  }
0x68: {  	s22 =	sor.u32 s20, s26;
	s8 =	sadd.s32 $0xE580, s16;
	s30 =	sor.u32 s19, s7;
	[tilespmem:s17+$0xCC00] =	vst.add.f32.msk $0xffff, v0  }
0x69: {  	s7 =	sor.u32 s20, s7;
	s2 =	sor.u32 s19, s26;
	[tilespmem:s22+$0x0] =	vst.add.f32.msk $0xffff, v1;
	s22 =	sor.u32 s20, s8  }
.Ltmp0:
0x6a: {  	s26 =	sor.u32 s19, s8;
	s8 =	sadd.s32 $0xE680, s16;
	[tilespmem:s22+$0x0] =	vst.add.f32.msk $0xffff, v1;
	(pc) =	sbr.rel @p0 .LBB2_3-.Ltmp0, $4  }
0x6b: {  	s22 =	sadd.s32 $0xE700, s16;
	s4 =	sor.u32 s20, s8;
	[tilespmem:s7+$0x0] =	vst.add.f32.msk $0xffff, v1  }
0x6c: {  	s28 =	sor.u32 s19, s8;
	s8 =	sadd.s32 $0xE780, s16;
	s16 =	sor.u32 s20, s22;
	[tilespmem:s4+$0x0] =	vst.add.f32.msk $0xffff, v1  }
0x6d: {  	s7 =	sor.u32 s19, s22;
	s22 =	sor.u32 s20, s8;
	[tilespmem:s16+$0x0] =	vst.add.f32.msk $0xffff, v1  }
0x6e: {  	s29 =	sor.u32 s19, s8;
	[tilespmem:s22+$0x0] =	vst.add.f32.msk $0xffff, v1  }
0x6f: {  	[tilespmem:s24+$0x0] =	vst.add.f32.msk $0xffff, v0  }
0x70: {  	[tilespmem:s0+$0x0] =	vst.add.f32.msk $0xffff, v0  }
0x71: {  	[tilespmem:s2+$0x0] =	vst.add.f32.msk $0xffff, v0  }
0x72: {  	s1 =	rddreg [dreg:$0xb];
	[tilespmem:s26+$0x0] =	vst.add.f32.msk $0xffff, v0  }
0x73: {  	s16 =	sadd.s32 s1, s23;
	[tilespmem:s30+$0x0] =	vst.add.f32.msk $0xffff, v0  }
0x74: {  	s0 =	smul.u32 $0x3000, s16;
	[tilespmem:s28+$0x0] =	vst.add.f32.msk $0xffff, v0  }
0x75: {  	s2 =	rddreg [dreg:$0xc]  }
0x76: {  	s3 =	simm.s32 $0xCC00;
	s0 =	sadd.s32 s2, s0  }
0x77: {  	s11 =	sadd.s32 $0x3, s23;
	p0 =	seq.s32 s18, $0x0;
	[tilespmem:s7+$0x0] =	vst.add.f32.msk $0xffff, v0;
	s0 =	sshrl.u32 s0, $0x3  }
0x78: {  	s17 =	sadd.s32 s1, s11;
	s1 =	simm.s32 @!p0 $0xA;
	[tilespmem:s29+$0x0] =	vst.add.f32.msk $0xffff, v0;
	s0 =	sadd.s32 s31, s0  }
0x79: {  	[hbm4b:s0+s6] =	stream.linear.scatter [tilespmem:s3], [sflag:$0x7], $0x3000, $0x38;
	[tilespmem:$0x1EC00] =	vst v63  }
0x7a: {  	s0 =	smul.u32 $0x3000, s17;
	_ =	swait.ge @!p0 [sflag:s1], $0x3000  }
0x7b: {  	[sflag:s1] =	ssyncset.done @!p0 $0x0  }
0x7c: {  	s12 =	simm.s32 $0x0;
	s0 =	sadd.s32 s2, s0;
	[sflag:s1] =	ssyncadd.s32 @!p0 $0xFFFFD000  }
0x7d: {  	s10 =	sor.u32 $0x1, s23;
	s2 =	sshrl.u32 s0, $0x3;
	s19 =	rddreg [dreg:$0x0]  }
0x7e: {  	s21 =	simm.s32 $0x15C00;
	s22 =	sshll.u32 s10, $0x7;
	s0 =	sadd.s32 s19, s2  }
0x7f: {  	[tilespmem:s21], [sflag:$0x4] =	stream.linear.gather [hbm4b:s0+s12], $0x3000, $0x38;
	[tilespmem:$0x1EC00] =	vst v63  }
0x80: {  	s0 =	sand.u32 $0x380, s22  }
0x81: {  	s24 =	simm.s32 $0x2;
	[dreg:$0x1a] =	wrdreg s2;
	s0 =	sadd.s32 s0, s9  }
0x82: {  	_ =	swait.ge [sflag:s24], $0x3000;
	[dreg:$0x5] =	wrdreg s0  }
0x83: {  	s13 =	sand.u32 $0x60, s12;
	s1 =	sand.u32 $0x1C00, s12;
	s0 =	rddreg [dreg:$0x5]  }
0x84: {  	s2 =	sor.u32 $0x10, s13;
	[sflag:s24] =	ssyncset.done $0x0;
	s0 =	sadd.s32 s1, s0  }
0x85: {  	[sflag:s24] =	ssyncadd.s32 $0xFFFFD000;
	s25 =	sadd.s32 s2, s0  }
0x86: {  	v1 =	vld [tilespmem:s25+$0x0];
	_ =	sdelay $0x2  }
0x87: {  	s3 =	sadd.s32 $0xFC00, s1;
	s0 =	sadd.s32 s13, s0  }
0x88: {  	s26 =	sor.u32 s2, s3;
	v0 =	vld [tilespmem:s0+$0x0]  }
0x89: {  	s4 =	sor.u32 $0x80, s26;
	[tilespmem:s26+$0x0] =	vst.add.f32.msk $0xffff, v1  }
0x8a: {  	s7 =	sor.u32 $0x100, s26;
	[tilespmem:s4+$0x0] =	vst.add.f32.msk $0xffff, v1  }
0x8b: {  	s5 =	sand.u32 $0x3, s12;
	s8 =	sor.u32 $0x180, s26;
	[tilespmem:s7+$0x0] =	vst.add.f32.msk $0xffff, v1  }
0x8c: {  	s5 =	sshll.u32 s5, $0x5;
	s9 =	sor.u32 $0x200, s26;
	[tilespmem:s8+$0x0] =	vst.add.f32.msk $0xffff, v1  }
0x8d: {  	s5 =	sadd.s32 $0x0, s5;
	s0 =	sor.u32 $0x280, s26;
	[tilespmem:s9+$0x0] =	vst.add.f32.msk $0xffff, v1  }
0x8e: {  	s14 =	sadd.s32 $0x10, s5;
	s9 =	sor.u32 s13, s3;
	[tilespmem:s0+$0x0] =	vst.add.f32.msk $0xffff, v1  }
0x8f: {  	s15 =	sor.u32 $0x300, s14;
	[tilespmem:s9+$0x0] =	vst.add.f32.msk $0xffff, v0  }
0x90: {  	s16 =	sor.u32 $0x380, s14;
	s7 =	sadd.s32 $0x11400, s1;
	[tilespmem:s15+$0xFC00] =	vst.add.f32.msk $0xffff, v1  }
0x91: {  	s4 =	sadd.s32 $0x11480, s1;
	s17 =	sor.u32 s2, s7;
	[tilespmem:s16+$0xFC00] =	vst.add.f32.msk $0xffff, v1  }
0x92: {  	s14 =	sadd.s32 $0x11500, s1;
	s19 =	sor.u32 s2, s4;
	[tilespmem:s17+$0x0] =	vst.add.f32.msk $0xffff, v1  }
0x93: {  	s21 =	sor.u32 s2, s14;
	s15 =	sadd.s32 $0x11580, s1;
	[tilespmem:s19+$0x0] =	vst.add.f32.msk $0xffff, v1  }
0x94: {  	s22 =	sor.u32 s2, s15;
	[tilespmem:s21+$0x0] =	vst.add.f32.msk $0xffff, v1  }
0x95: {  	s16 =	sadd.s32 $0x11600, s1;
	s21 =	sor.u32 $0x80, s9;
	[tilespmem:s22+$0x0] =	vst.add.f32.msk $0xffff, v1  }
0x96: {  	s24 =	sor.u32 s2, s16;
	[tilespmem:s21+$0x0] =	vst.add.f32.msk $0xffff, v0  }
0x97: {  	s3 =	sor.u32 $0x100, s9;
	s17 =	sadd.s32 $0x11680, s1;
	[tilespmem:s24+$0x0] =	vst.add.f32.msk $0xffff, v1  }
0x98: {  	s25 =	sor.u32 s2, s17;
	[tilespmem:s3+$0x0] =	vst.add.f32.msk $0xffff, v0  }
0x99: {  	s19 =	sadd.s32 $0x11700, s1;
	s24 =	sor.u32 $0x180, s9;
	[tilespmem:s25+$0x0] =	vst.add.f32.msk $0xffff, v1  }
0x9a: {  	s20 =	smov.u32 s31;
	s26 =	sor.u32 s2, s19;
	[tilespmem:s24+$0x0] =	vst.add.f32.msk $0xffff, v0  }
0x9b: {  	s29 =	sor.u32 s13, s14;
	s1 =	sadd.s32 $0x11780, s1;
	s25 =	sor.u32 $0x200, s9;
	[tilespmem:s26+$0x0] =	vst.add.f32.msk $0xffff, v1  }
0x9c: {  	s28 =	sor.u32 s13, s7;
	s30 =	sor.u32 s13, s16;
	s8 =	sor.u32 s2, s1;
	[tilespmem:s25+$0x0] =	vst.add.f32.msk $0xffff, v0  }
0x9d: {  	s7 =	sor.u32 s13, s17;
	s17 =	simm.s32 $0x0;
	s2 =	sor.u32 $0x280, s9;
	[tilespmem:s8+$0x0] =	vst.add.f32.msk $0xffff, v1  }
0x9e: {  	s31 =	sor.u32 s13, s19;
	s22 =	sor.u32 s12, s12;
	s26 =	sor.u32 $0x300, s5;
	[tilespmem:s2+$0x0] =	vst.add.f32.msk $0xffff, v0  }
0x9f: {  	s0 =	sor.u32 s13, s1;
	s21 =	sor.u32 $0x380, s22;
	s9 =	simm.s32 $0x0;
	[tilespmem:s26+$0xFC00] =	vst.add.f32.msk $0xffff, v0  }
0xa0: {  	s8 =	sor.u32 s13, s4;
	s2 =	sor.u32 s13, s15;
	s13 =	simm.s32 $0x0;
	[tilespmem:s21+$0xFC00] =	vst.add.f32.msk $0xffff, v0  }
.LBB2_5:
0xa1: {  	[tilespmem:s28+$0x0] =	vst.add.f32.msk $0xffff, v0  }
0xa2: {  	s12 =	sadd.s32 $0x100, s12;
	s13 =	sadd.s32 $0x20, s13;
	[tilespmem:s8+$0x0] =	vst.add.f32.msk $0xffff, v0  }
0xa3: {  	s1 =	rddreg [dreg:$0x5];
	s24 =	sand.u32 $0x60, s13;
	s16 =	sand.u32 $0x1C00, s12;
	[tilespmem:s29+$0x0] =	vst.add.f32.msk $0xffff, v0  }
0xa4: {  	s1 =	sadd.s32 s16, s1;
	s25 =	sor.u32 $0x10, s24;
	[tilespmem:s2+$0x0] =	vst.add.f32.msk $0xffff, v0  }
0xa5: {  	s5 =	sadd.s32 s24, s1;
	s1 =	sadd.s32 s25, s1;
	[tilespmem:s30+$0x0] =	vst.add.f32.msk $0xffff, v0  }
0xa6: {  	v1 =	vld [tilespmem:s1+$0x0]  }
0xa7: {  	v2 =	vld [tilespmem:s5+$0x0]  }
0xa8: {  	[tilespmem:s7+$0x0] =	vst.add.f32.msk $0xffff, v0  }
0xa9: {  	s7 =	sadd.s32 $0xFC00, s16;
	[tilespmem:s31+$0x0] =	vst.add.f32.msk $0xffff, v0  }
0xaa: {  	s8 =	sor.u32 s25, s7;
	[tilespmem:s0+$0x0] =	vst.add.f32.msk $0xffff, v0  }
0xab: {  	s3 =	sor.u32 s12, s13;
	s21 =	sor.u32 $0x80, s8;
	[tilespmem:s8+$0x0] =	vst.add.f32.msk $0xffff, v1  }
0xac: {  	s19 =	sor.u32 $0x380, s3;
	s3 =	sor.u32 $0x100, s8;
	[tilespmem:s21+$0x0] =	vst.add.f32.msk $0xffff, v1  }
0xad: {  	s14 =	sor.u32 s24, s7;
	v0 =	vmov v2;
	[tilespmem:s3+$0x0] =	vst.add.f32.msk $0xffff, v1  }
0xae: {  	s5 =	sor.u32 $0x180, s8;
	[tilespmem:s14+$0x0] =	vst.add.f32.msk $0xffff, v0  }
0xaf: {  	s17 =	sadd.s32 $0x1, s17;
	s15 =	sor.u32 $0x80, s14;
	[tilespmem:s5+$0x0] =	vst.add.f32.msk $0xffff, v1  }
0xb0: {  	s22 =	sand.u32 $0x3, s17;
	s7 =	sor.u32 $0x200, s8;
	[tilespmem:s15+$0x0] =	vst.add.f32.msk $0xffff, v0  }
0xb1: {  	s4 =	sshll.u32 s22, $0x5;
	s26 =	sor.u32 $0x100, s14;
	[tilespmem:s7+$0x0] =	vst.add.f32.msk $0xffff, v1  }
0xb2: {  	s4 =	sadd.s32 s4, s12;
	s8 =	sor.u32 $0x280, s8;
	[tilespmem:s26+$0x0] =	vst.add.f32.msk $0xffff, v0  }
0xb3: {  	s22 =	sadd.s32 $0x10, s4;
	s21 =	sor.u32 $0x180, s14;
	[tilespmem:s8+$0x0] =	vst.add.f32.msk $0xffff, v1  }
0xb4: {  	s7 =	sor.u32 $0x300, s22;
	[tilespmem:s21+$0x0] =	vst.add.f32.msk $0xffff, v0  }
0xb5: {  	s1 =	sor.u32 $0x200, s14;
	[tilespmem:s7+$0xFC00] =	vst.add.f32.msk $0xffff, v1  }
0xb6: {  	s22 =	sor.u32 $0x380, s22;
	[tilespmem:s1+$0x0] =	vst.add.f32.msk $0xffff, v0  }
0xb7: {  	s3 =	sor.u32 $0x280, s14;
	s8 =	sadd.s32 $0x11400, s16;
	[tilespmem:s22+$0xFC00] =	vst.add.f32.msk $0xffff, v1  }
0xb8: {  	s7 =	sor.u32 s25, s8;
	[tilespmem:s3+$0x0] =	vst.add.f32.msk $0xffff, v0  }
0xb9: {  	s9 =	sadd.s32 $0x2, s9;
	s2 =	sadd.s32 $0x11480, s16;
	s5 =	sor.u32 $0x300, s4;
	[tilespmem:s7+$0x0] =	vst.add.f32.msk $0xffff, v1  }
0xba: {  	s28 =	sor.u32 s24, s8;
	s8 =	sor.u32 s24, s2;
	s2 =	sor.u32 s25, s2;
	[tilespmem:s5+$0xFC00] =	vst.add.f32.msk $0xffff, v0  }
0xbb: {  	p1 =	slt.u32 s9, $0x2E;
	s4 =	sadd.s32 $0x11600, s16;
	s22 =	sadd.s32 $0x11500, s16;
	[tilespmem:s2+$0x0] =	vst.add.f32.msk $0xffff, v1  }
0xbc: {  	s29 =	sor.u32 s24, s22;
	s7 =	sadd.s32 $0x11580, s16;
	s22 =	sor.u32 s25, s22;
	[tilespmem:s19+$0xFC00] =	vst.add.f32.msk $0xffff, v0  }
0xbd: {  	s30 =	sor.u32 s24, s4;
	s2 =	sor.u32 s24, s7;
	s7 =	sor.u32 s25, s7;
	[tilespmem:s22+$0x0] =	vst.add.f32.msk $0xffff, v1  }
.Ltmp1:
0xbe: {  	s0 =	sor.u32 s25, s4;
	s22 =	sadd.s32 $0x11680, s16;
	[tilespmem:s7+$0x0] =	vst.add.f32.msk $0xffff, v1;
	(pc) =	sbr.rel @p1 .LBB2_5-.Ltmp1, $4  }
0xbf: {  	s4 =	sadd.s32 $0x11700, s16;
	s7 =	sor.u32 s24, s22;
	s22 =	sor.u32 s25, s22;
	[tilespmem:s0+$0x0] =	vst.add.f32.msk $0xffff, v1  }
0xc0: {  	s31 =	sor.u32 s24, s4;
	s4 =	sor.u32 s25, s4;
	s16 =	sadd.s32 $0x11780, s16;
	[tilespmem:s22+$0x0] =	vst.add.f32.msk $0xffff, v1  }
0xc1: {  	s25 =	sor.u32 s25, s16;
	[tilespmem:s4+$0x0] =	vst.add.f32.msk $0xffff, v1  }
0xc2: {  	s0 =	sor.u32 s24, s16;
	[tilespmem:s25+$0x0] =	vst.add.f32.msk $0xffff, v1  }
0xc3: {  	[dreg:$0x19] =	wrdreg s18  }
0xc4: {  	[tilespmem:s28+$0x0] =	vst.add.f32.msk $0xffff, v0  }
0xc5: {  	[tilespmem:s8+$0x0] =	vst.add.f32.msk $0xffff, v0  }
0xc6: {  	[tilespmem:s29+$0x0] =	vst.add.f32.msk $0xffff, v0  }
0xc7: {  	s3 =	rddreg [dreg:$0xb];
	[tilespmem:s2+$0x0] =	vst.add.f32.msk $0xffff, v0  }
0xc8: {  	s1 =	sadd.s32 s3, s10;
	[tilespmem:s30+$0x0] =	vst.add.f32.msk $0xffff, v0  }
0xc9: {  	s1 =	smul.u32 $0x3000, s1;
	[tilespmem:s7+$0x0] =	vst.add.f32.msk $0xffff, v0  }
0xca: {  	s2 =	rddreg [dreg:$0xc]  }
0xcb: {  	s1 =	sadd.s32 s2, s1  }
0xcc: {  	s12 =	sadd.s32 $0x4, s23;
	s28 =	simm.s32 $0xFC00;
	[tilespmem:s31+$0x0] =	vst.add.f32.msk $0xffff, v0;
	s1 =	sshrl.u32 s1, $0x3  }
0xcd: {  	s30 =	sadd.s32 s3, s12;
	[tilespmem:s0+$0x0] =	vst.add.f32.msk $0xffff, v0;
	s26 =	sadd.s32 s20, s1;
	s1 =	simm.s32 @!p0 $0xB  }
0xce: {  	[hbm4b:s26+s6] =	stream.linear.scatter [tilespmem:s28], [sflag:$0x8], $0x3000, $0x38;
	[tilespmem:$0x1EC00] =	vst v63  }
0xcf: {  	s0 =	smul.u32 $0x3000, s30;
	_ =	swait.ge @!p0 [sflag:s1], $0x3000  }
0xd0: {  	[sflag:s1] =	ssyncset.done @!p0 $0x0  }
0xd1: {  	s13 =	simm.s32 $0x0;
	s0 =	sadd.s32 s2, s0;
	[sflag:s1] =	ssyncadd.s32 @!p0 $0xFFFFD000  }
0xd2: {  	s10 =	sadd.s32 $0x2, s23;
	s2 =	sshrl.u32 s0, $0x3;
	s1 =	rddreg [dreg:$0x0]  }
0xd3: {  	s3 =	simm.s32 $0x18C00;
	s4 =	sshrl.u32 s10, $0x3;
	s0 =	sadd.s32 s1, s2  }
0xd4: {  	[tilespmem:s3], [sflag:$0x5] =	stream.linear.gather [hbm4b:s0+s13], $0x3000, $0x38;
	[tilespmem:$0x1EC00] =	vst v63  }
0xd5: {  	s0 =	smul.u32 $0x6000, s4  }
0xd6: {  	s5 =	sshll.u32 s10, $0x7  }
0xd7: {  	s1 =	sand.u32 $0x300, s5;
	s0 =	sshra.s32 s0, $0x2  }
0xd8: {  	s7 =	simm.s32 $0x3;
	[dreg:$0x1b] =	wrdreg s2;
	s0 =	sor.u32 s1, s0  }
0xd9: {  	_ =	swait.ge [sflag:s7], $0x3000;
	[dreg:$0x6] =	wrdreg s0  }
0xda: {  	s14 =	sand.u32 $0x60, s13;
	s1 =	sand.u32 $0x1C00, s13;
	s0 =	rddreg [dreg:$0x6]  }
0xdb: {  	s2 =	sor.u32 $0x10, s14;
	[sflag:s7] =	ssyncset.done $0x0;
	s0 =	sadd.s32 s1, s0  }
0xdc: {  	[sflag:s7] =	ssyncadd.s32 $0xFFFFD000;
	s8 =	sadd.s32 s2, s0  }
0xdd: {  	s0 =	sadd.s32 s14, s0;
	v1 =	vld [tilespmem:s8+$0x0]  }
0xde: {  	s5 =	sand.u32 $0x3, s13;
	v0 =	vld [tilespmem:s0+$0x0]  }
0xdf: {  	s5 =	sshll.u32 s5, $0x5  }
0xe0: {  	s5 =	sadd.s32 $0x0, s5;
	s3 =	sadd.s32 $0x12C00, s1  }
0xe1: {  	s18 =	sadd.s32 $0x10, s5;
	s9 =	sor.u32 s2, s3  }
0xe2: {  	s19 =	sor.u32 $0x300, s18;
	s21 =	sor.u32 $0x380, s18;
	s18 =	sor.u32 s14, s3;
	[tilespmem:s9+$0x0] =	vst.add.f32.msk $0xffff, v1  }
0xe3: {  	s4 =	sor.u32 $0x80, s9;
	[tilespmem:s18+$0x0] =	vst.add.f32.msk $0xffff, v0  }
0xe4: {  	s15 =	sor.u32 $0x100, s9;
	[tilespmem:s4+$0x0] =	vst.add.f32.msk $0xffff, v1  }
0xe5: {  	s16 =	sor.u32 $0x180, s9;
	[tilespmem:s15+$0x0] =	vst.add.f32.msk $0xffff, v1  }
0xe6: {  	s17 =	sor.u32 $0x200, s9;
	[tilespmem:s16+$0x0] =	vst.add.f32.msk $0xffff, v1  }
0xe7: {  	s0 =	sor.u32 $0x280, s9;
	[tilespmem:s17+$0x0] =	vst.add.f32.msk $0xffff, v1  }
0xe8: {  	[tilespmem:s0+$0x0] =	vst.add.f32.msk $0xffff, v1  }
0xe9: {  	[tilespmem:s19+$0x12C00] =	vst.add.f32.msk $0xffff, v1  }
0xea: {  	s7 =	sadd.s32 $0x14400, s1;
	s19 =	sor.u32 $0x80, s18;
	[tilespmem:s21+$0x12C00] =	vst.add.f32.msk $0xffff, v1  }
0xeb: {  	s22 =	sor.u32 s2, s7;
	s4 =	sadd.s32 $0x14480, s1;
	[tilespmem:s19+$0x0] =	vst.add.f32.msk $0xffff, v0  }
0xec: {  	s8 =	sadd.s32 $0x14500, s1;
	s24 =	sor.u32 s2, s4;
	[tilespmem:s22+$0x0] =	vst.add.f32.msk $0xffff, v1  }
0xed: {  	s25 =	sor.u32 s2, s8;
	[tilespmem:s24+$0x0] =	vst.add.f32.msk $0xffff, v1  }
0xee: {  	s15 =	sadd.s32 $0x14580, s1;
	s24 =	sor.u32 $0x100, s18;
	[tilespmem:s25+$0x0] =	vst.add.f32.msk $0xffff, v1  }
0xef: {  	s16 =	sadd.s32 $0x14600, s1;
	s26 =	sor.u32 s2, s15;
	[tilespmem:s24+$0x0] =	vst.add.f32.msk $0xffff, v0  }
0xf0: {  	s28 =	sor.u32 s2, s16;
	[tilespmem:s26+$0x0] =	vst.add.f32.msk $0xffff, v1  }
0xf1: {  	s17 =	sadd.s32 $0x14680, s1;
	s26 =	sor.u32 $0x180, s18;
	[tilespmem:s28+$0x0] =	vst.add.f32.msk $0xffff, v1  }
0xf2: {  	s30 =	sor.u32 s2, s17;
	s21 =	sadd.s32 $0x14700, s1;
	[tilespmem:s26+$0x0] =	vst.add.f32.msk $0xffff, v0  }
0xf3: {  	s22 =	sadd.s32 $0x14780, s1;
	s1 =	sor.u32 s2, s21;
	[tilespmem:s30+$0x0] =	vst.add.f32.msk $0xffff, v1  }
0xf4: {  	s5 =	sor.u32 $0x300, s5;
	s30 =	sor.u32 $0x200, s18;
	[tilespmem:s1+$0x0] =	vst.add.f32.msk $0xffff, v1  }
0xf5: {  	s31 =	sor.u32 s14, s16;
	s0 =	sor.u32 s14, s8;
	s9 =	sor.u32 s2, s22;
	[tilespmem:s30+$0x0] =	vst.add.f32.msk $0xffff, v0  }
0xf6: {  	s29 =	sor.u32 s14, s17;
	s17 =	simm.s32 $0x0;
	s1 =	sor.u32 $0x280, s18;
	[tilespmem:s9+$0x0] =	vst.add.f32.msk $0xffff, v1  }
0xf7: {  	s19 =	simm.s32 $0x0;
	s21 =	sor.u32 s14, s21;
	s25 =	sor.u32 s13, s13;
	[tilespmem:s1+$0x0] =	vst.add.f32.msk $0xffff, v0  }
0xf8: {  	s2 =	sor.u32 s14, s7;
	s7 =	sor.u32 s14, s15;
	s28 =	sor.u32 $0x380, s25;
	[tilespmem:s5+$0x12C00] =	vst.add.f32.msk $0xffff, v0  }
0xf9: {  	s22 =	sor.u32 s14, s22;
	s24 =	simm.s32 $0x0;
	s1 =	sor.u32 s14, s4;
	[tilespmem:s28+$0x12C00] =	vst.add.f32.msk $0xffff, v0  }
.LBB2_7:
0xfa: {  	[tilespmem:s2+$0x0] =	vst.add.f32.msk $0xffff, v0  }
0xfb: {  	s13 =	sadd.s32 $0x100, s13;
	s17 =	sadd.s32 $0x20, s17;
	[tilespmem:s1+$0x0] =	vst.add.f32.msk $0xffff, v0  }
0xfc: {  	s3 =	rddreg [dreg:$0x6];
	s16 =	sand.u32 $0x60, s17;
	s14 =	sand.u32 $0x1C00, s13;
	[tilespmem:s0+$0x0] =	vst.add.f32.msk $0xffff, v0  }
0xfd: {  	s5 =	sadd.s32 s14, s3;
	s15 =	sor.u32 $0x10, s16;
	[tilespmem:s7+$0x0] =	vst.add.f32.msk $0xffff, v0  }
0xfe: {  	s0 =	sadd.s32 s15, s5;
	[tilespmem:s31+$0x0] =	vst.add.f32.msk $0xffff, v0  }
0xff: {  	s7 =	sadd.s32 s16, s5;
	v1 =	vld [tilespmem:s0+$0x0]  }
0x100: {  	v2 =	vld [tilespmem:s7+$0x0]  }
0x101: {  	[tilespmem:s29+$0x0] =	vst.add.f32.msk $0xffff, v0  }
0x102: {  	s8 =	sadd.s32 $0x12C00, s14;
	[tilespmem:s21+$0x0] =	vst.add.f32.msk $0xffff, v0  }
0x103: {  	s0 =	sor.u32 s15, s8;
	[tilespmem:s22+$0x0] =	vst.add.f32.msk $0xffff, v0  }
0x104: {  	s9 =	sor.u32 $0x80, s0;
	[tilespmem:s0+$0x0] =	vst.add.f32.msk $0xffff, v1  }
0x105: {  	s21 =	sor.u32 $0x100, s0;
	[tilespmem:s9+$0x0] =	vst.add.f32.msk $0xffff, v1  }
0x106: {  	s26 =	sor.u32 s16, s8;
	v0 =	vmov v2;
	[tilespmem:s21+$0x0] =	vst.add.f32.msk $0xffff, v1  }
0x107: {  	s22 =	sor.u32 $0x180, s0;
	[tilespmem:s26+$0x0] =	vst.add.f32.msk $0xffff, v0  }
0x108: {  	s24 =	sadd.s32 $0x1, s24;
	s4 =	sor.u32 s13, s17;
	s28 =	sor.u32 $0x80, s26;
	[tilespmem:s22+$0x0] =	vst.add.f32.msk $0xffff, v1  }
0x109: {  	s18 =	sand.u32 $0x3, s24;
	s25 =	sor.u32 $0x380, s4;
	s4 =	sor.u32 $0x200, s0;
	[tilespmem:s28+$0x0] =	vst.add.f32.msk $0xffff, v0  }
0x10a: {  	s2 =	sshll.u32 s18, $0x5;
	s30 =	sor.u32 $0x100, s26;
	[tilespmem:s4+$0x0] =	vst.add.f32.msk $0xffff, v1  }
0x10b: {  	s2 =	sadd.s32 s2, s13;
	s0 =	sor.u32 $0x280, s0;
	[tilespmem:s30+$0x0] =	vst.add.f32.msk $0xffff, v0  }
0x10c: {  	s8 =	sor.u32 $0x180, s26;
	s7 =	sadd.s32 $0x10, s2;
	[tilespmem:s0+$0x0] =	vst.add.f32.msk $0xffff, v1  }
0x10d: {  	s9 =	sor.u32 $0x300, s7;
	[tilespmem:s8+$0x0] =	vst.add.f32.msk $0xffff, v0  }
0x10e: {  	s3 =	sor.u32 $0x200, s26;
	[tilespmem:s9+$0x12C00] =	vst.add.f32.msk $0xffff, v1  }
0x10f: {  	s21 =	sor.u32 $0x380, s7;
	[tilespmem:s3+$0x0] =	vst.add.f32.msk $0xffff, v0  }
0x110: {  	s18 =	sadd.s32 $0x14400, s14;
	s5 =	sor.u32 $0x280, s26;
	[tilespmem:s21+$0x12C00] =	vst.add.f32.msk $0xffff, v1  }
0x111: {  	s7 =	sor.u32 s15, s18;
	[tilespmem:s5+$0x0] =	vst.add.f32.msk $0xffff, v0  }
0x112: {  	s19 =	sadd.s32 $0x2, s19;
	s22 =	sadd.s32 $0x14480, s14;
	s4 =	sor.u32 $0x300, s2;
	[tilespmem:s7+$0x0] =	vst.add.f32.msk $0xffff, v1  }
0x113: {  	p1 =	slt.u32 s19, $0x2E;
	s29 =	sadd.s32 $0x14600, s14;
	s21 =	sor.u32 s15, s22;
	[tilespmem:s4+$0x12C00] =	vst.add.f32.msk $0xffff, v0  }
0x114: {  	s31 =	sor.u32 s16, s29;
	s2 =	sor.u32 s16, s18;
	s9 =	sadd.s32 $0x14500, s14;
	[tilespmem:s21+$0x0] =	vst.add.f32.msk $0xffff, v1  }
0x115: {  	s18 =	sadd.s32 $0x14580, s14;
	s0 =	sor.u32 s16, s9;
	s9 =	sor.u32 s15, s9;
	[tilespmem:s25+$0x12C00] =	vst.add.f32.msk $0xffff, v0  }
0x116: {  	s1 =	sor.u32 s16, s22;
	s7 =	sor.u32 s16, s18;
	s18 =	sor.u32 s15, s18;
	[tilespmem:s9+$0x0] =	vst.add.f32.msk $0xffff, v1  }
.Ltmp2:
0x117: {  	s22 =	sadd.s32 $0x14680, s14;
	s9 =	sor.u32 s15, s29;
	[tilespmem:s18+$0x0] =	vst.add.f32.msk $0xffff, v1;
	(pc) =	sbr.rel @p1 .LBB2_7-.Ltmp2, $4  }
0x118: {  	s29 =	sor.u32 s16, s22;
	s22 =	sor.u32 s15, s22;
	s18 =	sadd.s32 $0x14700, s14;
	[tilespmem:s9+$0x0] =	vst.add.f32.msk $0xffff, v1  }
0x119: {  	s14 =	sadd.s32 $0x14780, s14;
	s21 =	sor.u32 s16, s18;
	s18 =	sor.u32 s15, s18;
	[tilespmem:s22+$0x0] =	vst.add.f32.msk $0xffff, v1  }
0x11a: {  	s22 =	sor.u32 s16, s14;
	s14 =	sor.u32 s15, s14;
	[tilespmem:s18+$0x0] =	vst.add.f32.msk $0xffff, v1  }
0x11b: {  	[tilespmem:s14+$0x0] =	vst.add.f32.msk $0xffff, v1  }
0x11c: {  	[tilespmem:s2+$0x0] =	vst.add.f32.msk $0xffff, v0  }
0x11d: {  	[tilespmem:s1+$0x0] =	vst.add.f32.msk $0xffff, v0  }
0x11e: {  	[tilespmem:s0+$0x0] =	vst.add.f32.msk $0xffff, v0  }
0x11f: {  	s1 =	rddreg [dreg:$0xb];
	[tilespmem:s7+$0x0] =	vst.add.f32.msk $0xffff, v0  }
0x120: {  	s30 =	sadd.s32 s1, s10;
	[tilespmem:s31+$0x0] =	vst.add.f32.msk $0xffff, v0  }
0x121: {  	s0 =	smul.u32 $0x3000, s30;
	[tilespmem:s29+$0x0] =	vst.add.f32.msk $0xffff, v0  }
0x122: {  	s2 =	rddreg [dreg:$0xc]  }
0x123: {  	s0 =	sadd.s32 s2, s0  }
0x124: {  	s13 =	sadd.s32 $0x5, s23;
	[tilespmem:s21+$0x0] =	vst.add.f32.msk $0xffff, v0;
	s0 =	sshrl.u32 s0, $0x3  }
0x125: {  	s3 =	simm.s32 $0x12C00;
	s1 =	sadd.s32 s1, s13;
	[tilespmem:s22+$0x0] =	vst.add.f32.msk $0xffff, v0;
	s0 =	sadd.s32 s20, s0  }
0x126: {  	[hbm4b:s0+s6] =	stream.linear.scatter [tilespmem:s3], [sflag:$0x9], $0x3000, $0x38;
	[tilespmem:$0x1EC00] =	vst v63  }
0x127: {  	s0 =	smul.u32 $0x3000, s1;
	s1 =	simm.s32 @!p0 $0xC  }
0x128: {  	_ =	swait.ge @!p0 [sflag:s1], $0x3000  }
0x129: {  	[sflag:s1] =	ssyncset.done @!p0 $0x0  }
0x12a: {  	s0 =	sadd.s32 s2, s0;
	[sflag:s1] =	ssyncadd.s32 @!p0 $0xFFFFD000  }
0x12b: {  	s19 =	simm.s32 $0x0;
	s10 =	sshrl.u32 s0, $0x3;
	s3 =	rddreg [dreg:$0x0]  }
0x12c: {  	s4 =	sshrl.u32 s11, $0x3;
	s6 =	simm.s32 $0x1BC00;
	s0 =	sadd.s32 s3, s10  }
0x12d: {  	[tilespmem:s6], [sflag:$0x6] =	stream.linear.gather [hbm4b:s0+s19], $0x3000, $0x38;
	[tilespmem:$0x1EC00] =	vst v63  }
0x12e: {  	s0 =	smul.u32 $0x6000, s4  }
0x12f: {  	s5 =	sshll.u32 s11, $0x7  }
0x130: {  	s1 =	sand.u32 $0x380, s5;
	s0 =	sshra.s32 s0, $0x2  }
0x131: {  	s7 =	simm.s32 $0x4;
	s0 =	sor.u32 s1, s0  }
0x132: {  	_ =	swait.ge [sflag:s7], $0x3000;
	[dreg:$0x7] =	wrdreg s0  }
0x133: {  	s14 =	sand.u32 $0x60, s19;
	s1 =	sand.u32 $0x1C00, s19;
	s0 =	rddreg [dreg:$0x7]  }
0x134: {  	s2 =	sor.u32 $0x10, s14;
	[sflag:s7] =	ssyncset.done $0x0;
	s0 =	sadd.s32 s1, s0  }
0x135: {  	[sflag:s7] =	ssyncadd.s32 $0xFFFFD000;
	s8 =	sadd.s32 s2, s0  }
0x136: {  	v1 =	vld [tilespmem:s8+$0x0];
	_ =	sdelay $0x2  }
0x137: {  	s3 =	sadd.s32 $0x15C00, s1;
	s0 =	sadd.s32 s14, s0  }
0x138: {  	s9 =	sor.u32 s2, s3;
	v0 =	vld [tilespmem:s0+$0x0]  }
0x139: {  	s4 =	sor.u32 $0x80, s9;
	[tilespmem:s9+$0x0] =	vst.add.f32.msk $0xffff, v1  }
0x13a: {  	s11 =	sor.u32 $0x100, s9;
	[tilespmem:s4+$0x0] =	vst.add.f32.msk $0xffff, v1  }
0x13b: {  	s5 =	sand.u32 $0x3, s19;
	s15 =	sor.u32 $0x180, s9;
	[tilespmem:s11+$0x0] =	vst.add.f32.msk $0xffff, v1  }
0x13c: {  	s5 =	sshll.u32 s5, $0x5;
	s11 =	sor.u32 s14, s3;
	[tilespmem:s15+$0x0] =	vst.add.f32.msk $0xffff, v1  }
0x13d: {  	s5 =	sadd.s32 $0x0, s5;
	s16 =	sor.u32 $0x200, s9;
	[tilespmem:s11+$0x0] =	vst.add.f32.msk $0xffff, v0  }
0x13e: {  	s17 =	sadd.s32 $0x10, s5;
	s0 =	sor.u32 $0x280, s9;
	[tilespmem:s16+$0x0] =	vst.add.f32.msk $0xffff, v1  }
0x13f: {  	s18 =	sor.u32 $0x300, s17;
	[tilespmem:s0+$0x0] =	vst.add.f32.msk $0xffff, v1  }
0x140: {  	s21 =	sor.u32 $0x380, s17;
	s7 =	sadd.s32 $0x17400, s1;
	[tilespmem:s18+$0x15C00] =	vst.add.f32.msk $0xffff, v1  }
0x141: {  	s22 =	sor.u32 s2, s7;
	[tilespmem:s21+$0x15C00] =	vst.add.f32.msk $0xffff, v1  }
0x142: {  	s4 =	sadd.s32 $0x17480, s1;
	s21 =	sor.u32 $0x80, s11;
	[tilespmem:s22+$0x0] =	vst.add.f32.msk $0xffff, v1  }
0x143: {  	s24 =	sor.u32 s2, s4;
	[tilespmem:s21+$0x0] =	vst.add.f32.msk $0xffff, v0  }
0x144: {  	s8 =	sadd.s32 $0x17500, s1;
	s22 =	sor.u32 $0x100, s11;
	[tilespmem:s24+$0x0] =	vst.add.f32.msk $0xffff, v1  }
0x145: {  	s25 =	sor.u32 s2, s8;
	s15 =	sadd.s32 $0x17580, s1;
	[tilespmem:s22+$0x0] =	vst.add.f32.msk $0xffff, v0  }
0x146: {  	s16 =	sadd.s32 $0x17600, s1;
	s26 =	sor.u32 s2, s15;
	[tilespmem:s25+$0x0] =	vst.add.f32.msk $0xffff, v1  }
0x147: {  	s28 =	sor.u32 s2, s16;
	[tilespmem:s26+$0x0] =	vst.add.f32.msk $0xffff, v1  }
0x148: {  	s17 =	sadd.s32 $0x17680, s1;
	s26 =	sor.u32 $0x180, s11;
	[tilespmem:s28+$0x0] =	vst.add.f32.msk $0xffff, v1  }
0x149: {  	s30 =	sor.u32 s2, s17;
	s18 =	sadd.s32 $0x17700, s1;
	[tilespmem:s26+$0x0] =	vst.add.f32.msk $0xffff, v0  }
0x14a: {  	s24 =	sadd.s32 $0x17780, s1;
	s1 =	sor.u32 s2, s18;
	[tilespmem:s30+$0x0] =	vst.add.f32.msk $0xffff, v1  }
0x14b: {  	s5 =	sor.u32 $0x300, s5;
	s30 =	sor.u32 $0x200, s11;
	[tilespmem:s1+$0x0] =	vst.add.f32.msk $0xffff, v1  }
0x14c: {  	s0 =	sor.u32 s14, s8;
	s29 =	sor.u32 s14, s18;
	s9 =	sor.u32 s2, s24;
	[tilespmem:s30+$0x0] =	vst.add.f32.msk $0xffff, v0  }
0x14d: {  	s21 =	sor.u32 s14, s17;
	s17 =	simm.s32 $0x0;
	s1 =	sor.u32 $0x280, s11;
	[tilespmem:s9+$0x0] =	vst.add.f32.msk $0xffff, v1  }
0x14e: {  	s22 =	sor.u32 s14, s16;
	s25 =	sor.u32 s19, s19;
	s2 =	sor.u32 s14, s7;
	[tilespmem:s1+$0x0] =	vst.add.f32.msk $0xffff, v0  }
0x14f: {  	s7 =	sor.u32 s14, s15;
	s31 =	sor.u32 s14, s24;
	s28 =	sor.u32 $0x380, s25;
	[tilespmem:s5+$0x15C00] =	vst.add.f32.msk $0xffff, v0  }
0x150: {  	s24 =	simm.s32 $0x0;
	s11 =	simm.s32 $0x0;
	s1 =	sor.u32 s14, s4;
	[tilespmem:s28+$0x15C00] =	vst.add.f32.msk $0xffff, v0  }
.LBB2_9:
0x151: {  	[tilespmem:s2+$0x0] =	vst.add.f32.msk $0xffff, v0  }
0x152: {  	s19 =	sadd.s32 $0x100, s19;
	s17 =	sadd.s32 $0x20, s17;
	[tilespmem:s1+$0x0] =	vst.add.f32.msk $0xffff, v0  }
0x153: {  	s3 =	rddreg [dreg:$0x7];
	s16 =	sand.u32 $0x60, s17;
	s14 =	sand.u32 $0x1C00, s19;
	[tilespmem:s0+$0x0] =	vst.add.f32.msk $0xffff, v0  }
0x154: {  	s28 =	sadd.s32 s14, s3;
	s15 =	sor.u32 $0x10, s16;
	[tilespmem:s7+$0x0] =	vst.add.f32.msk $0xffff, v0  }
0x155: {  	s0 =	sadd.s32 s15, s28;
	[tilespmem:s22+$0x0] =	vst.add.f32.msk $0xffff, v0  }
0x156: {  	s30 =	sadd.s32 s16, s28;
	v1 =	vld [tilespmem:s0+$0x0]  }
0x157: {  	v2 =	vld [tilespmem:s30+$0x0]  }
0x158: {  	[tilespmem:s21+$0x0] =	vst.add.f32.msk $0xffff, v0  }
0x159: {  	s2 =	sadd.s32 $0x15C00, s14;
	[tilespmem:s29+$0x0] =	vst.add.f32.msk $0xffff, v0  }
0x15a: {  	s0 =	sor.u32 s15, s2;
	[tilespmem:s31+$0x0] =	vst.add.f32.msk $0xffff, v0  }
0x15b: {  	s3 =	sor.u32 $0x80, s0;
	[tilespmem:s0+$0x0] =	vst.add.f32.msk $0xffff, v1  }
0x15c: {  	s26 =	sor.u32 s19, s17;
	s5 =	sor.u32 $0x100, s0;
	[tilespmem:s3+$0x0] =	vst.add.f32.msk $0xffff, v1  }
0x15d: {  	s25 =	sor.u32 $0x380, s26;
	s26 =	sor.u32 s16, s2;
	v0 =	vmov v2;
	[tilespmem:s5+$0x0] =	vst.add.f32.msk $0xffff, v1  }
0x15e: {  	s7 =	sor.u32 $0x180, s0;
	[tilespmem:s26+$0x0] =	vst.add.f32.msk $0xffff, v0  }
0x15f: {  	s24 =	sadd.s32 $0x1, s24;
	s28 =	sor.u32 $0x80, s26;
	[tilespmem:s7+$0x0] =	vst.add.f32.msk $0xffff, v1  }
0x160: {  	s4 =	sand.u32 $0x3, s24;
	s9 =	sor.u32 $0x200, s0;
	[tilespmem:s28+$0x0] =	vst.add.f32.msk $0xffff, v0  }
0x161: {  	s2 =	sshll.u32 s4, $0x5;
	s30 =	sor.u32 $0x100, s26;
	[tilespmem:s9+$0x0] =	vst.add.f32.msk $0xffff, v1  }
0x162: {  	s2 =	sadd.s32 s2, s19;
	s0 =	sor.u32 $0x280, s0;
	[tilespmem:s30+$0x0] =	vst.add.f32.msk $0xffff, v0  }
0x163: {  	s8 =	sor.u32 $0x180, s26;
	s18 =	sadd.s32 $0x10, s2;
	[tilespmem:s0+$0x0] =	vst.add.f32.msk $0xffff, v1  }
0x164: {  	s21 =	sor.u32 $0x300, s18;
	[tilespmem:s8+$0x0] =	vst.add.f32.msk $0xffff, v0  }
0x165: {  	s3 =	sor.u32 $0x200, s26;
	[tilespmem:s21+$0x15C00] =	vst.add.f32.msk $0xffff, v1  }
0x166: {  	s9 =	sor.u32 $0x380, s18;
	[tilespmem:s3+$0x0] =	vst.add.f32.msk $0xffff, v0  }
0x167: {  	s22 =	sadd.s32 $0x17400, s14;
	s5 =	sor.u32 $0x280, s26;
	[tilespmem:s9+$0x15C00] =	vst.add.f32.msk $0xffff, v1  }
0x168: {  	s21 =	sor.u32 s15, s22;
	[tilespmem:s5+$0x0] =	vst.add.f32.msk $0xffff, v0  }
0x169: {  	s4 =	sor.u32 $0x300, s2;
	s18 =	sadd.s32 $0x17480, s14;
	[tilespmem:s21+$0x0] =	vst.add.f32.msk $0xffff, v1  }
0x16a: {  	s11 =	sadd.s32 $0x2, s11;
	s1 =	sor.u32 s16, s18;
	s18 =	sor.u32 s15, s18;
	[tilespmem:s4+$0x15C00] =	vst.add.f32.msk $0xffff, v0  }
0x16b: {  	p0 =	slt.u32 s11, $0x2E;
	s2 =	sor.u32 s16, s22;
	s22 =	sadd.s32 $0x17500, s14;
	[tilespmem:s18+$0x0] =	vst.add.f32.msk $0xffff, v1  }
0x16c: {  	s0 =	sor.u32 s16, s22;
	s9 =	sadd.s32 $0x17580, s14;
	s22 =	sor.u32 s15, s22;
	[tilespmem:s25+$0x15C00] =	vst.add.f32.msk $0xffff, v0  }
0x16d: {  	s29 =	sadd.s32 $0x17600, s14;
	s7 =	sor.u32 s16, s9;
	s9 =	sor.u32 s15, s9;
	[tilespmem:s22+$0x0] =	vst.add.f32.msk $0xffff, v1  }
.Ltmp3:
0x16e: {  	s31 =	sadd.s32 $0x17680, s14;
	s18 =	sor.u32 s15, s29;
	[tilespmem:s9+$0x0] =	vst.add.f32.msk $0xffff, v1;
	(pc) =	sbr.rel @p0 .LBB2_9-.Ltmp3, $4  }
0x16f: {  	s22 =	sor.u32 s16, s29;
	s9 =	sadd.s32 $0x17700, s14;
	[tilespmem:s18+$0x0] =	vst.add.f32.msk $0xffff, v1;
	s18 =	sor.u32 s15, s31  }
0x170: {  	s14 =	sadd.s32 $0x17780, s14;
	s29 =	sor.u32 s16, s9;
	s9 =	sor.u32 s15, s9;
	[tilespmem:s18+$0x0] =	vst.add.f32.msk $0xffff, v1  }
0x171: {  	s18 =	sor.u32 s15, s14;
	[tilespmem:s9+$0x0] =	vst.add.f32.msk $0xffff, v1  }
0x172: {  	s21 =	sor.u32 s16, s31;
	s31 =	sor.u32 s16, s14;
	[tilespmem:s18+$0x0] =	vst.add.f32.msk $0xffff, v1  }
0x173: {  	[tilespmem:s2+$0x0] =	vst.add.f32.msk $0xffff, v0  }
0x174: {  	[tilespmem:s1+$0x0] =	vst.add.f32.msk $0xffff, v0  }
0x175: {  	[tilespmem:s0+$0x0] =	vst.add.f32.msk $0xffff, v0  }
0x176: {  	[tilespmem:s7+$0x0] =	vst.add.f32.msk $0xffff, v0  }
0x177: {  	[tilespmem:s22+$0x0] =	vst.add.f32.msk $0xffff, v0  }
0x178: {  	[tilespmem:s21+$0x0] =	vst.add.f32.msk $0xffff, v0  }
0x179: {  	[tilespmem:s29+$0x0] =	vst.add.f32.msk $0xffff, v0  }
0x17a: {  	[tilespmem:s31+$0x0] =	vst.add.f32.msk $0xffff, v0  }
0x17b: {  	s30 =	simm.s32 $0x0;
	s0 =	rddreg [dreg:$0x1a]  }
0x17c: {  	s3 =	simm.s32 $0x15C00;
	s4 =	rddreg [dreg:$0x19];
	s0 =	sadd.s32 s20, s0  }
0x17d: {  	[hbm4b:s0+s30] =	stream.linear.scatter [tilespmem:s3], [sflag:$0xA], $0x3000, $0x38;
	[tilespmem:$0x1EC00] =	vst v63  }
0x17e: {  	p0 =	seq.s32 s4, $0x7;
	s0 =	rddreg [dreg:$0x13]  }
0x17f: {  	s1 =	simm.s32 @!p0 $0x7;
	s0 =	sadd.s32 @!p0 s23, s0  }
0x180: {  	_ =	swait.ge @!p0 [sflag:s1], $0x3000;
	s0 =	smul.u32 @!p0 $0x3000, s0  }
0x181: {  	[sflag:s1] =	ssyncset.done @!p0 $0x0;
	s2 =	rddreg [dreg:$0xc]  }
0x182: {  	[sflag:s1] =	ssyncadd.s32 @!p0 $0xFFFFD000;
	s0 =	sadd.s32 @!p0 s2, s0  }
0x183: {  	s5 =	sshrl.u32 s12, $0x3;
	s1 =	rddreg [dreg:$0x0];
	s0 =	sshrl.u32 @!p0 s0, $0x3  }
0x184: {  	s2 =	simm.s32 @!p0 $0xCC00;
	s0 =	sadd.s32 @!p0 s1, s0;
	s1 =	simm.s32 @!p0 $0x0  }
0x185: {  	[tilespmem:s2], [sflag:$0x1] =	stream.linear.gather @!p0 [hbm4b:s0+s1], $0x3000, $0x38;
	[tilespmem:$0x1EC00] =	vst v63  }
0x186: {  	s0 =	smul.u32 $0x6000, s5  }
0x187: {  	s7 =	sshll.u32 s12, $0x7  }
0x188: {  	s1 =	sand.u32 $0x300, s7;
	s0 =	sshra.s32 s0, $0x2  }
0x189: {  	s3 =	simm.s32 $0x5;
	s0 =	sor.u32 s1, s0  }
0x18a: {  	s11 =	simm.s32 $0x0;
	_ =	swait.ge [sflag:s3], $0x3000;
	[dreg:$0x8] =	wrdreg s0  }
0x18b: {  	s14 =	sand.u32 $0x60, s11;
	s1 =	sand.u32 $0x1C00, s11;
	s0 =	rddreg [dreg:$0x8]  }
0x18c: {  	s2 =	sor.u32 $0x10, s14;
	[sflag:s3] =	ssyncset.done $0x0;
	s0 =	sadd.s32 s1, s0  }
0x18d: {  	[sflag:s3] =	ssyncadd.s32 $0xFFFFD000;
	s8 =	sadd.s32 s2, s0  }
0x18e: {  	v1 =	vld [tilespmem:s8+$0x0];
	_ =	sdelay $0x2  }
0x18f: {  	s3 =	sadd.s32 $0x18C00, s1;
	s0 =	sadd.s32 s14, s0  }
0x190: {  	s9 =	sor.u32 s2, s3;
	v0 =	vld [tilespmem:s0+$0x0]  }
0x191: {  	s4 =	sor.u32 $0x80, s9;
	[tilespmem:s9+$0x0] =	vst.add.f32.msk $0xffff, v1  }
0x192: {  	s5 =	sand.u32 $0x3, s11;
	s12 =	sor.u32 $0x100, s9;
	[tilespmem:s4+$0x0] =	vst.add.f32.msk $0xffff, v1  }
0x193: {  	s5 =	sshll.u32 s5, $0x5;
	s15 =	sor.u32 $0x180, s9;
	[tilespmem:s12+$0x0] =	vst.add.f32.msk $0xffff, v1  }
0x194: {  	s5 =	sadd.s32 $0x0, s5;
	s16 =	sor.u32 $0x200, s9;
	[tilespmem:s15+$0x0] =	vst.add.f32.msk $0xffff, v1  }
0x195: {  	s17 =	sadd.s32 $0x10, s5;
	s0 =	sor.u32 $0x280, s9;
	[tilespmem:s16+$0x0] =	vst.add.f32.msk $0xffff, v1  }
0x196: {  	s18 =	sor.u32 $0x300, s17;
	[tilespmem:s0+$0x0] =	vst.add.f32.msk $0xffff, v1  }
0x197: {  	s7 =	sadd.s32 $0x1A400, s1;
	s19 =	sor.u32 $0x380, s17;
	[tilespmem:s18+$0x18C00] =	vst.add.f32.msk $0xffff, v1  }
0x198: {  	s31 =	smov.u32 s20;
	s20 =	sor.u32 s2, s7;
	[tilespmem:s19+$0x18C00] =	vst.add.f32.msk $0xffff, v1  }
0x199: {  	s4 =	sadd.s32 $0x1A480, s1;
	s19 =	sor.u32 s14, s3;
	[tilespmem:s20+$0x0] =	vst.add.f32.msk $0xffff, v1  }
0x19a: {  	s21 =	sor.u32 s2, s4;
	[tilespmem:s19+$0x0] =	vst.add.f32.msk $0xffff, v0  }
0x19b: {  	s8 =	sadd.s32 $0x1A500, s1;
	s20 =	sor.u32 $0x80, s19;
	[tilespmem:s21+$0x0] =	vst.add.f32.msk $0xffff, v1  }
0x19c: {  	s22 =	sor.u32 s2, s8;
	[tilespmem:s20+$0x0] =	vst.add.f32.msk $0xffff, v0  }
0x19d: {  	s9 =	sadd.s32 $0x1A580, s1;
	s21 =	sor.u32 $0x100, s19;
	[tilespmem:s22+$0x0] =	vst.add.f32.msk $0xffff, v1  }
0x19e: {  	s24 =	sor.u32 s2, s9;
	s15 =	sadd.s32 $0x1A600, s1;
	[tilespmem:s21+$0x0] =	vst.add.f32.msk $0xffff, v0  }
0x19f: {  	s25 =	sor.u32 s2, s15;
	[tilespmem:s24+$0x0] =	vst.add.f32.msk $0xffff, v1  }
0x1a0: {  	s16 =	sadd.s32 $0x1A680, s1;
	s24 =	sor.u32 $0x180, s19;
	[tilespmem:s25+$0x0] =	vst.add.f32.msk $0xffff, v1  }
0x1a1: {  	s17 =	sadd.s32 $0x1A700, s1;
	s26 =	sor.u32 s2, s16;
	[tilespmem:s24+$0x0] =	vst.add.f32.msk $0xffff, v0  }
0x1a2: {  	s18 =	sadd.s32 $0x1A780, s1;
	s1 =	sor.u32 s2, s17;
	[tilespmem:s26+$0x0] =	vst.add.f32.msk $0xffff, v1  }
0x1a3: {  	s5 =	sor.u32 $0x300, s5;
	s26 =	sor.u32 $0x200, s19;
	[tilespmem:s1+$0x0] =	vst.add.f32.msk $0xffff, v1  }
0x1a4: {  	s28 =	sor.u32 s14, s17;
	s0 =	sor.u32 s14, s8;
	s12 =	sor.u32 s2, s18;
	[tilespmem:s26+$0x0] =	vst.add.f32.msk $0xffff, v0  }
0x1a5: {  	s17 =	simm.s32 $0x0;
	s2 =	sor.u32 s14, s7;
	s1 =	sor.u32 $0x280, s19;
	[tilespmem:s12+$0x0] =	vst.add.f32.msk $0xffff, v1  }
0x1a6: {  	s7 =	sor.u32 s14, s9;
	s29 =	sor.u32 s14, s18;
	s22 =	sor.u32 s11, s11;
	[tilespmem:s1+$0x0] =	vst.add.f32.msk $0xffff, v0  }
0x1a7: {  	s21 =	sor.u32 s14, s16;
	s25 =	sor.u32 $0x380, s22;
	s22 =	sor.u32 s14, s15;
	[tilespmem:s5+$0x18C00] =	vst.add.f32.msk $0xffff, v0  }
0x1a8: {  	s19 =	simm.s32 $0x0;
	s12 =	simm.s32 $0x0;
	s1 =	sor.u32 s14, s4;
	[tilespmem:s25+$0x18C00] =	vst.add.f32.msk $0xffff, v0  }
.LBB2_11:
0x1a9: {  	[tilespmem:s2+$0x0] =	vst.add.f32.msk $0xffff, v0  }
0x1aa: {  	s11 =	sadd.s32 $0x100, s11;
	s17 =	sadd.s32 $0x20, s17;
	[tilespmem:s1+$0x0] =	vst.add.f32.msk $0xffff, v0  }
0x1ab: {  	s3 =	rddreg [dreg:$0x8];
	s16 =	sand.u32 $0x60, s17;
	s14 =	sand.u32 $0x1C00, s11;
	[tilespmem:s0+$0x0] =	vst.add.f32.msk $0xffff, v0  }
0x1ac: {  	s25 =	sadd.s32 s14, s3;
	s15 =	sor.u32 $0x10, s16;
	[tilespmem:s7+$0x0] =	vst.add.f32.msk $0xffff, v0  }
0x1ad: {  	s0 =	sadd.s32 s15, s25;
	[tilespmem:s22+$0x0] =	vst.add.f32.msk $0xffff, v0  }
0x1ae: {  	s26 =	sadd.s32 s16, s25;
	v1 =	vld [tilespmem:s0+$0x0]  }
0x1af: {  	v2 =	vld [tilespmem:s26+$0x0]  }
0x1b0: {  	[tilespmem:s21+$0x0] =	vst.add.f32.msk $0xffff, v0  }
0x1b1: {  	s2 =	sadd.s32 $0x18C00, s14;
	[tilespmem:s28+$0x0] =	vst.add.f32.msk $0xffff, v0  }
0x1b2: {  	s0 =	sor.u32 s15, s2;
	[tilespmem:s29+$0x0] =	vst.add.f32.msk $0xffff, v0  }
0x1b3: {  	s3 =	sor.u32 $0x80, s0;
	[tilespmem:s0+$0x0] =	vst.add.f32.msk $0xffff, v1  }
0x1b4: {  	s24 =	sor.u32 s11, s17;
	s5 =	sor.u32 $0x100, s0;
	[tilespmem:s3+$0x0] =	vst.add.f32.msk $0xffff, v1  }
0x1b5: {  	s20 =	sor.u32 $0x380, s24;
	s24 =	sor.u32 s16, s2;
	v0 =	vmov v2;
	[tilespmem:s5+$0x0] =	vst.add.f32.msk $0xffff, v1  }
0x1b6: {  	s7 =	sor.u32 $0x180, s0;
	[tilespmem:s24+$0x0] =	vst.add.f32.msk $0xffff, v0  }
0x1b7: {  	s19 =	sadd.s32 $0x1, s19;
	s25 =	sor.u32 $0x80, s24;
	[tilespmem:s7+$0x0] =	vst.add.f32.msk $0xffff, v1  }
0x1b8: {  	s4 =	sand.u32 $0x3, s19;
	s9 =	sor.u32 $0x200, s0;
	[tilespmem:s25+$0x0] =	vst.add.f32.msk $0xffff, v0  }
0x1b9: {  	s2 =	sshll.u32 s4, $0x5;
	s26 =	sor.u32 $0x100, s24;
	[tilespmem:s9+$0x0] =	vst.add.f32.msk $0xffff, v1  }
0x1ba: {  	s2 =	sadd.s32 s2, s11;
	s0 =	sor.u32 $0x280, s0;
	[tilespmem:s26+$0x0] =	vst.add.f32.msk $0xffff, v0  }
0x1bb: {  	s8 =	sor.u32 $0x180, s24;
	s18 =	sadd.s32 $0x10, s2;
	[tilespmem:s0+$0x0] =	vst.add.f32.msk $0xffff, v1  }
0x1bc: {  	s21 =	sor.u32 $0x300, s18;
	[tilespmem:s8+$0x0] =	vst.add.f32.msk $0xffff, v0  }
0x1bd: {  	s3 =	sor.u32 $0x200, s24;
	[tilespmem:s21+$0x18C00] =	vst.add.f32.msk $0xffff, v1  }
0x1be: {  	s1 =	sor.u32 $0x380, s18;
	[tilespmem:s3+$0x0] =	vst.add.f32.msk $0xffff, v0  }
0x1bf: {  	s22 =	sadd.s32 $0x1A400, s14;
	s5 =	sor.u32 $0x280, s24;
	[tilespmem:s1+$0x18C00] =	vst.add.f32.msk $0xffff, v1  }
0x1c0: {  	s18 =	sor.u32 s15, s22;
	[tilespmem:s5+$0x0] =	vst.add.f32.msk $0xffff, v0  }
0x1c1: {  	s12 =	sadd.s32 $0x2, s12;
	s4 =	sor.u32 $0x300, s2;
	s9 =	sadd.s32 $0x1A480, s14;
	[tilespmem:s18+$0x0] =	vst.add.f32.msk $0xffff, v1  }
0x1c2: {  	p1 =	slt.u32 s12, $0x2E;
	s1 =	sor.u32 s16, s9;
	s9 =	sor.u32 s15, s9;
	[tilespmem:s4+$0x18C00] =	vst.add.f32.msk $0xffff, v0  }
0x1c3: {  	s2 =	sor.u32 s16, s22;
	s29 =	sadd.s32 $0x1A700, s14;
	s21 =	sadd.s32 $0x1A500, s14;
	[tilespmem:s9+$0x0] =	vst.add.f32.msk $0xffff, v1  }
0x1c4: {  	s0 =	sor.u32 s16, s21;
	s22 =	sor.u32 s15, s21;
	s18 =	sadd.s32 $0x1A580, s14;
	[tilespmem:s20+$0x18C00] =	vst.add.f32.msk $0xffff, v0  }
0x1c5: {  	s21 =	sadd.s32 $0x1A600, s14;
	s7 =	sor.u32 s16, s18;
	s9 =	sor.u32 s15, s18;
	[tilespmem:s22+$0x0] =	vst.add.f32.msk $0xffff, v1  }
.Ltmp4:
0x1c6: {  	s18 =	sadd.s32 $0x1A680, s14;
	[tilespmem:s9+$0x0] =	vst.add.f32.msk $0xffff, v1;
	s9 =	sor.u32 s15, s21;
	(pc) =	sbr.rel @p1 .LBB2_11-.Ltmp4, $4  }
0x1c7: {  	s22 =	sor.u32 s16, s21;
	s21 =	sor.u32 s16, s18;
	s18 =	sor.u32 s15, s18;
	[tilespmem:s9+$0x0] =	vst.add.f32.msk $0xffff, v1  }
0x1c8: {  	s14 =	sadd.s32 $0x1A780, s14;
	[tilespmem:s18+$0x0] =	vst.add.f32.msk $0xffff, v1;
	s18 =	sor.u32 s15, s29  }
0x1c9: {  	[tilespmem:s18+$0x0] =	vst.add.f32.msk $0xffff, v1;
	s18 =	sor.u32 s15, s14  }
0x1ca: {  	s28 =	sor.u32 s16, s29;
	s29 =	sor.u32 s16, s14;
	[tilespmem:s18+$0x0] =	vst.add.f32.msk $0xffff, v1  }
0x1cb: {  	[tilespmem:s2+$0x0] =	vst.add.f32.msk $0xffff, v0  }
0x1cc: {  	[tilespmem:s1+$0x0] =	vst.add.f32.msk $0xffff, v0  }
0x1cd: {  	[tilespmem:s0+$0x0] =	vst.add.f32.msk $0xffff, v0  }
0x1ce: {  	[tilespmem:s7+$0x0] =	vst.add.f32.msk $0xffff, v0  }
0x1cf: {  	[tilespmem:s22+$0x0] =	vst.add.f32.msk $0xffff, v0  }
0x1d0: {  	[tilespmem:s21+$0x0] =	vst.add.f32.msk $0xffff, v0  }
0x1d1: {  	[tilespmem:s28+$0x0] =	vst.add.f32.msk $0xffff, v0  }
0x1d2: {  	[tilespmem:s29+$0x0] =	vst.add.f32.msk $0xffff, v0  }
0x1d3: {  	s0 =	rddreg [dreg:$0x1b]  }
0x1d4: {  	s16 =	simm.s32 $0x18C00;
	s0 =	sadd.s32 s31, s0  }
0x1d5: {  	[hbm4b:s0+s30] =	stream.linear.scatter [tilespmem:s16], [sflag:$0xB], $0x3000, $0x38;
	[tilespmem:$0x1EC00] =	vst v63  }
0x1d6: {  	s0 =	rddreg [dreg:$0x14]  }
0x1d7: {  	s1 =	simm.s32 @!p0 $0x8;
	s0 =	sadd.s32 @!p0 s23, s0  }
0x1d8: {  	_ =	swait.ge @!p0 [sflag:s1], $0x3000;
	s0 =	smul.u32 @!p0 $0x3000, s0  }
0x1d9: {  	[sflag:s1] =	ssyncset.done @!p0 $0x0;
	s2 =	rddreg [dreg:$0xc]  }
0x1da: {  	[sflag:s1] =	ssyncadd.s32 @!p0 $0xFFFFD000;
	s0 =	sadd.s32 @!p0 s2, s0  }
0x1db: {  	s17 =	sshrl.u32 s13, $0x3;
	s1 =	rddreg [dreg:$0x0];
	s0 =	sshrl.u32 @!p0 s0, $0x3  }
0x1dc: {  	s2 =	simm.s32 @!p0 $0xFC00;
	s0 =	sadd.s32 @!p0 s1, s0;
	s1 =	simm.s32 @!p0 $0x0  }
0x1dd: {  	[tilespmem:s2], [sflag:$0x2] =	stream.linear.gather @!p0 [hbm4b:s0+s1], $0x3000, $0x38;
	[tilespmem:$0x1EC00] =	vst v63  }
0x1de: {  	s0 =	smul.u32 $0x6000, s17  }
0x1df: {  	s18 =	sshll.u32 s13, $0x7  }
0x1e0: {  	s1 =	sand.u32 $0x380, s18;
	s0 =	sshra.s32 s0, $0x2  }
0x1e1: {  	s3 =	simm.s32 $0x6;
	s0 =	sor.u32 s1, s0  }
0x1e2: {  	s9 =	simm.s32 $0x0;
	_ =	swait.ge [sflag:s3], $0x3000;
	[dreg:$0x9] =	wrdreg s0  }
0x1e3: {  	s12 =	sand.u32 $0x60, s9;
	s19 =	sand.u32 $0x1C00, s9;
	s0 =	rddreg [dreg:$0x9]  }
0x1e4: {  	s20 =	sor.u32 $0x10, s12;
	[sflag:s3] =	ssyncset.done $0x0;
	s0 =	sadd.s32 s19, s0  }
0x1e5: {  	[sflag:s3] =	ssyncadd.s32 $0xFFFFD000;
	s21 =	sadd.s32 s20, s0  }
0x1e6: {  	s0 =	sadd.s32 s12, s0;
	v1 =	vld [tilespmem:s21+$0x0]  }
0x1e7: {  	v0 =	vld [tilespmem:s0+$0x0];
	_ =	sdelay $0x1  }
0x1e8: {  	s22 =	sadd.s32 $0x1BC00, s19  }
0x1e9: {  	s24 =	sor.u32 s20, s22  }
0x1ea: {  	s21 =	sor.u32 s12, s22;
	[tilespmem:s24+$0x0] =	vst.add.f32.msk $0xffff, v1  }
0x1eb: {  	s4 =	sor.u32 $0x80, s24;
	[tilespmem:s21+$0x0] =	vst.add.f32.msk $0xffff, v0  }
0x1ec: {  	s22 =	sor.u32 $0x80, s21;
	[tilespmem:s4+$0x0] =	vst.add.f32.msk $0xffff, v1  }
0x1ed: {  	s25 =	sor.u32 $0x100, s24;
	s26 =	sor.u32 $0x180, s24;
	[tilespmem:s22+$0x0] =	vst.add.f32.msk $0xffff, v0  }
0x1ee: {  	s28 =	sor.u32 $0x200, s24;
	s0 =	sor.u32 $0x280, s24;
	s24 =	sor.u32 $0x100, s21;
	[tilespmem:s25+$0x0] =	vst.add.f32.msk $0xffff, v1  }
0x1ef: {  	s5 =	sand.u32 $0x3, s9;
	[tilespmem:s24+$0x0] =	vst.add.f32.msk $0xffff, v0  }
0x1f0: {  	s5 =	sshll.u32 s5, $0x5;
	[tilespmem:s26+$0x0] =	vst.add.f32.msk $0xffff, v1  }
0x1f1: {  	s5 =	sadd.s32 $0x0, s5;
	s26 =	sor.u32 $0x180, s21;
	[tilespmem:s28+$0x0] =	vst.add.f32.msk $0xffff, v1  }
0x1f2: {  	s29 =	sadd.s32 $0x10, s5;
	[tilespmem:s26+$0x0] =	vst.add.f32.msk $0xffff, v0  }
0x1f3: {  	s8 =	sor.u32 $0x300, s29;
	s11 =	sor.u32 $0x380, s29;
	s29 =	sor.u32 $0x200, s21;
	[tilespmem:s0+$0x0] =	vst.add.f32.msk $0xffff, v1  }
0x1f4: {  	[tilespmem:s29+$0x0] =	vst.add.f32.msk $0xffff, v0  }
0x1f5: {  	s1 =	sor.u32 $0x280, s21;
	[tilespmem:s8+$0x1BC00] =	vst.add.f32.msk $0xffff, v1  }
0x1f6: {  	[tilespmem:s1+$0x0] =	vst.add.f32.msk $0xffff, v0  }
0x1f7: {  	s7 =	sadd.s32 $0x1D400, s19;
	s5 =	sor.u32 $0x300, s5;
	[tilespmem:s11+$0x1BC00] =	vst.add.f32.msk $0xffff, v1  }
0x1f8: {  	s13 =	sor.u32 s20, s7;
	s25 =	sor.u32 s9, s9;
	[tilespmem:s5+$0x1BC00] =	vst.add.f32.msk $0xffff, v0  }
0x1f9: {  	s4 =	sadd.s32 $0x1D480, s19;
	s28 =	sor.u32 $0x380, s25;
	[tilespmem:s13+$0x0] =	vst.add.f32.msk $0xffff, v1  }
0x1fa: {  	s2 =	sor.u32 s12, s7;
	s14 =	sor.u32 s20, s4;
	s8 =	sadd.s32 $0x1D500, s19;
	[tilespmem:s28+$0x1BC00] =	vst.add.f32.msk $0xffff, v0  }
0x1fb: {  	s1 =	sor.u32 s12, s4;
	s15 =	sor.u32 s20, s8;
	s13 =	sadd.s32 $0x1D580, s19;
	[tilespmem:s14+$0x0] =	vst.add.f32.msk $0xffff, v1  }
0x1fc: {  	s11 =	simm.s32 $0x0;
	s14 =	sadd.s32 $0x1D600, s19;
	s16 =	sor.u32 s20, s13;
	[tilespmem:s15+$0x0] =	vst.add.f32.msk $0xffff, v1  }
0x1fd: {  	s0 =	sor.u32 s12, s8;
	s15 =	sadd.s32 $0x1D680, s19;
	s17 =	sor.u32 s20, s14;
	[tilespmem:s16+$0x0] =	vst.add.f32.msk $0xffff, v1  }
0x1fe: {  	s7 =	sor.u32 s12, s13;
	s16 =	sadd.s32 $0x1D700, s19;
	s18 =	sor.u32 s20, s15;
	[tilespmem:s17+$0x0] =	vst.add.f32.msk $0xffff, v1  }
0x1ff: {  	s13 =	simm.s32 $0x0;
	s17 =	sadd.s32 $0x1D780, s19;
	s19 =	sor.u32 s20, s16;
	[tilespmem:s18+$0x0] =	vst.add.f32.msk $0xffff, v1  }
0x200: {  	s22 =	sor.u32 s12, s14;
	s21 =	sor.u32 s12, s15;
	s20 =	sor.u32 s20, s17;
	[tilespmem:s19+$0x0] =	vst.add.f32.msk $0xffff, v1  }
0x201: {  	s25 =	sor.u32 s12, s16;
	s26 =	sor.u32 s12, s17;
	s12 =	simm.s32 $0x0;
	[tilespmem:s20+$0x0] =	vst.add.f32.msk $0xffff, v1  }
.LBB2_13:
0x202: {  	[tilespmem:s2+$0x0] =	vst.add.f32.msk $0xffff, v0  }
0x203: {  	s9 =	sadd.s32 $0x100, s9;
	s12 =	sadd.s32 $0x20, s12;
	[tilespmem:s1+$0x0] =	vst.add.f32.msk $0xffff, v0  }
0x204: {  	s3 =	rddreg [dreg:$0x9];
	s16 =	sand.u32 $0x60, s12;
	s14 =	sand.u32 $0x1C00, s9;
	[tilespmem:s0+$0x0] =	vst.add.f32.msk $0xffff, v0  }
0x205: {  	s4 =	sadd.s32 s14, s3;
	s15 =	sor.u32 $0x10, s16;
	[tilespmem:s7+$0x0] =	vst.add.f32.msk $0xffff, v0  }
0x206: {  	s0 =	sadd.s32 s15, s4;
	[tilespmem:s22+$0x0] =	vst.add.f32.msk $0xffff, v0  }
0x207: {  	s5 =	sadd.s32 s16, s4;
	v1 =	vld [tilespmem:s0+$0x0]  }
0x208: {  	v2 =	vld [tilespmem:s5+$0x0]  }
0x209: {  	[tilespmem:s21+$0x0] =	vst.add.f32.msk $0xffff, v0  }
0x20a: {  	s7 =	sadd.s32 $0x1BC00, s14;
	[tilespmem:s25+$0x0] =	vst.add.f32.msk $0xffff, v0  }
0x20b: {  	s0 =	sor.u32 s15, s7;
	[tilespmem:s26+$0x0] =	vst.add.f32.msk $0xffff, v0  }
0x20c: {  	s8 =	sor.u32 $0x80, s0;
	[tilespmem:s0+$0x0] =	vst.add.f32.msk $0xffff, v1  }
0x20d: {  	s21 =	sor.u32 $0x100, s0;
	[tilespmem:s8+$0x0] =	vst.add.f32.msk $0xffff, v1  }
0x20e: {  	s19 =	sor.u32 s16, s7;
	v0 =	vmov v2;
	[tilespmem:s21+$0x0] =	vst.add.f32.msk $0xffff, v1  }
0x20f: {  	s22 =	sor.u32 $0x180, s0;
	[tilespmem:s19+$0x0] =	vst.add.f32.msk $0xffff, v0  }
0x210: {  	s13 =	sadd.s32 $0x1, s13;
	s20 =	sor.u32 $0x80, s19;
	[tilespmem:s22+$0x0] =	vst.add.f32.msk $0xffff, v1  }
0x211: {  	s2 =	sor.u32 s9, s12;
	s18 =	sand.u32 $0x3, s13;
	s25 =	sor.u32 $0x200, s0;
	[tilespmem:s20+$0x0] =	vst.add.f32.msk $0xffff, v0  }
0x212: {  	s17 =	sor.u32 $0x380, s2;
	s2 =	sshll.u32 s18, $0x5;
	s24 =	sor.u32 $0x100, s19;
	[tilespmem:s25+$0x0] =	vst.add.f32.msk $0xffff, v1  }
0x213: {  	s2 =	sadd.s32 s2, s9;
	s0 =	sor.u32 $0x280, s0;
	[tilespmem:s24+$0x0] =	vst.add.f32.msk $0xffff, v0  }
0x214: {  	s26 =	sadd.s32 $0x10, s2;
	s8 =	sor.u32 $0x180, s19;
	[tilespmem:s0+$0x0] =	vst.add.f32.msk $0xffff, v1  }
0x215: {  	s28 =	sor.u32 $0x300, s26;
	[tilespmem:s8+$0x0] =	vst.add.f32.msk $0xffff, v0  }
0x216: {  	s3 =	sor.u32 $0x200, s19;
	[tilespmem:s28+$0x1BC00] =	vst.add.f32.msk $0xffff, v1  }
0x217: {  	s1 =	sor.u32 $0x380, s26;
	[tilespmem:s3+$0x0] =	vst.add.f32.msk $0xffff, v0  }
0x218: {  	s29 =	sadd.s32 $0x1D400, s14;
	s5 =	sor.u32 $0x280, s19;
	[tilespmem:s1+$0x1BC00] =	vst.add.f32.msk $0xffff, v1  }
0x219: {  	s7 =	sor.u32 s15, s29;
	[tilespmem:s5+$0x0] =	vst.add.f32.msk $0xffff, v0  }
0x21a: {  	s18 =	sadd.s32 $0x1D480, s14;
	s4 =	sor.u32 $0x300, s2;
	[tilespmem:s7+$0x0] =	vst.add.f32.msk $0xffff, v1  }
0x21b: {  	s11 =	sadd.s32 $0x2, s11;
	s1 =	sor.u32 s16, s18;
	s18 =	sor.u32 s15, s18;
	[tilespmem:s4+$0x1BC00] =	vst.add.f32.msk $0xffff, v0  }
0x21c: {  	p1 =	slt.u32 s11, $0x2E;
	s2 =	sor.u32 s16, s29;
	s21 =	sadd.s32 $0x1D500, s14;
	[tilespmem:s18+$0x0] =	vst.add.f32.msk $0xffff, v1  }
0x21d: {  	s29 =	sadd.s32 $0x1D680, s14;
	s22 =	sadd.s32 $0x1D580, s14;
	s25 =	sor.u32 s15, s21;
	[tilespmem:s17+$0x1BC00] =	vst.add.f32.msk $0xffff, v0  }
0x21e: {  	s26 =	sadd.s32 $0x1D600, s14;
	s0 =	sor.u32 s16, s21;
	s28 =	sor.u32 s15, s22;
	[tilespmem:s25+$0x0] =	vst.add.f32.msk $0xffff, v1  }
.Ltmp5:
0x21f: {  	s7 =	sor.u32 s16, s22;
	s25 =	sor.u32 s15, s26;
	[tilespmem:s28+$0x0] =	vst.add.f32.msk $0xffff, v1;
	(pc) =	sbr.rel @p1 .LBB2_13-.Ltmp5, $4  }
0x220: {  	s22 =	sor.u32 s16, s26;
	s26 =	sor.u32 s15, s29;
	s28 =	sadd.s32 $0x1D700, s14;
	[tilespmem:s25+$0x0] =	vst.add.f32.msk $0xffff, v1  }
0x221: {  	s21 =	sor.u32 s16, s29;
	s14 =	sadd.s32 $0x1D780, s14;
	s29 =	sor.u32 s15, s28;
	[tilespmem:s26+$0x0] =	vst.add.f32.msk $0xffff, v1  }
0x222: {  	s26 =	sor.u32 s16, s14;
	s14 =	sor.u32 s15, s14;
	[tilespmem:s29+$0x0] =	vst.add.f32.msk $0xffff, v1  }
0x223: {  	s25 =	sor.u32 s16, s28;
	[tilespmem:s14+$0x0] =	vst.add.f32.msk $0xffff, v1  }
0x224: {  	[tilespmem:s2+$0x0] =	vst.add.f32.msk $0xffff, v0  }
0x225: {  	[tilespmem:s1+$0x0] =	vst.add.f32.msk $0xffff, v0  }
0x226: {  	[tilespmem:s0+$0x0] =	vst.add.f32.msk $0xffff, v0  }
0x227: {  	[tilespmem:s7+$0x0] =	vst.add.f32.msk $0xffff, v0  }
.Ltmp6:
0x228: {  	[tilespmem:s22+$0x0] =	vst.add.f32.msk $0xffff, v0;
	(pc) =	sbr.rel @p0 .LBB2_16-.Ltmp6, $4  }
0x229: {  	[tilespmem:s21+$0x0] =	vst.add.f32.msk $0xffff, v0  }
0x22a: {  	[tilespmem:s25+$0x0] =	vst.add.f32.msk $0xffff, v0  }
0x22b: {  	s29 =	sadd.s32 s31, s10;
	[tilespmem:s26+$0x0] =	vst.add.f32.msk $0xffff, v0  }
0x22c: {  	[hbm4b:s29+s30] =	stream.linear.scatter [tilespmem:s6], [sflag:$0xC], $0x3000, $0x38;
	[tilespmem:$0x1EC00] =	vst v63  }
0x22d: {  	s0 =	rddreg [dreg:$0x15]  }
0x22e: {  	s2 =	simm.s32 $0x9;
	s0 =	sadd.s32 s23, s0  }
0x22f: {  	_ =	swait.ge [sflag:s2], $0x3000;
	s0 =	smul.u32 $0x3000, s0  }
.Ltmp7:
0x230: {  	s1 =	rddreg [dreg:$0xc];
	[sflag:s2] =	ssyncset.done $0x0;
	(pc) =	sbr.rel .LBB2_2-.Ltmp7, $4  }
0x231: {  	s18 =	rddreg [dreg:$0x19];
	[sflag:s2] =	ssyncadd.s32 $0xFFFFD000;
	s0 =	sadd.s32 s1, s0  }
0x232: {  	s6 =	simm.s32 $0x0;
	s28 =	rddreg [dreg:$0x0];
	s0 =	sshrl.u32 s0, $0x3  }
0x233: {  	s29 =	simm.s32 $0x12C00;
	s18 =	sadd.s32 $0x1, s18;
	s0 =	sadd.s32 s28, s0  }
0x234: {  	[tilespmem:s29], [sflag:$0x3] =	stream.linear.gather [hbm4b:s0+s30], $0x3000, $0x38;
	[tilespmem:$0x1EC00] =	vst v63  }
.LBB2_16:
0x235: {  	s0 =	simm.s32 $0x7  }
0x236: {  	_ =	swait.ge [sflag:s0], $0x3000  }
0x237: {  	[sflag:s0] =	ssyncset.done $0x0  }
0x238: {  	s29 =	simm.s32 $0x8;
	[sflag:s0] =	ssyncadd.s32 $0xFFFFD000  }
0x239: {  	_ =	swait.ge [sflag:s29], $0x3000  }
0x23a: {  	[sflag:s29] =	ssyncset.done $0x0  }
0x23b: {  	s1 =	simm.s32 $0x9;
	[sflag:s29] =	ssyncadd.s32 $0xFFFFD000  }
0x23c: {  	_ =	swait.ge [sflag:s1], $0x3000  }
0x23d: {  	[sflag:s1] =	ssyncset.done $0x0  }
0x23e: {  	s2 =	simm.s32 $0xA;
	[sflag:s1] =	ssyncadd.s32 $0xFFFFD000  }
0x23f: {  	_ =	swait.ge [sflag:s2], $0x3000  }
0x240: {  	[sflag:s2] =	ssyncset.done $0x0  }
0x241: {  	s3 =	simm.s32 $0xB;
	[sflag:s2] =	ssyncadd.s32 $0xFFFFD000  }
0x242: {  	_ =	swait.ge [sflag:s3], $0x3000  }
0x243: {  	[sflag:s3] =	ssyncset.done $0x0  }
0x244: {  	s4 =	simm.s32 $0xC;
	[sflag:s3] =	ssyncadd.s32 $0xFFFFD000  }
0x245: {  	_ =	swait.ge [sflag:s4], $0x3000  }
0x246: {  	[sflag:s4] =	ssyncset.done $0x0  }
0x247: {  	s5 =	simm.s32 $0xD;
	[sflag:s4] =	ssyncadd.s32 $0xFFFFD000  }
0x248: {  	_ =	swait.ge [sflag:s5], $0x3000  }
0x249: {  	[sflag:s5] =	ssyncset.done $0x0  }
0x24a: {  	s2 =	simm.s32 $0xE;
	[sflag:s5] =	ssyncadd.s32 $0xFFFFD000  }
0x24b: {  	s9 =	simm.s32 $0x0;
	s1 =	simm.s32 $0x0;
	_ =	swait.ge [sflag:s2], $0xC00  }
0x24c: {  	s10 =	sand.u32 $0x60, s9;
	s1 =	sand.u32 $0x3FFFFE00, s1;
	s6 =	rddreg [dreg:$0xa]  }
0x24d: {  	s7 =	sor.u32 $0x10, s10;
	[sflag:s2] =	ssyncset.done $0x0;
	s0 =	sadd.s32 s1, s6  }
0x24e: {  	[sflag:s2] =	ssyncadd.s32 $0xFFFFF400;
	s21 =	sadd.s32 s7, s0  }
0x24f: {  	s22 =	simm.s32 $0x0;
	v1 =	vld [tilespmem:s21+$0x0]  }
0x250: {  	s2 =	sand.u32 $0x3FFFFC00, s22;
	s0 =	sadd.s32 s10, s0  }
0x251: {  	s3 =	sadd.s32 $0x9000, s2;
	v0 =	vld [tilespmem:s0+$0x0]  }
0x252: {  	s23 =	sor.u32 s7, s3  }
0x253: {  	s4 =	sor.u32 $0x80, s23;
	s24 =	sor.u32 $0x100, s23  }
0x254: {  	s25 =	sor.u32 $0x180, s23;
	s26 =	sor.u32 $0x200, s23;
	s28 =	sor.u32 $0x280, s23;
	[tilespmem:s23+$0x0] =	vst.add.f32.msk $0xffff, v1  }
0x255: {  	s29 =	sor.u32 $0x300, s23;
	s0 =	sor.u32 $0x380, s23;
	s23 =	sor.u32 s10, s3;
	[tilespmem:s4+$0x0] =	vst.add.f32.msk $0xffff, v1  }
0x256: {  	[tilespmem:s23+$0x0] =	vst.add.f32.msk $0xffff, v0  }
0x257: {  	[tilespmem:s24+$0x0] =	vst.add.f32.msk $0xffff, v1  }
0x258: {  	s24 =	sor.u32 $0x80, s23;
	[tilespmem:s25+$0x0] =	vst.add.f32.msk $0xffff, v1  }
0x259: {  	[tilespmem:s24+$0x0] =	vst.add.f32.msk $0xffff, v0  }
0x25a: {  	s3 =	sor.u32 $0x100, s23;
	[tilespmem:s26+$0x0] =	vst.add.f32.msk $0xffff, v1  }
0x25b: {  	[tilespmem:s3+$0x0] =	vst.add.f32.msk $0xffff, v0  }
0x25c: {  	s25 =	sor.u32 $0x180, s23;
	[tilespmem:s28+$0x0] =	vst.add.f32.msk $0xffff, v1  }
0x25d: {  	[tilespmem:s25+$0x0] =	vst.add.f32.msk $0xffff, v0  }
0x25e: {  	s26 =	sor.u32 $0x200, s23;
	[tilespmem:s29+$0x0] =	vst.add.f32.msk $0xffff, v1  }
0x25f: {  	[tilespmem:s26+$0x0] =	vst.add.f32.msk $0xffff, v0  }
0x260: {  	s5 =	sadd.s32 $0xA800, s2;
	s28 =	sor.u32 $0x280, s23;
	[tilespmem:s0+$0x0] =	vst.add.f32.msk $0xffff, v1  }
0x261: {  	s15 =	sor.u32 s7, s5;
	[tilespmem:s28+$0x0] =	vst.add.f32.msk $0xffff, v0  }
0x262: {  	s6 =	sadd.s32 $0xA880, s2;
	s29 =	sor.u32 $0x300, s23;
	[tilespmem:s15+$0x0] =	vst.add.f32.msk $0xffff, v1  }
0x263: {  	s16 =	sor.u32 s7, s6;
	[tilespmem:s29+$0x0] =	vst.add.f32.msk $0xffff, v0  }
0x264: {  	s8 =	sadd.s32 $0xA900, s2;
	s15 =	sor.u32 $0x380, s23;
	[tilespmem:s16+$0x0] =	vst.add.f32.msk $0xffff, v1  }
0x265: {  	s11 =	sadd.s32 $0xA980, s2;
	s17 =	sor.u32 s7, s8;
	[tilespmem:s15+$0x0] =	vst.add.f32.msk $0xffff, v0  }
0x266: {  	s12 =	sadd.s32 $0xAA00, s2;
	s13 =	sadd.s32 $0xAA80, s2;
	s18 =	sor.u32 s7, s11;
	[tilespmem:s17+$0x0] =	vst.add.f32.msk $0xffff, v1  }
0x267: {  	s14 =	sadd.s32 $0xAB00, s2;
	s2 =	sadd.s32 $0xAB80, s2;
	s19 =	sor.u32 s7, s12;
	[tilespmem:s18+$0x0] =	vst.add.f32.msk $0xffff, v1  }
0x268: {  	s20 =	sor.u32 s7, s13;
	s21 =	sor.u32 s7, s14;
	s22 =	sor.u32 s7, s2;
	[tilespmem:s19+$0x0] =	vst.add.f32.msk $0xffff, v1  }
0x269: {  	s7 =	sor.u32 s10, s5;
	s1 =	sor.u32 s10, s11;
	s0 =	sor.u32 s10, s6;
	[tilespmem:s20+$0x0] =	vst.add.f32.msk $0xffff, v1  }
0x26a: {  	s23 =	sor.u32 s10, s2;
	s16 =	sor.u32 s10, s8;
	s17 =	sor.u32 s10, s13;
	[tilespmem:s21+$0x0] =	vst.add.f32.msk $0xffff, v1  }
0x26b: {  	s20 =	sor.u32 s10, s14;
	[tilespmem:s22+$0x0] =	vst.add.f32.msk $0xffff, v1;
	s22 =	sor.u32 s10, s12;
	s10 =	simm.s32 $0x0  }
.LBB2_17:
0x26c: {  	s10 =	sadd.s32 $0x2, s10;
	[tilespmem:s7+$0x0] =	vst.add.f32.msk $0xffff, v0  }
0x26d: {  	s9 =	sadd.s32 $0x20, s9;
	s3 =	sshll.u32 s10, $0x6;
	[tilespmem:s0+$0x0] =	vst.add.f32.msk $0xffff, v0  }
0x26e: {  	s2 =	rddreg [dreg:$0xa];
	s11 =	sand.u32 $0x60, s9;
	s15 =	sand.u32 $0x3FFFFE00, s3;
	[tilespmem:s16+$0x0] =	vst.add.f32.msk $0xffff, v0  }
0x26f: {  	s12 =	sor.u32 $0x10, s11;
	s0 =	sadd.s32 s15, s2;
	[tilespmem:s1+$0x0] =	vst.add.f32.msk $0xffff, v0  }
0x270: {  	s18 =	sadd.s32 s11, s0;
	s0 =	sadd.s32 s12, s0;
	[tilespmem:s22+$0x0] =	vst.add.f32.msk $0xffff, v0  }
0x271: {  	v1 =	vld [tilespmem:s0+$0x0]  }
0x272: {  	s19 =	sshll.u32 s10, $0x7;
	v2 =	vld [tilespmem:s18+$0x0]  }
0x273: {  	s8 =	sand.u32 $0x3FFFFC00, s19;
	[tilespmem:s17+$0x0] =	vst.add.f32.msk $0xffff, v0  }
0x274: {  	s0 =	sadd.s32 $0x9000, s8;
	[tilespmem:s20+$0x0] =	vst.add.f32.msk $0xffff, v0  }
0x275: {  	s13 =	sor.u32 s11, s0;
	s0 =	sor.u32 s12, s0;
	[tilespmem:s23+$0x0] =	vst.add.f32.msk $0xffff, v0  }
0x276: {  	s21 =	sor.u32 $0x80, s0;
	[tilespmem:s0+$0x0] =	vst.add.f32.msk $0xffff, v1  }
0x277: {  	v0 =	vmov v2;
	[tilespmem:s21+$0x0] =	vst.add.f32.msk $0xffff, v1  }
0x278: {  	s22 =	sor.u32 $0x100, s0;
	[tilespmem:s13+$0x0] =	vst.add.f32.msk $0xffff, v0  }
0x279: {  	s14 =	sor.u32 $0x80, s13;
	[tilespmem:s22+$0x0] =	vst.add.f32.msk $0xffff, v1  }
0x27a: {  	s23 =	sor.u32 $0x180, s0;
	[tilespmem:s14+$0x0] =	vst.add.f32.msk $0xffff, v0  }
0x27b: {  	s2 =	sor.u32 $0x100, s13;
	[tilespmem:s23+$0x0] =	vst.add.f32.msk $0xffff, v1  }
0x27c: {  	s24 =	sor.u32 $0x200, s0;
	[tilespmem:s2+$0x0] =	vst.add.f32.msk $0xffff, v0  }
0x27d: {  	s18 =	sor.u32 $0x180, s13;
	[tilespmem:s24+$0x0] =	vst.add.f32.msk $0xffff, v1  }
0x27e: {  	s25 =	sor.u32 $0x280, s0;
	[tilespmem:s18+$0x0] =	vst.add.f32.msk $0xffff, v0  }
0x27f: {  	s15 =	sor.u32 $0x200, s13;
	[tilespmem:s25+$0x0] =	vst.add.f32.msk $0xffff, v1  }
0x280: {  	s26 =	sor.u32 $0x300, s0;
	[tilespmem:s15+$0x0] =	vst.add.f32.msk $0xffff, v0  }
0x281: {  	s21 =	sor.u32 $0x280, s13;
	[tilespmem:s26+$0x0] =	vst.add.f32.msk $0xffff, v1  }
0x282: {  	s0 =	sor.u32 $0x380, s0;
	[tilespmem:s21+$0x0] =	vst.add.f32.msk $0xffff, v0  }
0x283: {  	s4 =	sadd.s32 $0xA800, s8;
	s19 =	sor.u32 $0x300, s13;
	[tilespmem:s0+$0x0] =	vst.add.f32.msk $0xffff, v1  }
0x284: {  	s7 =	sor.u32 s11, s4;
	s4 =	sor.u32 s12, s4;
	[tilespmem:s19+$0x0] =	vst.add.f32.msk $0xffff, v0  }
0x285: {  	s28 =	sadd.s32 $0xA880, s8;
	s3 =	sor.u32 $0x380, s13;
	[tilespmem:s4+$0x0] =	vst.add.f32.msk $0xffff, v1  }
0x286: {  	s5 =	sadd.s32 $0xA900, s8;
	s1 =	sor.u32 s12, s28;
	[tilespmem:s3+$0x0] =	vst.add.f32.msk $0xffff, v0  }
0x287: {  	s29 =	sadd.s32 $0xA980, s8;
	s16 =	sor.u32 s11, s5;
	s5 =	sor.u32 s12, s5;
	[tilespmem:s1+$0x0] =	vst.add.f32.msk $0xffff, v1  }
0x288: {  	p0 =	slt.u32 s10, $0x2E;
	s6 =	sadd.s32 $0xAA00, s8;
	s4 =	sor.u32 s12, s29;
	[tilespmem:s5+$0x0] =	vst.add.f32.msk $0xffff, v1  }
.Ltmp8:
0x289: {  	s20 =	sadd.s32 $0xAA80, s8;
	s23 =	sor.u32 s12, s6;
	[tilespmem:s4+$0x0] =	vst.add.f32.msk $0xffff, v1;
	(pc) =	sbr.rel @p0 .LBB2_17-.Ltmp8, $4  }
0x28a: {  	s24 =	sadd.s32 $0xAB00, s8;
	s25 =	sor.u32 s12, s20;
	[tilespmem:s23+$0x0] =	vst.add.f32.msk $0xffff, v1  }
0x28b: {  	s26 =	sadd.s32 $0xAB80, s8;
	s0 =	sor.u32 s11, s28;
	s28 =	sor.u32 s12, s24;
	[tilespmem:s25+$0x0] =	vst.add.f32.msk $0xffff, v1  }
0x28c: {  	s17 =	sor.u32 s11, s20;
	s1 =	sor.u32 s11, s29;
	s29 =	sor.u32 s12, s26;
	[tilespmem:s28+$0x0] =	vst.add.f32.msk $0xffff, v1  }
0x28d: {  	s22 =	sor.u32 s11, s6;
	s20 =	sor.u32 s11, s24;
	s23 =	sor.u32 s11, s26;
	[tilespmem:s29+$0x0] =	vst.add.f32.msk $0xffff, v1  }
0x28e: {  	[tilespmem:s7+$0x0] =	vst.add.f32.msk $0xffff, v0  }
0x28f: {  	[tilespmem:s0+$0x0] =	vst.add.f32.msk $0xffff, v0  }
0x290: {  	[tilespmem:s16+$0x0] =	vst.add.f32.msk $0xffff, v0  }
0x291: {  	[tilespmem:s1+$0x0] =	vst.add.f32.msk $0xffff, v0  }
0x292: {  	[tilespmem:s22+$0x0] =	vst.add.f32.msk $0xffff, v0  }
0x293: {  	[tilespmem:s17+$0x0] =	vst.add.f32.msk $0xffff, v0  }
0x294: {  	[tilespmem:s20+$0x0] =	vst.add.f32.msk $0xffff, v0  }
0x295: {  	[tilespmem:s23+$0x0] =	vst.add.f32.msk $0xffff, v0  }
0x296: {  	s2 =	simm.s32 $0x9000;
	s1 =	simm.s32 $0xF;
	s0 =	rddreg [dreg:$0x16]  }
0x297: {  	[hbm4b:s0+s30] =	stream.linear.scatter [tilespmem:s2], [sflag:$0xF], $0x3000, $0x38;
	[tilespmem:$0x1EC00] =	vst v63  }
0x298: {  	_ =	swait.ge [sflag:s1], $0x3000  }
0x299: {  	s3 =	rddreg [dreg:$0x18]  }
0x29a: {  	s29 =	rddreg [dreg:$0x17];
	s3 =	sadd.s32 $0x1, s3  }
0x29b: {  	p0 =	sne.s32 s3, s29  }
.Ltmp9:
0x29c: {  	_ = 	snop;
	(pc) =	sbr.rel @p0 .LBB2_1-.Ltmp9, $3  }
0x29d: {  	_ =	sdelay $0x1  }
0x29e: {  	[sflag:s1] =	ssyncset.done $0x0  }
0x29f: {  	[sflag:s1] =	ssyncadd.s32 $0xFFFFD000  }
0x2a0: {  	_ =	sfence.sel $0x180000  }
0x2a1: {  	[bflag:$0x0] =	sbarrier.arrive $0xFFFF  }
0x2a2: {  	_ =	strace $0x90000047  }
0x2a3: {  	s0 =	stileid.u32;
	[bflag:$0x2] =	sbarrier.arrive $0xFFFF  }
0x2a4: {  	p0 =	sne.s32 s0, $0x0;
	s0 =	rddreg [dreg:$0x3]  }
0x2a5: {  	s0 =	sadd.s32 @!p0 $0x100000, s0  }
0x2a6: {  	[sflag:s0] =	ssyncadd.tile.s32 @!p0 $0x1;
	_ =	shalt  }
.Lfunc_end2:
_tile_overlayer_lowered:
.L_overlay_start_2:
0x2a7: {  	(tag) =	ssettag $0x2  }
0x2a8: {  	s0 =	rddreg [dreg:$0x0];
	s2 =	stileid.u32  }
0x2a9: {  	s1 =	rddreg [dreg:$0x1];
	p0 =	sne.s32 s2, $0x0  }
0x2aa: {  	s3 =	rddreg [dreg:$0x2];
	[bflag:$0x3] =	sbarrier.arrive $0xFFFF;
	s2 =	simm.s32 @!p0 $0x1C0F  }
0x2ab: {  	[timem:s3], [sflag:s2] =	dma.local @!p0 [hbm:s0], s1  }
0x2ac: {  	s0 =	simm.s32 @!p0 $0xF  }
0x2ad: {  	_ =	swait.ge @!p0 [sflag:s0], s1  }
0x2ae: {  	s1 =	ssub.s32 @!p0 $0x0, s1;
	[sflag:s0] =	ssyncset.done @!p0 $0x0  }
0x2af: {  	[sflag:s0] =	ssyncadd.s32 @!p0 s1  }
0x2b0: {  	[bflag:$0x3] =	sbarrier.arrive $0xFFFF  }
0x2b1: {  	_ =	shalt  }

</sc_bundles>
